<compile_context>
chip_gen: v7x
topology: tpu7x:2x2x1
jax: 0.10.2.dev20260603
libtpu: 0.0.44.dev20260713+nightly
codegen_flags: <defaults>
</compile_context>

<pallas_src>
import jax
import jax.numpy as jnp
from jax import lax
from jax.experimental import pallas as pl
from jax.experimental.pallas import tpu as pltpu
from jax.experimental.pallas import tpu_sc as plsc

N_NODES = 10000
N_EDGES = 320000
D_IN = 128
D_HID = 128
D_HID2 = 64
DH = 64

NC = 2
NS = 16
NW = NC * NS

EPW = N_EDGES // NW
CH = 80
NCHUNK = EPW // CH
RPS = N_NODES // NS
ZR = 125


def _zero_fill(zbuf, rows, width):
  z16 = jnp.zeros((16,), jnp.float32)

  def body(i, carry):
    for j in range(width // 16):
      zbuf[i, pl.ds(j * 16, 16)] = z16
    return carry

  lax.fori_loop(0, rows, body, 0)


def _writeback(acc_sh, out_hbm, c, s):
  @pl.when(s < 10)
  def _():
    pltpu.sync_copy(acc_sh.at[pl.ds(s * 1000, 1000)],
                    out_hbm.at[c, pl.ds(s * 1000, 1000)])


def _deg_body(dst_hbm, zeros_hbm, ones_hbm, out_hbm, dbuf, ones_v, acc_sh,
              dsem):
  c = lax.axis_index("c")
  s = lax.axis_index("s")
  wid = s * NC + c

  pltpu.sync_copy(ones_hbm, ones_v)
  @pl.when(s < 10)
  def _():
    pltpu.sync_copy(zeros_hbm.at[pl.ds(s * 1000, 1000)],
                    acc_sh.at[pl.ds(s * 1000, 1000)])
  plsc.subcore_barrier()

  pltpu.sync_copy(dst_hbm.at[wid], dbuf)

  def chunk(i, carry):
    pltpu.sync_copy(ones_v, acc_sh.at[dbuf.at[i]], add=True)
    return carry

  lax.fori_loop(0, NCHUNK, chunk, 0)
  plsc.subcore_barrier()
  _writeback(acc_sh, out_hbm, c, s)


def _deg_kernel():
  mesh = plsc.VectorSubcoreMesh(core_axis_name="c", subcore_axis_name="s")
  return pl.kernel(
      _deg_body,
      compiler_params=pltpu.CompilerParams(use_tc_tiling_on_sc=False),
      out_type=jax.ShapeDtypeStruct((NC, N_NODES, 1), jnp.float32),
      mesh=mesh,
      scratch_types=[
          pltpu.VMEM((NCHUNK, CH), jnp.int32),
          pltpu.VMEM((CH, 1), jnp.float32),
          pltpu.VMEM_SHARED((N_NODES, 1), jnp.float32),
          pltpu.SemaphoreType.DMA,
      ],
  )


def _agg_pass(h_hbm, out_hbm, sbuf, dbuf, rows, zbuf, acc_sh, gs, ss, c, s):
  for k in range(RPS // ZR):
    pltpu.sync_copy(zbuf, acc_sh.at[pl.ds(s * RPS + k * ZR, ZR)])
  plsc.subcore_barrier()

  def g_start(r, i):
    pltpu.async_copy(h_hbm.at[sbuf.at[i]], rows[r], gs[r])

  def g_wait(r):
    pltpu.make_async_copy(h_hbm.at[pl.ds(0, CH)], rows[r], gs[r]).wait()

  def s_start(r, i):
    pltpu.async_copy(rows[r], acc_sh.at[dbuf.at[i]], ss[r], add=True)

  def s_wait(r):
    pltpu.make_async_copy(rows[r], acc_sh.at[pl.ds(0, CH)], ss[r]).wait()

  def step(r, i):
    g_wait(r)
    s_start(r, i)
    s_wait((r + 2) % 3)
    g_start((r + 2) % 3, i + 2)

  g_start(0, 0)
  g_start(1, 1)
  pltpu.async_copy(zbuf.at[pl.ds(0, CH)], acc_sh.at[dbuf.at[0]], ss[2],
                   add=True)

  def body(k, carry):
    i = 3 * k
    step(0, i)
    step(1, i + 1)
    step(2, i + 2)
    return carry

  lax.fori_loop(0, (NCHUNK - 2) // 3, body, 0)
  g_wait(0)
  s_start(0, NCHUNK - 2)
  s_wait(2)
  g_wait(1)
  s_start(1, NCHUNK - 1)
  s_wait(0)
  s_wait(1)
  plsc.subcore_barrier()
  _writeback(acc_sh, out_hbm, c, s)
  plsc.subcore_barrier()


def _make_agg_kernel(nhalves):

  def body(*refs):
    h_hbms = refs[:nhalves]
    src_hbm = refs[nhalves]
    dst_hbm = refs[nhalves + 1]
    out_hbms = refs[nhalves + 2:2 * nhalves + 2]
    (sbuf, dbuf, rows_0, rows_1, rows_2, zbuf, acc_sh,
     gs0, gs1, gs2, ss0, ss1, ss2) = refs[2 * nhalves + 2:]

    c = lax.axis_index("c")
    s = lax.axis_index("s")
    wid = s * NC + c

    _zero_fill(zbuf, ZR, DH)
    pltpu.sync_copy(src_hbm.at[wid], sbuf)
    pltpu.sync_copy(dst_hbm.at[wid], dbuf)

    for h_hbm, out_hbm in zip(h_hbms, out_hbms):
      _agg_pass(h_hbm, out_hbm, sbuf, dbuf, (rows_0, rows_1, rows_2), zbuf,
                acc_sh, (gs0, gs1, gs2), (ss0, ss1, ss2), c, s)

  mesh = plsc.VectorSubcoreMesh(core_axis_name="c", subcore_axis_name="s")
  return pl.kernel(
      body,
      compiler_params=pltpu.CompilerParams(use_tc_tiling_on_sc=False),
      out_type=[jax.ShapeDtypeStruct((NC, N_NODES, DH), jnp.float32)
                for _ in range(nhalves)],
      mesh=mesh,
      scratch_types=[
          pltpu.VMEM((NCHUNK, CH), jnp.int32),
          pltpu.VMEM((NCHUNK, CH), jnp.int32),
          pltpu.VMEM((CH, DH), jnp.float32),
          pltpu.VMEM((CH, DH), jnp.float32),
          pltpu.VMEM((CH, DH), jnp.float32),
          pltpu.VMEM((ZR, DH), jnp.float32),
          pltpu.VMEM_SHARED((N_NODES, DH), jnp.float32),
          pltpu.SemaphoreType.DMA,
          pltpu.SemaphoreType.DMA,
          pltpu.SemaphoreType.DMA,
          pltpu.SemaphoreType.DMA,
          pltpu.SemaphoreType.DMA,
          pltpu.SemaphoreType.DMA,
      ],
  )


BM = 2000


def _tc1_body(x_ref, w_ref, da_ref, db_ref, hlo_ref, hhi_ref, dinv_ref):
  deg = da_ref[...] + db_ref[...] + 1.0
  dinv = lax.rsqrt(deg)
  h = dinv * jnp.dot(x_ref[...], w_ref[...],
                     preferred_element_type=jnp.float32)
  hlo_ref[...] = h[:, :DH]
  hhi_ref[...] = h[:, DH:]
  dinv_ref[...] = dinv


def _tc2_body(alo_ref, ahi_ref, hlo_ref, hhi_ref, dinv_ref, b1_ref, w2_ref,
              out_ref):
  dinv = dinv_ref[...]
  zlo = (alo_ref[0] + alo_ref[1] + hlo_ref[...]) * dinv + b1_ref[:, :DH]
  zhi = (ahi_ref[0] + ahi_ref[1] + hhi_ref[...]) * dinv + b1_ref[:, DH:]
  r = jnp.concatenate([jnp.maximum(zlo, 0.0), jnp.maximum(zhi, 0.0)], axis=1)
  out_ref[...] = dinv * jnp.dot(r, w2_ref[...],
                                preferred_element_type=jnp.float32)


def _tc3_body(agg_ref, h2p_ref, dinv_ref, b2_ref, wfct_ref, bfc_ref, out_ref):
  dinv = dinv_ref[...]
  z = (agg_ref[0] + agg_ref[1] + h2p_ref[...]) * dinv + b2_ref[...]
  r = jnp.maximum(z, 0.0)
  l0 = jnp.sum(r * wfct_ref[0:1, :], axis=1, keepdims=True) + bfc_ref[:, 0:1]
  l1 = jnp.sum(r * wfct_ref[1:2, :], axis=1, keepdims=True) + bfc_ref[:, 1:2]
  m = jnp.maximum(l0, l1)
  lse = m + jnp.log(jnp.exp(l0 - m) + jnp.exp(l1 - m))
  out_ref[...] = jnp.concatenate([l0 - lse, l1 - lse], axis=1)


def _tc1(x, w1, dega, degb):
  grid = (N_NODES // BM,)
  return pl.pallas_call(
      _tc1_body,
      grid=grid,
      in_specs=[
          pl.BlockSpec((BM, D_IN), lambda i: (i, 0)),
          pl.BlockSpec((D_IN, D_HID), lambda i: (0, 0)),
          pl.BlockSpec((BM, 1), lambda i: (i, 0)),
          pl.BlockSpec((BM, 1), lambda i: (i, 0)),
      ],
      out_specs=[
          pl.BlockSpec((BM, DH), lambda i: (i, 0)),
          pl.BlockSpec((BM, DH), lambda i: (i, 0)),
          pl.BlockSpec((BM, 1), lambda i: (i, 0)),
      ],
      out_shape=[
          jax.ShapeDtypeStruct((N_NODES, DH), jnp.float32),
          jax.ShapeDtypeStruct((N_NODES, DH), jnp.float32),
          jax.ShapeDtypeStruct((N_NODES, 1), jnp.float32),
      ],
  )(x, w1, dega, degb)


def _tc2(alo, ahi, hlo, hhi, dinv, b1, w2):
  grid = (N_NODES // BM,)
  return pl.pallas_call(
      _tc2_body,
      grid=grid,
      in_specs=[
          pl.BlockSpec((NC, BM, DH), lambda i: (0, i, 0)),
          pl.BlockSpec((NC, BM, DH), lambda i: (0, i, 0)),
          pl.BlockSpec((BM, DH), lambda i: (i, 0)),
          pl.BlockSpec((BM, DH), lambda i: (i, 0)),
          pl.BlockSpec((BM, 1), lambda i: (i, 0)),
          pl.BlockSpec((1, D_HID), lambda i: (0, 0)),
          pl.BlockSpec((D_HID, D_HID2), lambda i: (0, 0)),
      ],
      out_specs=pl.BlockSpec((BM, D_HID2), lambda i: (i, 0)),
      out_shape=jax.ShapeDtypeStruct((N_NODES, D_HID2), jnp.float32),
  )(alo, ahi, hlo, hhi, dinv, b1, w2)


def _tc3(agg, h2p, dinv, b2, wfct, bfc2):
  grid = (N_NODES // BM,)
  return pl.pallas_call(
      _tc3_body,
      grid=grid,
      in_specs=[
          pl.BlockSpec((NC, BM, D_HID2), lambda i: (0, i, 0)),
          pl.BlockSpec((BM, D_HID2), lambda i: (i, 0)),
          pl.BlockSpec((BM, 1), lambda i: (i, 0)),
          pl.BlockSpec((1, D_HID2), lambda i: (0, 0)),
          pl.BlockSpec((2, D_HID2), lambda i: (0, 0)),
          pl.BlockSpec((1, 2), lambda i: (0, 0)),
      ],
      out_specs=pl.BlockSpec((BM, 2), lambda i: (i, 0)),
      out_shape=jax.ShapeDtypeStruct((N_NODES, 2), jnp.float32),
  )(agg, h2p, dinv, b2, wfct, bfc2)


def kernel(x, edge_index, W1, b1, W2, b2, Wfc, bfc):
  ei = edge_index.astype(jnp.int32)
  src = ei[0].reshape(NW, NCHUNK, CH)
  dst = ei[1].reshape(NW, NCHUNK, CH)

  zeros_n1 = jnp.zeros((N_NODES, 1), jnp.float32)
  ones_ch1 = jnp.ones((CH, 1), jnp.float32)
  deg2 = _deg_kernel()(dst, zeros_n1, ones_ch1)

  hlo, hhi, dinv = _tc1(x, W1, deg2[0], deg2[1])
  alo, ahi = _make_agg_kernel(2)(hlo, hhi, src, dst)
  h2p = _tc2(alo, ahi, hlo, hhi, dinv, b1.reshape(1, D_HID), W2)
  (agg2,) = _make_agg_kernel(1)(h2p, src, dst)
  out = _tc3(agg2, h2p, dinv, b2.reshape(1, D_HID2), Wfc.T,
             bfc.reshape(1, 2))
  return out

# --- scband reference (transcript-rebuilt; emitter-appended) ---
"""Pipeline reference for scband-gcnfraud-detector-63685775065301 (READ-ONLY COPY).

The authoritative reference and input builder live on the scoring server;
editing this copy changes nothing except your own understanding.
"""

import jax, jax.numpy as jnp
import numpy as np

N_NODES = 10000
N_EDGES = 320000
D_IN = 128
D_HID = 128
D_HID2 = 64
N_CLASSES = 2


def setup_inputs(seed: int = 0) -> dict:
    key = jax.random.key(seed)
    ks = jax.random.split(key, 8)
    x = jax.random.normal(ks[0], (N_NODES, D_IN), dtype=jnp.float32)
    edge_index = jax.random.randint(ks[1], (2, N_EDGES), 0, N_NODES, dtype=jnp.int64)
    # GCNConv weights (glorot-ish scaling)
    W1 = jax.random.normal(ks[2], (D_IN, D_HID), dtype=jnp.float32) * (1.0 / np.sqrt(D_IN))
    b1 = jnp.zeros((D_HID,), dtype=jnp.float32)
    W2 = jax.random.normal(ks[3], (D_HID, D_HID2), dtype=jnp.float32) * (1.0 / np.sqrt(D_HID))
    b2 = jnp.zeros((D_HID2,), dtype=jnp.float32)
    Wfc = jax.random.normal(ks[4], (D_HID2, N_CLASSES), dtype=jnp.float32) * (1.0 / np.sqrt(D_HID2))
    bfc = jnp.zeros((N_CLASSES,), dtype=jnp.float32)
    return {"x": x, "edge_index": edge_index, "W1": W1, "b1": b1, "W2": W2, "b2": b2, "Wfc": Wfc, "bfc": bfc}


def gcn_conv(x, edge_index, W, b):
    n = x.shape[0]
    # add self-loops
    loop = jnp.arange(n, dtype=edge_index.dtype)
    src = jnp.concatenate([edge_index[0], loop])
    dst = jnp.concatenate([edge_index[1], loop])
    # symmetric degree normalization D^{-1/2} (A+I) D^{-1/2}
    deg = jnp.zeros((n,), dtype=x.dtype).at[dst].add(1.0)
    deg_inv_sqrt = jnp.where(deg > 0, jax.lax.rsqrt(deg), 0.0)
    norm = deg_inv_sqrt[src] * deg_inv_sqrt[dst]
    h = x @ W
    msg = h[src] * norm[:, None]
    out = jnp.zeros((n, W.shape[1]), dtype=x.dtype).at[dst].add(msg)
    return out + b


def reference(x, edge_index, W1, b1, W2, b2, Wfc, bfc):
    # eval mode: dropout is identity
    h = gcn_conv(x, edge_index, W1, b1)
    h = jax.nn.relu(h)
    h = gcn_conv(h, edge_index, W2, b2)
    h = jax.nn.relu(h)
    logits = h @ Wfc + bfc
    return jax.nn.log_softmax(logits, axis=1)

if __name__ == "__main__":
    import jax
    _d = setup_inputs()
    print(jax.jit(kernel)(*tuple(_d.values())))

</pallas_src>

<mosaic_0001>
#map = affine_map<(d0, d1) -> (0, 0)>
#map1 = affine_map<(d0, d1) -> (0, 0, 0)>
module attributes {stable_mosaic.version = 14 : i64} {
  func.func @body(%arg0: i32, %arg1: i32, %arg2: memref<10000x64xf32, #tpu.memory_space<hbm>>, %arg3: memref<32x125x80xi32, #tpu.memory_space<hbm>>, %arg4: memref<32x125x80xi32, #tpu.memory_space<hbm>>, %arg5: memref<2x10000x64xf32, #tpu.memory_space<hbm>>, %arg6: memref<125x80xi32, #tpu.memory_space<vmem>>, %arg7: memref<125x80xi32, #tpu.memory_space<vmem>>, %arg8: memref<80x64xf32, #tpu.memory_space<vmem>>, %arg9: memref<80x64xf32, #tpu.memory_space<vmem>>, %arg10: memref<80x64xf32, #tpu.memory_space<vmem>>, %arg11: memref<125x64xf32, #tpu.memory_space<vmem>>, %arg12: memref<10000x64xf32, #tpu.memory_space<vmem_shared>>, %arg13: memref<!tpu.dma_semaphore, #tpu.memory_space<semaphore_mem>>, %arg14: memref<!tpu.dma_semaphore, #tpu.memory_space<semaphore_mem>>, %arg15: memref<!tpu.dma_semaphore, #tpu.memory_space<semaphore_mem>>, %arg16: memref<!tpu.dma_semaphore, #tpu.memory_space<semaphore_mem>>, %arg17: memref<!tpu.dma_semaphore, #tpu.memory_space<semaphore_mem>>, %arg18: memref<!tpu.dma_semaphore, #tpu.memory_space<semaphore_mem>>) attributes {dimension_semantics = [#tpu.dimension_semantics<core_parallel>, #tpu.dimension_semantics<subcore_parallel>], iteration_bounds = array<i64: 2, 16>, scalar_prefetch = 0 : i64, scratch_operands = 13 : i64, tpu.core_type = #tpu.core_type<sc_vector_subcore>, window_params = [{transform_indices = #map}, {transform_indices = #map1}, {transform_indices = #map1}, {transform_indices = #map1}]} {
    %mul3A = arith.constant 2 : i32
    %mul3A_0 = arith.muli %arg1, %mul3A : i32
    %add3A = arith.addi %mul3A_0, %arg0 : i32
    %broadcast_in_dim3A = arith.constant 0.000000e+00 : f32
    %broadcast_in_dim3A_1 = vector.broadcast %broadcast_in_dim3A : f32 to vector<16xf32>
    %scan3A = arith.constant 0 : i32
    %scan3A_2 = arith.constant 0 : i32
    %scan3A_3 = arith.constant 125 : i32
    %scan3A_4 = arith.addi %scan3A_2, %scan3A_3 : i32
    %scan3A_5 = arith.constant 1 : i32
    scf.for %scan3A_103 = %scan3A_2 to %scan3A_4 step %scan3A_5  : i32 {
      %swap3A = arith.index_cast %scan3A_103 : i32 to index
      %swap3A_104 = arith.constant 0 : index
      %swap3A_105 = tpu.vector_load %arg11[%swap3A, %swap3A_104] {strides = array<i32>} : memref<125x64xf32, #tpu.memory_space<vmem>>, vector<1x16xf32>,
      %swap3A_106 = vector.shape_cast %swap3A_105 : vector<1x16xf32> to vector<16xf32>
      %swap3A_107 = vector.shape_cast %broadcast_in_dim3A_1 : vector<16xf32> to vector<1x16xf32>
      tpu.vector_store %arg11[%swap3A, %swap3A_104], %swap3A_107 {strides = array<i32>} : memref<125x64xf32, #tpu.memory_space<vmem>>, vector<1x16xf32>,
      %swap3A_108 = arith.index_cast %scan3A_103 : i32 to index
      %swap3A_109 = arith.constant 16 : index
      %swap3A_110 = tpu.vector_load %arg11[%swap3A_108, %swap3A_109] {strides = array<i32>} : memref<125x64xf32, #tpu.memory_space<vmem>>, vector<1x16xf32>,
      %swap3A_111 = vector.shape_cast %swap3A_110 : vector<1x16xf32> to vector<16xf32>
      %swap3A_112 = vector.shape_cast %broadcast_in_dim3A_1 : vector<16xf32> to vector<1x16xf32>
      tpu.vector_store %arg11[%swap3A_108, %swap3A_109], %swap3A_112 {strides = array<i32>} : memref<125x64xf32, #tpu.memory_space<vmem>>, vector<1x16xf32>,
      %swap3A_113 = arith.index_cast %scan3A_103 : i32 to index
      %swap3A_114 = arith.constant 32 : index
      %swap3A_115 = tpu.vector_load %arg11[%swap3A_113, %swap3A_114] {strides = array<i32>} : memref<125x64xf32, #tpu.memory_space<vmem>>, vector<1x16xf32>,
      %swap3A_116 = vector.shape_cast %swap3A_115 : vector<1x16xf32> to vector<16xf32>
      %swap3A_117 = vector.shape_cast %broadcast_in_dim3A_1 : vector<16xf32> to vector<1x16xf32>
      tpu.vector_store %arg11[%swap3A_113, %swap3A_114], %swap3A_117 {strides = array<i32>} : memref<125x64xf32, #tpu.memory_space<vmem>>, vector<1x16xf32>,
      %swap3A_118 = arith.index_cast %scan3A_103 : i32 to index
      %swap3A_119 = arith.constant 48 : index
      %swap3A_120 = tpu.vector_load %arg11[%swap3A_118, %swap3A_119] {strides = array<i32>} : memref<125x64xf32, #tpu.memory_space<vmem>>, vector<1x16xf32>,
      %swap3A_121 = vector.shape_cast %swap3A_120 : vector<1x16xf32> to vector<16xf32>
      %swap3A_122 = vector.shape_cast %broadcast_in_dim3A_1 : vector<16xf32> to vector<1x16xf32>
      tpu.vector_store %arg11[%swap3A_118, %swap3A_119], %swap3A_122 {strides = array<i32>} : memref<125x64xf32, #tpu.memory_space<vmem>>, vector<1x16xf32>,
    }
    %scan3A_6 = arith.constant 125 : i32
    "tpu.region"() ({
      %run_scoped3A = tpu.sem_alloc : memref<!tpu.dma_semaphore, #tpu.memory_space<semaphore_mem>>
      %dma_start3A_103 = arith.constant 0 : i32
      %dma_start3A_104 = arith.constant 0 : i32
      %dma_start3A_105 = tpu.memref_slice %arg3[%add3A, %dma_start3A_103, %dma_start3A_104] : memref<32x125x80xi32, #tpu.memory_space<hbm>> -> memref<1x125x80xi32, #tpu.memory_space<hbm>>
      %dma_start3A_106 = tpu.memref_squeeze %dma_start3A_105 : memref<1x125x80xi32, #tpu.memory_space<hbm>> -> memref<125x80xi32, #tpu.memory_space<hbm>>
      %dma_start3A_107 = arith.constant 0 : i32
      %dma_start3A_108 = arith.constant 0 : i32
      %dma_start3A_109 = tpu.memref_slice %arg3[%add3A, %dma_start3A_107, %dma_start3A_108] : memref<32x125x80xi32, #tpu.memory_space<hbm>> -> memref<1x125x80xi32, #tpu.memory_space<hbm>>
      %dma_start3A_110 = tpu.memref_squeeze %dma_start3A_109 : memref<1x125x80xi32, #tpu.memory_space<hbm>> -> memref<125x80xi32, #tpu.memory_space<hbm>>
      tpu.enqueue_dma source(%dma_start3A_110 : memref<125x80xi32, #tpu.memory_space<hbm>>) target(%arg6 : memref<125x80xi32, #tpu.memory_space<vmem>>) target_semaphore(%run_scoped3A : memref<!tpu.dma_semaphore, #tpu.memory_space<semaphore_mem>>)
      %dma_wait3A_111 = arith.constant 0 : i32
      %dma_wait3A_112 = arith.constant 0 : i32
      %dma_wait3A_113 = tpu.memref_slice %arg3[%add3A, %dma_wait3A_111, %dma_wait3A_112] : memref<32x125x80xi32, #tpu.memory_space<hbm>> -> memref<1x125x80xi32, #tpu.memory_space<hbm>>
      %dma_wait3A_114 = tpu.memref_squeeze %dma_wait3A_113 : memref<1x125x80xi32, #tpu.memory_space<hbm>> -> memref<125x80xi32, #tpu.memory_space<hbm>>
      %dma_wait3A_115 = arith.constant 0 : i32
      %dma_wait3A_116 = arith.constant 0 : i32
      %dma_wait3A_117 = tpu.memref_slice %arg3[%add3A, %dma_wait3A_115, %dma_wait3A_116] : memref<32x125x80xi32, #tpu.memory_space<hbm>> -> memref<1x125x80xi32, #tpu.memory_space<hbm>>
      %dma_wait3A_118 = tpu.memref_squeeze %dma_wait3A_117 : memref<1x125x80xi32, #tpu.memory_space<hbm>> -> memref<125x80xi32, #tpu.memory_space<hbm>>
      tpu.wait_dma2 semaphore(%run_scoped3A : memref<!tpu.dma_semaphore, #tpu.memory_space<semaphore_mem>>) src(%dma_wait3A_118 : memref<125x80xi32, #tpu.memory_space<hbm>>) dst(%arg6 : memref<125x80xi32, #tpu.memory_space<vmem>>)
      tpu.yield
    }) : () -> ()
    "tpu.region"() ({
      %run_scoped3A = tpu.sem_alloc : memref<!tpu.dma_semaphore, #tpu.memory_space<semaphore_mem>>
      %dma_start3A_103 = arith.constant 0 : i32
      %dma_start3A_104 = arith.constant 0 : i32
      %dma_start3A_105 = tpu.memref_slice %arg4[%add3A, %dma_start3A_103, %dma_start3A_104] : memref<32x125x80xi32, #tpu.memory_space<hbm>> -> memref<1x125x80xi32, #tpu.memory_space<hbm>>
      %dma_start3A_106 = tpu.memref_squeeze %dma_start3A_105 : memref<1x125x80xi32, #tpu.memory_space<hbm>> -> memref<125x80xi32, #tpu.memory_space<hbm>>
      %dma_start3A_107 = arith.constant 0 : i32
      %dma_start3A_108 = arith.constant 0 : i32
      %dma_start3A_109 = tpu.memref_slice %arg4[%add3A, %dma_start3A_107, %dma_start3A_108] : memref<32x125x80xi32, #tpu.memory_space<hbm>> -> memref<1x125x80xi32, #tpu.memory_space<hbm>>
      %dma_start3A_110 = tpu.memref_squeeze %dma_start3A_109 : memref<1x125x80xi32, #tpu.memory_space<hbm>> -> memref<125x80xi32, #tpu.memory_space<hbm>>
      tpu.enqueue_dma source(%dma_start3A_110 : memref<125x80xi32, #tpu.memory_space<hbm>>) target(%arg7 : memref<125x80xi32, #tpu.memory_space<vmem>>) target_semaphore(%run_scoped3A : memref<!tpu.dma_semaphore, #tpu.memory_space<semaphore_mem>>)
      %dma_wait3A_111 = arith.constant 0 : i32
      %dma_wait3A_112 = arith.constant 0 : i32
      %dma_wait3A_113 = tpu.memref_slice %arg4[%add3A, %dma_wait3A_111, %dma_wait3A_112] : memref<32x125x80xi32, #tpu.memory_space<hbm>> -> memref<1x125x80xi32, #tpu.memory_space<hbm>>
      %dma_wait3A_114 = tpu.memref_squeeze %dma_wait3A_113 : memref<1x125x80xi32, #tpu.memory_space<hbm>> -> memref<125x80xi32, #tpu.memory_space<hbm>>
      %dma_wait3A_115 = arith.constant 0 : i32
      %dma_wait3A_116 = arith.constant 0 : i32
      %dma_wait3A_117 = tpu.memref_slice %arg4[%add3A, %dma_wait3A_115, %dma_wait3A_116] : memref<32x125x80xi32, #tpu.memory_space<hbm>> -> memref<1x125x80xi32, #tpu.memory_space<hbm>>
      %dma_wait3A_118 = tpu.memref_squeeze %dma_wait3A_117 : memref<1x125x80xi32, #tpu.memory_space<hbm>> -> memref<125x80xi32, #tpu.memory_space<hbm>>
      tpu.wait_dma2 semaphore(%run_scoped3A : memref<!tpu.dma_semaphore, #tpu.memory_space<semaphore_mem>>) src(%dma_wait3A_118 : memref<125x80xi32, #tpu.memory_space<hbm>>) dst(%arg7 : memref<125x80xi32, #tpu.memory_space<vmem>>)
      tpu.yield
    }) : () -> ()
    %mul3A_7 = arith.constant 625 : i32
    %mul3A_8 = arith.muli %arg1, %mul3A_7 : i32
    %add3A_9 = arith.constant 0 : i32
    %add3A_10 = arith.addi %mul3A_8, %add3A_9 : i32
    "tpu.region"() ({
      %run_scoped3A = tpu.sem_alloc : memref<!tpu.dma_semaphore, #tpu.memory_space<semaphore_mem>>
      %dma_start3A_103 = arith.constant 0 : i32
      %dma_start3A_104 = tpu.memref_slice %arg12[%add3A_10, %dma_start3A_103] : memref<10000x64xf32, #tpu.memory_space<vmem_shared>> -> memref<125x64xf32, #tpu.memory_space<vmem_shared>>
      %dma_start3A_105 = arith.constant 0 : i32
      %dma_start3A_106 = tpu.memref_slice %arg12[%add3A_10, %dma_start3A_105] : memref<10000x64xf32, #tpu.memory_space<vmem_shared>> -> memref<125x64xf32, #tpu.memory_space<vmem_shared>>
      tpu.enqueue_dma source(%arg11 : memref<125x64xf32, #tpu.memory_space<vmem>>) target(%dma_start3A_106 : memref<125x64xf32, #tpu.memory_space<vmem_shared>>) target_semaphore(%run_scoped3A : memref<!tpu.dma_semaphore, #tpu.memory_space<semaphore_mem>>)
      %dma_wait3A_107 = arith.constant 0 : i32
      %dma_wait3A_108 = tpu.memref_slice %arg12[%add3A_10, %dma_wait3A_107] : memref<10000x64xf32, #tpu.memory_space<vmem_shared>> -> memref<125x64xf32, #tpu.memory_space<vmem_shared>>
      %dma_wait3A_109 = arith.constant 0 : i32
      %dma_wait3A_110 = tpu.memref_slice %arg12[%add3A_10, %dma_wait3A_109] : memref<10000x64xf32, #tpu.memory_space<vmem_shared>> -> memref<125x64xf32, #tpu.memory_space<vmem_shared>>
      tpu.wait_dma2 semaphore(%run_scoped3A : memref<!tpu.dma_semaphore, #tpu.memory_space<semaphore_mem>>) src(%arg11 : memref<125x64xf32, #tpu.memory_space<vmem>>) dst(%dma_wait3A_110 : memref<125x64xf32, #tpu.memory_space<vmem_shared>>)
      tpu.yield
    }) : () -> ()
    %mul3A_11 = arith.constant 625 : i32
    %mul3A_12 = arith.muli %arg1, %mul3A_11 : i32
    %add3A_13 = arith.constant 125 : i32
    %add3A_14 = arith.addi %mul3A_12, %add3A_13 : i32
    "tpu.region"() ({
      %run_scoped3A = tpu.sem_alloc : memref<!tpu.dma_semaphore, #tpu.memory_space<semaphore_mem>>
      %dma_start3A_103 = arith.constant 0 : i32
      %dma_start3A_104 = tpu.memref_slice %arg12[%add3A_14, %dma_start3A_103] : memref<10000x64xf32, #tpu.memory_space<vmem_shared>> -> memref<125x64xf32, #tpu.memory_space<vmem_shared>>
      %dma_start3A_105 = arith.constant 0 : i32
      %dma_start3A_106 = tpu.memref_slice %arg12[%add3A_14, %dma_start3A_105] : memref<10000x64xf32, #tpu.memory_space<vmem_shared>> -> memref<125x64xf32, #tpu.memory_space<vmem_shared>>
      tpu.enqueue_dma source(%arg11 : memref<125x64xf32, #tpu.memory_space<vmem>>) target(%dma_start3A_106 : memref<125x64xf32, #tpu.memory_space<vmem_shared>>) target_semaphore(%run_scoped3A : memref<!tpu.dma_semaphore, #tpu.memory_space<semaphore_mem>>)
      %dma_wait3A_107 = arith.constant 0 : i32
      %dma_wait3A_108 = tpu.memref_slice %arg12[%add3A_14, %dma_wait3A_107] : memref<10000x64xf32, #tpu.memory_space<vmem_shared>> -> memref<125x64xf32, #tpu.memory_space<vmem_shared>>
      %dma_wait3A_109 = arith.constant 0 : i32
      %dma_wait3A_110 = tpu.memref_slice %arg12[%add3A_14, %dma_wait3A_109] : memref<10000x64xf32, #tpu.memory_space<vmem_shared>> -> memref<125x64xf32, #tpu.memory_space<vmem_shared>>
      tpu.wait_dma2 semaphore(%run_scoped3A : memref<!tpu.dma_semaphore, #tpu.memory_space<semaphore_mem>>) src(%arg11 : memref<125x64xf32, #tpu.memory_space<vmem>>) dst(%dma_wait3A_110 : memref<125x64xf32, #tpu.memory_space<vmem_shared>>)
      tpu.yield
    }) : () -> ()
    %mul3A_15 = arith.constant 625 : i32
    %mul3A_16 = arith.muli %arg1, %mul3A_15 : i32
    %add3A_17 = arith.constant 250 : i32
    %add3A_18 = arith.addi %mul3A_16, %add3A_17 : i32
    "tpu.region"() ({
      %run_scoped3A = tpu.sem_alloc : memref<!tpu.dma_semaphore, #tpu.memory_space<semaphore_mem>>
      %dma_start3A_103 = arith.constant 0 : i32
      %dma_start3A_104 = tpu.memref_slice %arg12[%add3A_18, %dma_start3A_103] : memref<10000x64xf32, #tpu.memory_space<vmem_shared>> -> memref<125x64xf32, #tpu.memory_space<vmem_shared>>
      %dma_start3A_105 = arith.constant 0 : i32
      %dma_start3A_106 = tpu.memref_slice %arg12[%add3A_18, %dma_start3A_105] : memref<10000x64xf32, #tpu.memory_space<vmem_shared>> -> memref<125x64xf32, #tpu.memory_space<vmem_shared>>
      tpu.enqueue_dma source(%arg11 : memref<125x64xf32, #tpu.memory_space<vmem>>) target(%dma_start3A_106 : memref<125x64xf32, #tpu.memory_space<vmem_shared>>) target_semaphore(%run_scoped3A : memref<!tpu.dma_semaphore, #tpu.memory_space<semaphore_mem>>)
      %dma_wait3A_107 = arith.constant 0 : i32
      %dma_wait3A_108 = tpu.memref_slice %arg12[%add3A_18, %dma_wait3A_107] : memref<10000x64xf32, #tpu.memory_space<vmem_shared>> -> memref<125x64xf32, #tpu.memory_space<vmem_shared>>
      %dma_wait3A_109 = arith.constant 0 : i32
      %dma_wait3A_110 = tpu.memref_slice %arg12[%add3A_18, %dma_wait3A_109] : memref<10000x64xf32, #tpu.memory_space<vmem_shared>> -> memref<125x64xf32, #tpu.memory_space<vmem_shared>>
      tpu.wait_dma2 semaphore(%run_scoped3A : memref<!tpu.dma_semaphore, #tpu.memory_space<semaphore_mem>>) src(%arg11 : memref<125x64xf32, #tpu.memory_space<vmem>>) dst(%dma_wait3A_110 : memref<125x64xf32, #tpu.memory_space<vmem_shared>>)
      tpu.yield
    }) : () -> ()
    %mul3A_19 = arith.constant 625 : i32
    %mul3A_20 = arith.muli %arg1, %mul3A_19 : i32
    %add3A_21 = arith.constant 375 : i32
    %add3A_22 = arith.addi %mul3A_20, %add3A_21 : i32
    "tpu.region"() ({
      %run_scoped3A = tpu.sem_alloc : memref<!tpu.dma_semaphore, #tpu.memory_space<semaphore_mem>>
      %dma_start3A_103 = arith.constant 0 : i32
      %dma_start3A_104 = tpu.memref_slice %arg12[%add3A_22, %dma_start3A_103] : memref<10000x64xf32, #tpu.memory_space<vmem_shared>> -> memref<125x64xf32, #tpu.memory_space<vmem_shared>>
      %dma_start3A_105 = arith.constant 0 : i32
      %dma_start3A_106 = tpu.memref_slice %arg12[%add3A_22, %dma_start3A_105] : memref<10000x64xf32, #tpu.memory_space<vmem_shared>> -> memref<125x64xf32, #tpu.memory_space<vmem_shared>>
      tpu.enqueue_dma source(%arg11 : memref<125x64xf32, #tpu.memory_space<vmem>>) target(%dma_start3A_106 : memref<125x64xf32, #tpu.memory_space<vmem_shared>>) target_semaphore(%run_scoped3A : memref<!tpu.dma_semaphore, #tpu.memory_space<semaphore_mem>>)
      %dma_wait3A_107 = arith.constant 0 : i32
      %dma_wait3A_108 = tpu.memref_slice %arg12[%add3A_22, %dma_wait3A_107] : memref<10000x64xf32, #tpu.memory_space<vmem_shared>> -> memref<125x64xf32, #tpu.memory_space<vmem_shared>>
      %dma_wait3A_109 = arith.constant 0 : i32
      %dma_wait3A_110 = tpu.memref_slice %arg12[%add3A_22, %dma_wait3A_109] : memref<10000x64xf32, #tpu.memory_space<vmem_shared>> -> memref<125x64xf32, #tpu.memory_space<vmem_shared>>
      tpu.wait_dma2 semaphore(%run_scoped3A : memref<!tpu.dma_semaphore, #tpu.memory_space<semaphore_mem>>) src(%arg11 : memref<125x64xf32, #tpu.memory_space<vmem>>) dst(%dma_wait3A_110 : memref<125x64xf32, #tpu.memory_space<vmem_shared>>)
      tpu.yield
    }) : () -> ()
    %mul3A_23 = arith.constant 625 : i32
    %mul3A_24 = arith.muli %arg1, %mul3A_23 : i32
    %add3A_25 = arith.constant 500 : i32
    %add3A_26 = arith.addi %mul3A_24, %add3A_25 : i32
    "tpu.region"() ({
      %run_scoped3A = tpu.sem_alloc : memref<!tpu.dma_semaphore, #tpu.memory_space<semaphore_mem>>
      %dma_start3A_103 = arith.constant 0 : i32
      %dma_start3A_104 = tpu.memref_slice %arg12[%add3A_26, %dma_start3A_103] : memref<10000x64xf32, #tpu.memory_space<vmem_shared>> -> memref<125x64xf32, #tpu.memory_space<vmem_shared>>
      %dma_start3A_105 = arith.constant 0 : i32
      %dma_start3A_106 = tpu.memref_slice %arg12[%add3A_26, %dma_start3A_105] : memref<10000x64xf32, #tpu.memory_space<vmem_shared>> -> memref<125x64xf32, #tpu.memory_space<vmem_shared>>
      tpu.enqueue_dma source(%arg11 : memref<125x64xf32, #tpu.memory_space<vmem>>) target(%dma_start3A_106 : memref<125x64xf32, #tpu.memory_space<vmem_shared>>) target_semaphore(%run_scoped3A : memref<!tpu.dma_semaphore, #tpu.memory_space<semaphore_mem>>)
      %dma_wait3A_107 = arith.constant 0 : i32
      %dma_wait3A_108 = tpu.memref_slice %arg12[%add3A_26, %dma_wait3A_107] : memref<10000x64xf32, #tpu.memory_space<vmem_shared>> -> memref<125x64xf32, #tpu.memory_space<vmem_shared>>
      %dma_wait3A_109 = arith.constant 0 : i32
      %dma_wait3A_110 = tpu.memref_slice %arg12[%add3A_26, %dma_wait3A_109] : memref<10000x64xf32, #tpu.memory_space<vmem_shared>> -> memref<125x64xf32, #tpu.memory_space<vmem_shared>>
      tpu.wait_dma2 semaphore(%run_scoped3A : memref<!tpu.dma_semaphore, #tpu.memory_space<semaphore_mem>>) src(%arg11 : memref<125x64xf32, #tpu.memory_space<vmem>>) dst(%dma_wait3A_110 : memref<125x64xf32, #tpu.memory_space<vmem_shared>>)
      tpu.yield
    }) : () -> ()
    %barrier3A = arith.constant 0 : index
    tpu.barrier barrier_id(%barrier3A)
    %dma_start3A = arith.constant 0 : i32
    %dma_start3A_27 = arith.constant 0 : i32
    %dma_start3A_28 = tpu.memref_slice %arg6[%dma_start3A, %dma_start3A_27] : memref<125x80xi32, #tpu.memory_space<vmem>> -> memref<1x80xi32, #tpu.memory_space<vmem>>
    %dma_start3A_29 = tpu.memref_squeeze %dma_start3A_28 : memref<1x80xi32, #tpu.memory_space<vmem>> -> memref<80xi32, #tpu.memory_space<vmem>>
    %dma_start3A_30 = arith.constant 0 : i32
    %dma_start3A_31 = arith.constant 0 : i32
    %dma_start3A_32 = tpu.memref_slice %arg2[%dma_start3A_30, %dma_start3A_31] : memref<10000x64xf32, #tpu.memory_space<hbm>> -> memref<10000x64xf32, #tpu.memory_space<hbm>>
    tpu.enqueue_indirect_dma source(%dma_start3A_32 : memref<10000x64xf32, #tpu.memory_space<hbm>>) target(%arg8 : memref<80x64xf32, #tpu.memory_space<vmem>>) offsets(%dma_start3A_29 : memref<80xi32, #tpu.memory_space<vmem>>) semaphore(%arg13 : memref<!tpu.dma_semaphore, #tpu.memory_space<semaphore_mem>>)
    %dma_start3A_33 = arith.constant 1 : i32
    %dma_start3A_34 = arith.constant 0 : i32
    %dma_start3A_35 = tpu.memref_slice %arg6[%dma_start3A_33, %dma_start3A_34] : memref<125x80xi32, #tpu.memory_space<vmem>> -> memref<1x80xi32, #tpu.memory_space<vmem>>
    %dma_start3A_36 = tpu.memref_squeeze %dma_start3A_35 : memref<1x80xi32, #tpu.memory_space<vmem>> -> memref<80xi32, #tpu.memory_space<vmem>>
    %dma_start3A_37 = arith.constant 0 : i32
    %dma_start3A_38 = arith.constant 0 : i32
    %dma_start3A_39 = tpu.memref_slice %arg2[%dma_start3A_37, %dma_start3A_38] : memref<10000x64xf32, #tpu.memory_space<hbm>> -> memref<10000x64xf32, #tpu.memory_space<hbm>>
    tpu.enqueue_indirect_dma source(%dma_start3A_39 : memref<10000x64xf32, #tpu.memory_space<hbm>>) target(%arg9 : memref<80x64xf32, #tpu.memory_space<vmem>>) offsets(%dma_start3A_36 : memref<80xi32, #tpu.memory_space<vmem>>) semaphore(%arg14 : memref<!tpu.dma_semaphore, #tpu.memory_space<semaphore_mem>>)
    %dma_start3A_40 = arith.constant 0 : i32
    %dma_start3A_41 = arith.constant 0 : i32
    %dma_start3A_42 = arith.constant 0 : i32
    %dma_start3A_43 = tpu.memref_slice %arg11[%dma_start3A_41, %dma_start3A_42] : memref<125x64xf32, #tpu.memory_space<vmem>> -> memref<80x64xf32, #tpu.memory_space<vmem>>
    %dma_start3A_44 = arith.constant 0 : i32
    %dma_start3A_45 = tpu.memref_slice %arg7[%dma_start3A_40, %dma_start3A_44] : memref<125x80xi32, #tpu.memory_space<vmem>> -> memref<1x80xi32, #tpu.memory_space<vmem>>
    %dma_start3A_46 = tpu.memref_squeeze %dma_start3A_45 : memref<1x80xi32, #tpu.memory_space<vmem>> -> memref<80xi32, #tpu.memory_space<vmem>>
    %dma_start3A_47 = arith.constant 0 : i32
    %dma_start3A_48 = arith.constant 0 : i32
    %dma_start3A_49 = tpu.memref_slice %arg12[%dma_start3A_47, %dma_start3A_48] : memref<10000x64xf32, #tpu.memory_space<vmem_shared>> -> memref<10000x64xf32, #tpu.memory_space<vmem_shared>>
    tpu.enqueue_indirect_dma source(%dma_start3A_43 : memref<80x64xf32, #tpu.memory_space<vmem>>) target(%dma_start3A_49 : memref<10000x64xf32, #tpu.memory_space<vmem_shared>>) offsets(%dma_start3A_46 : memref<80xi32, #tpu.memory_space<vmem>>) semaphore(%arg18 : memref<!tpu.dma_semaphore, #tpu.memory_space<semaphore_mem>>) {add = true}
    %scan3A_50 = arith.constant 0 : i32
    %scan3A_51 = arith.constant 0 : i32
    %scan3A_52 = arith.constant 41 : i32
    %scan3A_53 = arith.addi %scan3A_51, %scan3A_52 : i32
    %scan3A_54 = arith.constant 1 : i32
    scf.for %scan3A_103 = %scan3A_51 to %scan3A_53 step %scan3A_54  : i32 {
      %mul3A_104 = arith.constant 3 : i32
      %mul3A_105 = arith.muli %mul3A_104, %scan3A_103 : i32
      %dma_wait3A_106 = arith.constant 0 : i32
      %dma_wait3A_107 = arith.constant 0 : i32
      %dma_wait3A_108 = tpu.memref_slice %arg2[%dma_wait3A_106, %dma_wait3A_107] : memref<10000x64xf32, #tpu.memory_space<hbm>> -> memref<80x64xf32, #tpu.memory_space<hbm>>
      %dma_wait3A_109 = arith.constant 0 : i32
      %dma_wait3A_110 = arith.constant 0 : i32
      %dma_wait3A_111 = tpu.memref_slice %arg2[%dma_wait3A_109, %dma_wait3A_110] : memref<10000x64xf32, #tpu.memory_space<hbm>> -> memref<80x64xf32, #tpu.memory_space<hbm>>
      tpu.wait_dma2 semaphore(%arg13 : memref<!tpu.dma_semaphore, #tpu.memory_space<semaphore_mem>>) src(%dma_wait3A_111 : memref<80x64xf32, #tpu.memory_space<hbm>>) dst(%arg8 : memref<80x64xf32, #tpu.memory_space<vmem>>)
      %dma_start3A_112 = arith.constant 0 : i32
      %dma_start3A_113 = tpu.memref_slice %arg7[%mul3A_105, %dma_start3A_112] : memref<125x80xi32, #tpu.memory_space<vmem>> -> memref<1x80xi32, #tpu.memory_space<vmem>>
      %dma_start3A_114 = tpu.memref_squeeze %dma_start3A_113 : memref<1x80xi32, #tpu.memory_space<vmem>> -> memref<80xi32, #tpu.memory_space<vmem>>
      %dma_start3A_115 = arith.constant 0 : i32
      %dma_start3A_116 = arith.constant 0 : i32
      %dma_start3A_117 = tpu.memref_slice %arg12[%dma_start3A_115, %dma_start3A_116] : memref<10000x64xf32, #tpu.memory_space<vmem_shared>> -> memref<10000x64xf32, #tpu.memory_space<vmem_shared>>
      tpu.enqueue_indirect_dma source(%arg8 : memref<80x64xf32, #tpu.memory_space<vmem>>) target(%dma_start3A_117 : memref<10000x64xf32, #tpu.memory_space<vmem_shared>>) offsets(%dma_start3A_114 : memref<80xi32, #tpu.memory_space<vmem>>) semaphore(%arg16 : memref<!tpu.dma_semaphore, #tpu.memory_space<semaphore_mem>>) {add = true}
      %dma_wait3A_118 = arith.constant 0 : i32
      %dma_wait3A_119 = arith.constant 0 : i32
      %dma_wait3A_120 = tpu.memref_slice %arg12[%dma_wait3A_118, %dma_wait3A_119] : memref<10000x64xf32, #tpu.memory_space<vmem_shared>> -> memref<80x64xf32, #tpu.memory_space<vmem_shared>>
      %dma_wait3A_121 = arith.constant 0 : i32
      %dma_wait3A_122 = arith.constant 0 : i32
      %dma_wait3A_123 = tpu.memref_slice %arg12[%dma_wait3A_121, %dma_wait3A_122] : memref<10000x64xf32, #tpu.memory_space<vmem_shared>> -> memref<80x64xf32, #tpu.memory_space<vmem_shared>>
      tpu.wait_dma2 semaphore(%arg18 : memref<!tpu.dma_semaphore, #tpu.memory_space<semaphore_mem>>) src(%arg10 : memref<80x64xf32, #tpu.memory_space<vmem>>) dst(%dma_wait3A_123 : memref<80x64xf32, #tpu.memory_space<vmem_shared>>)
      %add3A_124 = arith.constant 2 : i32
      %add3A_125 = arith.addi %mul3A_105, %add3A_124 : i32
      %dma_start3A_126 = arith.constant 0 : i32
      %dma_start3A_127 = tpu.memref_slice %arg6[%add3A_125, %dma_start3A_126] : memref<125x80xi32, #tpu.memory_space<vmem>> -> memref<1x80xi32, #tpu.memory_space<vmem>>
      %dma_start3A_128 = tpu.memref_squeeze %dma_start3A_127 : memref<1x80xi32, #tpu.memory_space<vmem>> -> memref<80xi32, #tpu.memory_space<vmem>>
      %dma_start3A_129 = arith.constant 0 : i32
      %dma_start3A_130 = arith.constant 0 : i32
      %dma_start3A_131 = tpu.memref_slice %arg2[%dma_start3A_129, %dma_start3A_130] : memref<10000x64xf32, #tpu.memory_space<hbm>> -> memref<10000x64xf32, #tpu.memory_space<hbm>>
      tpu.enqueue_indirect_dma source(%dma_start3A_131 : memref<10000x64xf32, #tpu.memory_space<hbm>>) target(%arg10 : memref<80x64xf32, #tpu.memory_space<vmem>>) offsets(%dma_start3A_128 : memref<80xi32, #tpu.memory_space<vmem>>) semaphore(%arg15 : memref<!tpu.dma_semaphore, #tpu.memory_space<semaphore_mem>>)
      %add3A_132 = arith.constant 1 : i32
      %add3A_133 = arith.addi %mul3A_105, %add3A_132 : i32
      %dma_wait3A_134 = arith.constant 0 : i32
      %dma_wait3A_135 = arith.constant 0 : i32
      %dma_wait3A_136 = tpu.memref_slice %arg2[%dma_wait3A_134, %dma_wait3A_135] : memref<10000x64xf32, #tpu.memory_space<hbm>> -> memref<80x64xf32, #tpu.memory_space<hbm>>
      %dma_wait3A_137 = arith.constant 0 : i32
      %dma_wait3A_138 = arith.constant 0 : i32
      %dma_wait3A_139 = tpu.memref_slice %arg2[%dma_wait3A_137, %dma_wait3A_138] : memref<10000x64xf32, #tpu.memory_space<hbm>> -> memref<80x64xf32, #tpu.memory_space<hbm>>
      tpu.wait_dma2 semaphore(%arg14 : memref<!tpu.dma_semaphore, #tpu.memory_space<semaphore_mem>>) src(%dma_wait3A_139 : memref<80x64xf32, #tpu.memory_space<hbm>>) dst(%arg9 : memref<80x64xf32, #tpu.memory_space<vmem>>)
      %dma_start3A_140 = arith.constant 0 : i32
      %dma_start3A_141 = tpu.memref_slice %arg7[%add3A_133, %dma_start3A_140] : memref<125x80xi32, #tpu.memory_space<vmem>> -> memref<1x80xi32, #tpu.memory_space<vmem>>
      %dma_start3A_142 = tpu.memref_squeeze %dma_start3A_141 : memref<1x80xi32, #tpu.memory_space<vmem>> -> memref<80xi32, #tpu.memory_space<vmem>>
      %dma_start3A_143 = arith.constant 0 : i32
      %dma_start3A_144 = arith.constant 0 : i32
      %dma_start3A_145 = tpu.memref_slice %arg12[%dma_start3A_143, %dma_start3A_144] : memref<10000x64xf32, #tpu.memory_space<vmem_shared>> -> memref<10000x64xf32, #tpu.memory_space<vmem_shared>>
      tpu.enqueue_indirect_dma source(%arg9 : memref<80x64xf32, #tpu.memory_space<vmem>>) target(%dma_start3A_145 : memref<10000x64xf32, #tpu.memory_space<vmem_shared>>) offsets(%dma_start3A_142 : memref<80xi32, #tpu.memory_space<vmem>>) semaphore(%arg17 : memref<!tpu.dma_semaphore, #tpu.memory_space<semaphore_mem>>) {add = true}
      %dma_wait3A_146 = arith.constant 0 : i32
      %dma_wait3A_147 = arith.constant 0 : i32
      %dma_wait3A_148 = tpu.memref_slice %arg12[%dma_wait3A_146, %dma_wait3A_147] : memref<10000x64xf32, #tpu.memory_space<vmem_shared>> -> memref<80x64xf32, #tpu.memory_space<vmem_shared>>
      %dma_wait3A_149 = arith.constant 0 : i32
      %dma_wait3A_150 = arith.constant 0 : i32
      %dma_wait3A_151 = tpu.memref_slice %arg12[%dma_wait3A_149, %dma_wait3A_150] : memref<10000x64xf32, #tpu.memory_space<vmem_shared>> -> memref<80x64xf32, #tpu.memory_space<vmem_shared>>
      tpu.wait_dma2 semaphore(%arg16 : memref<!tpu.dma_semaphore, #tpu.memory_space<semaphore_mem>>) src(%arg8 : memref<80x64xf32, #tpu.memory_space<vmem>>) dst(%dma_wait3A_151 : memref<80x64xf32, #tpu.memory_space<vmem_shared>>)
      %add3A_152 = arith.constant 2 : i32
      %add3A_153 = arith.addi %add3A_133, %add3A_152 : i32
      %dma_start3A_154 = arith.constant 0 : i32
      %dma_start3A_155 = tpu.memref_slice %arg6[%add3A_153, %dma_start3A_154] : memref<125x80xi32, #tpu.memory_space<vmem>> -> memref<1x80xi32, #tpu.memory_space<vmem>>
      %dma_start3A_156 = tpu.memref_squeeze %dma_start3A_155 : memref<1x80xi32, #tpu.memory_space<vmem>> -> memref<80xi32, #tpu.memory_space<vmem>>
      %dma_start3A_157 = arith.constant 0 : i32
      %dma_start3A_158 = arith.constant 0 : i32
      %dma_start3A_159 = tpu.memref_slice %arg2[%dma_start3A_157, %dma_start3A_158] : memref<10000x64xf32, #tpu.memory_space<hbm>> -> memref<10000x64xf32, #tpu.memory_space<hbm>>
      tpu.enqueue_indirect_dma source(%dma_start3A_159 : memref<10000x64xf32, #tpu.memory_space<hbm>>) target(%arg8 : memref<80x64xf32, #tpu.memory_space<vmem>>) offsets(%dma_start3A_156 : memref<80xi32, #tpu.memory_space<vmem>>) semaphore(%arg13 : memref<!tpu.dma_semaphore, #tpu.memory_space<semaphore_mem>>)
      %add3A_160 = arith.constant 2 : i32
      %add3A_161 = arith.addi %mul3A_105, %add3A_160 : i32
      %dma_wait3A_162 = arith.constant 0 : i32
      %dma_wait3A_163 = arith.constant 0 : i32
      %dma_wait3A_164 = tpu.memref_slice %arg2[%dma_wait3A_162, %dma_wait3A_163] : memref<10000x64xf32, #tpu.memory_space<hbm>> -> memref<80x64xf32, #tpu.memory_space<hbm>>
      %dma_wait3A_165 = arith.constant 0 : i32
      %dma_wait3A_166 = arith.constant 0 : i32
      %dma_wait3A_167 = tpu.memref_slice %arg2[%dma_wait3A_165, %dma_wait3A_166] : memref<10000x64xf32, #tpu.memory_space<hbm>> -> memref<80x64xf32, #tpu.memory_space<hbm>>
      tpu.wait_dma2 semaphore(%arg15 : memref<!tpu.dma_semaphore, #tpu.memory_space<semaphore_mem>>) src(%dma_wait3A_167 : memref<80x64xf32, #tpu.memory_space<hbm>>) dst(%arg10 : memref<80x64xf32, #tpu.memory_space<vmem>>)
      %dma_start3A_168 = arith.constant 0 : i32
      %dma_start3A_169 = tpu.memref_slice %arg7[%add3A_161, %dma_start3A_168] : memref<125x80xi32, #tpu.memory_space<vmem>> -> memref<1x80xi32, #tpu.memory_space<vmem>>
      %dma_start3A_170 = tpu.memref_squeeze %dma_start3A_169 : memref<1x80xi32, #tpu.memory_space<vmem>> -> memref<80xi32, #tpu.memory_space<vmem>>
      %dma_start3A_171 = arith.constant 0 : i32
      %dma_start3A_172 = arith.constant 0 : i32
      %dma_start3A_173 = tpu.memref_slice %arg12[%dma_start3A_171, %dma_start3A_172] : memref<10000x64xf32, #tpu.memory_space<vmem_shared>> -> memref<10000x64xf32, #tpu.memory_space<vmem_shared>>
      tpu.enqueue_indirect_dma source(%arg10 : memref<80x64xf32, #tpu.memory_space<vmem>>) target(%dma_start3A_173 : memref<10000x64xf32, #tpu.memory_space<vmem_shared>>) offsets(%dma_start3A_170 : memref<80xi32, #tpu.memory_space<vmem>>) semaphore(%arg18 : memref<!tpu.dma_semaphore, #tpu.memory_space<semaphore_mem>>) {add = true}
      %dma_wait3A_174 = arith.constant 0 : i32
      %dma_wait3A_175 = arith.constant 0 : i32
      %dma_wait3A_176 = tpu.memref_slice %arg12[%dma_wait3A_174, %dma_wait3A_175] : memref<10000x64xf32, #tpu.memory_space<vmem_shared>> -> memref<80x64xf32, #tpu.memory_space<vmem_shared>>
      %dma_wait3A_177 = arith.constant 0 : i32
      %dma_wait3A_178 = arith.constant 0 : i32
      %dma_wait3A_179 = tpu.memref_slice %arg12[%dma_wait3A_177, %dma_wait3A_178] : memref<10000x64xf32, #tpu.memory_space<vmem_shared>> -> memref<80x64xf32, #tpu.memory_space<vmem_shared>>
      tpu.wait_dma2 semaphore(%arg17 : memref<!tpu.dma_semaphore, #tpu.memory_space<semaphore_mem>>) src(%arg9 : memref<80x64xf32, #tpu.memory_space<vmem>>) dst(%dma_wait3A_179 : memref<80x64xf32, #tpu.memory_space<vmem_shared>>)
      %add3A_180 = arith.constant 2 : i32
      %add3A_181 = arith.addi %add3A_161, %add3A_180 : i32
      %dma_start3A_182 = arith.constant 0 : i32
      %dma_start3A_183 = tpu.memref_slice %arg6[%add3A_181, %dma_start3A_182] : memref<125x80xi32, #tpu.memory_space<vmem>> -> memref<1x80xi32, #tpu.memory_space<vmem>>
      %dma_start3A_184 = tpu.memref_squeeze %dma_start3A_183 : memref<1x80xi32, #tpu.memory_space<vmem>> -> memref<80xi32, #tpu.memory_space<vmem>>
      %dma_start3A_185 = arith.constant 0 : i32
      %dma_start3A_186 = arith.constant 0 : i32
      %dma_start3A_187 = tpu.memref_slice %arg2[%dma_start3A_185, %dma_start3A_186] : memref<10000x64xf32, #tpu.memory_space<hbm>> -> memref<10000x64xf32, #tpu.memory_space<hbm>>
      tpu.enqueue_indirect_dma source(%dma_start3A_187 : memref<10000x64xf32, #tpu.memory_space<hbm>>) target(%arg9 : memref<80x64xf32, #tpu.memory_space<vmem>>) offsets(%dma_start3A_184 : memref<80xi32, #tpu.memory_space<vmem>>) semaphore(%arg14 : memref<!tpu.dma_semaphore, #tpu.memory_space<semaphore_mem>>)
    }
    %scan3A_55 = arith.constant 41 : i32
    %dma_wait3A = arith.constant 0 : i32
    %dma_wait3A_56 = arith.constant 0 : i32
    %dma_wait3A_57 = tpu.memref_slice %arg2[%dma_wait3A, %dma_wait3A_56] : memref<10000x64xf32, #tpu.memory_space<hbm>> -> memref<80x64xf32, #tpu.memory_space<hbm>>
    %dma_wait3A_58 = arith.constant 0 : i32
    %dma_wait3A_59 = arith.constant 0 : i32
    %dma_wait3A_60 = tpu.memref_slice %arg2[%dma_wait3A_58, %dma_wait3A_59] : memref<10000x64xf32, #tpu.memory_space<hbm>> -> memref<80x64xf32, #tpu.memory_space<hbm>>
    tpu.wait_dma2 semaphore(%arg13 : memref<!tpu.dma_semaphore, #tpu.memory_space<semaphore_mem>>) src(%dma_wait3A_60 : memref<80x64xf32, #tpu.memory_space<hbm>>) dst(%arg8 : memref<80x64xf32, #tpu.memory_space<vmem>>)
    %dma_start3A_61 = arith.constant 123 : i32
    %dma_start3A_62 = arith.constant 0 : i32
    %dma_start3A_63 = tpu.memref_slice %arg7[%dma_start3A_61, %dma_start3A_62] : memref<125x80xi32, #tpu.memory_space<vmem>> -> memref<1x80xi32, #tpu.memory_space<vmem>>
    %dma_start3A_64 = tpu.memref_squeeze %dma_start3A_63 : memref<1x80xi32, #tpu.memory_space<vmem>> -> memref<80xi32, #tpu.memory_space<vmem>>
    %dma_start3A_65 = arith.constant 0 : i32
    %dma_start3A_66 = arith.constant 0 : i32
    %dma_start3A_67 = tpu.memref_slice %arg12[%dma_start3A_65, %dma_start3A_66] : memref<10000x64xf32, #tpu.memory_space<vmem_shared>> -> memref<10000x64xf32, #tpu.memory_space<vmem_shared>>
    tpu.enqueue_indirect_dma source(%arg8 : memref<80x64xf32, #tpu.memory_space<vmem>>) target(%dma_start3A_67 : memref<10000x64xf32, #tpu.memory_space<vmem_shared>>) offsets(%dma_start3A_64 : memref<80xi32, #tpu.memory_space<vmem>>) semaphore(%arg16 : memref<!tpu.dma_semaphore, #tpu.memory_space<semaphore_mem>>) {add = true}
    %dma_wait3A_68 = arith.constant 0 : i32
    %dma_wait3A_69 = arith.constant 0 : i32
    %dma_wait3A_70 = tpu.memref_slice %arg12[%dma_wait3A_68, %dma_wait3A_69] : memref<10000x64xf32, #tpu.memory_space<vmem_shared>> -> memref<80x64xf32, #tpu.memory_space<vmem_shared>>
    %dma_wait3A_71 = arith.constant 0 : i32
    %dma_wait3A_72 = arith.constant 0 : i32
    %dma_wait3A_73 = tpu.memref_slice %arg12[%dma_wait3A_71, %dma_wait3A_72] : memref<10000x64xf32, #tpu.memory_space<vmem_shared>> -> memref<80x64xf32, #tpu.memory_space<vmem_shared>>
    tpu.wait_dma2 semaphore(%arg18 : memref<!tpu.dma_semaphore, #tpu.memory_space<semaphore_mem>>) src(%arg10 : memref<80x64xf32, #tpu.memory_space<vmem>>) dst(%dma_wait3A_73 : memref<80x64xf32, #tpu.memory_space<vmem_shared>>)
    %dma_wait3A_74 = arith.constant 0 : i32
    %dma_wait3A_75 = arith.constant 0 : i32
    %dma_wait3A_76 = tpu.memref_slice %arg2[%dma_wait3A_74, %dma_wait3A_75] : memref<10000x64xf32, #tpu.memory_space<hbm>> -> memref<80x64xf32, #tpu.memory_space<hbm>>
    %dma_wait3A_77 = arith.constant 0 : i32
    %dma_wait3A_78 = arith.constant 0 : i32
    %dma_wait3A_79 = tpu.memref_slice %arg2[%dma_wait3A_77, %dma_wait3A_78] : memref<10000x64xf32, #tpu.memory_space<hbm>> -> memref<80x64xf32, #tpu.memory_space<hbm>>
    tpu.wait_dma2 semaphore(%arg14 : memref<!tpu.dma_semaphore, #tpu.memory_space<semaphore_mem>>) src(%dma_wait3A_79 : memref<80x64xf32, #tpu.memory_space<hbm>>) dst(%arg9 : memref<80x64xf32, #tpu.memory_space<vmem>>)
    %dma_start3A_80 = arith.constant 124 : i32
    %dma_start3A_81 = arith.constant 0 : i32
    %dma_start3A_82 = tpu.memref_slice %arg7[%dma_start3A_80, %dma_start3A_81] : memref<125x80xi32, #tpu.memory_space<vmem>> -> memref<1x80xi32, #tpu.memory_space<vmem>>
    %dma_start3A_83 = tpu.memref_squeeze %dma_start3A_82 : memref<1x80xi32, #tpu.memory_space<vmem>> -> memref<80xi32, #tpu.memory_space<vmem>>
    %dma_start3A_84 = arith.constant 0 : i32
    %dma_start3A_85 = arith.constant 0 : i32
    %dma_start3A_86 = tpu.memref_slice %arg12[%dma_start3A_84, %dma_start3A_85] : memref<10000x64xf32, #tpu.memory_space<vmem_shared>> -> memref<10000x64xf32, #tpu.memory_space<vmem_shared>>
    tpu.enqueue_indirect_dma source(%arg9 : memref<80x64xf32, #tpu.memory_space<vmem>>) target(%dma_start3A_86 : memref<10000x64xf32, #tpu.memory_space<vmem_shared>>) offsets(%dma_start3A_83 : memref<80xi32, #tpu.memory_space<vmem>>) semaphore(%arg17 : memref<!tpu.dma_semaphore, #tpu.memory_space<semaphore_mem>>) {add = true}
    %dma_wait3A_87 = arith.constant 0 : i32
    %dma_wait3A_88 = arith.constant 0 : i32
    %dma_wait3A_89 = tpu.memref_slice %arg12[%dma_wait3A_87, %dma_wait3A_88] : memref<10000x64xf32, #tpu.memory_space<vmem_shared>> -> memref<80x64xf32, #tpu.memory_space<vmem_shared>>
    %dma_wait3A_90 = arith.constant 0 : i32
    %dma_wait3A_91 = arith.constant 0 : i32
    %dma_wait3A_92 = tpu.memref_slice %arg12[%dma_wait3A_90, %dma_wait3A_91] : memref<10000x64xf32, #tpu.memory_space<vmem_shared>> -> memref<80x64xf32, #tpu.memory_space<vmem_shared>>
    tpu.wait_dma2 semaphore(%arg16 : memref<!tpu.dma_semaphore, #tpu.memory_space<semaphore_mem>>) src(%arg8 : memref<80x64xf32, #tpu.memory_space<vmem>>) dst(%dma_wait3A_92 : memref<80x64xf32, #tpu.memory_space<vmem_shared>>)
    %dma_wait3A_93 = arith.constant 0 : i32
    %dma_wait3A_94 = arith.constant 0 : i32
    %dma_wait3A_95 = tpu.memref_slice %arg12[%dma_wait3A_93, %dma_wait3A_94] : memref<10000x64xf32, #tpu.memory_space<vmem_shared>> -> memref<80x64xf32, #tpu.memory_space<vmem_shared>>
    %dma_wait3A_96 = arith.constant 0 : i32
    %dma_wait3A_97 = arith.constant 0 : i32
    %dma_wait3A_98 = tpu.memref_slice %arg12[%dma_wait3A_96, %dma_wait3A_97] : memref<10000x64xf32, #tpu.memory_space<vmem_shared>> -> memref<80x64xf32, #tpu.memory_space<vmem_shared>>
    tpu.wait_dma2 semaphore(%arg17 : memref<!tpu.dma_semaphore, #tpu.memory_space<semaphore_mem>>) src(%arg9 : memref<80x64xf32, #tpu.memory_space<vmem>>) dst(%dma_wait3A_98 : memref<80x64xf32, #tpu.memory_space<vmem_shared>>)
    %barrier3A_99 = arith.constant 0 : index
    tpu.barrier barrier_id(%barrier3A_99)
    %lt3A = arith.constant 10 : i32
    %lt3A_100 = arith.cmpi slt, %arg1, %lt3A : i32
    %convert_element_type3A = arith.extui %lt3A_100 : i1 to i32
    %cond3A = arith.constant 0 : i32
    %cond3A_101 = arith.cmpi ne, %convert_element_type3A, %cond3A : i32
    scf.if %cond3A_101 {
      %mul3A_103 = arith.constant 1000 : i32
      %mul3A_104 = arith.muli %arg1, %mul3A_103 : i32
      %mul3A_105 = arith.constant 1000 : i32
      %mul3A_106 = arith.muli %arg1, %mul3A_105 : i32
      "tpu.region"() ({
        %run_scoped3A = tpu.sem_alloc : memref<!tpu.dma_semaphore, #tpu.memory_space<semaphore_mem>>
        %dma_start3A_107 = arith.constant 0 : i32
        %dma_start3A_108 = tpu.memref_slice %arg5[%arg0, %mul3A_106, %dma_start3A_107] : memref<2x10000x64xf32, #tpu.memory_space<hbm>> -> memref<1x1000x64xf32, #tpu.memory_space<hbm>>
        %dma_start3A_109 = tpu.memref_squeeze %dma_start3A_108 : memref<1x1000x64xf32, #tpu.memory_space<hbm>> -> memref<1000x64xf32, #tpu.memory_space<hbm>>
        %dma_start3A_110 = arith.constant 0 : i32
        %dma_start3A_111 = tpu.memref_slice %arg12[%mul3A_104, %dma_start3A_110] : memref<10000x64xf32, #tpu.memory_space<vmem_shared>> -> memref<1000x64xf32, #tpu.memory_space<vmem_shared>>
        tpu.enqueue_dma source(%dma_start3A_111 : memref<1000x64xf32, #tpu.memory_space<vmem_shared>>) target(%dma_start3A_109 : memref<1000x64xf32, #tpu.memory_space<hbm>>) target_semaphore(%run_scoped3A : memref<!tpu.dma_semaphore, #tpu.memory_space<semaphore_mem>>)
        %dma_wait3A_112 = arith.constant 0 : i32
        %dma_wait3A_113 = tpu.memref_slice %arg5[%arg0, %mul3A_106, %dma_wait3A_112] : memref<2x10000x64xf32, #tpu.memory_space<hbm>> -> memref<1x1000x64xf32, #tpu.memory_space<hbm>>
        %dma_wait3A_114 = tpu.memref_squeeze %dma_wait3A_113 : memref<1x1000x64xf32, #tpu.memory_space<hbm>> -> memref<1000x64xf32, #tpu.memory_space<hbm>>
        %dma_wait3A_115 = arith.constant 0 : i32
        %dma_wait3A_116 = tpu.memref_slice %arg12[%mul3A_104, %dma_wait3A_115] : memref<10000x64xf32, #tpu.memory_space<vmem_shared>> -> memref<1000x64xf32, #tpu.memory_space<vmem_shared>>
        tpu.wait_dma2 semaphore(%run_scoped3A : memref<!tpu.dma_semaphore, #tpu.memory_space<semaphore_mem>>) src(%dma_wait3A_116 : memref<1000x64xf32, #tpu.memory_space<vmem_shared>>) dst(%dma_wait3A_114 : memref<1000x64xf32, #tpu.memory_space<hbm>>)
        tpu.yield
      }) : () -> ()
    } else {
    }
    %barrier3A_102 = arith.constant 0 : index
    tpu.barrier barrier_id(%barrier3A_102)
    return
  }
}

#map = affine_map<(d0, d1) -> (0, 0, 0)>
#map1 = affine_map<(d0, d1) -> (0, 0)>
module attributes {stable_mosaic.version = 14 : i64} {
  func.func @_deg_body(%arg0: i32, %arg1: i32, %arg2: memref<32x125x80xi32, #tpu.memory_space<hbm>>, %arg3: memref<10000x1xf32, #tpu.memory_space<hbm>>, %arg4: memref<80x1xf32, #tpu.memory_space<hbm>>, %arg5: memref<2x10000x1xf32, #tpu.memory_space<hbm>>, %arg6: memref<125x80xi32, #tpu.memory_space<vmem>>, %arg7: memref<80x1xf32, #tpu.memory_space<vmem>>, %arg8: memref<10000x1xf32, #tpu.memory_space<vmem_shared>>, %arg9: memref<!tpu.dma_semaphore, #tpu.memory_space<semaphore_mem>>) attributes {dimension_semantics = [#tpu.dimension_semantics<core_parallel>, #tpu.dimension_semantics<subcore_parallel>], iteration_bounds = array<i64: 2, 16>, scalar_prefetch = 0 : i64, scratch_operands = 4 : i64, tpu.core_type = #tpu.core_type<sc_vector_subcore>, window_params = [{transform_indices = #map}, {transform_indices = #map1}, {transform_indices = #map1}, {transform_indices = #map}]} {
    %mul3A = arith.constant 2 : i32
    %mul3A_0 = arith.muli %arg1, %mul3A : i32
    %add3A = arith.addi %mul3A_0, %arg0 : i32
    "tpu.region"() ({
      %run_scoped3A = tpu.sem_alloc : memref<!tpu.dma_semaphore, #tpu.memory_space<semaphore_mem>>
      tpu.enqueue_dma source(%arg4 : memref<80x1xf32, #tpu.memory_space<hbm>>) target(%arg7 : memref<80x1xf32, #tpu.memory_space<vmem>>) target_semaphore(%run_scoped3A : memref<!tpu.dma_semaphore, #tpu.memory_space<semaphore_mem>>)
      tpu.wait_dma2 semaphore(%run_scoped3A : memref<!tpu.dma_semaphore, #tpu.memory_space<semaphore_mem>>) src(%arg4 : memref<80x1xf32, #tpu.memory_space<hbm>>) dst(%arg7 : memref<80x1xf32, #tpu.memory_space<vmem>>)
      tpu.yield
    }) : () -> ()
    %lt3A = arith.constant 10 : i32
    %lt3A_1 = arith.cmpi slt, %arg1, %lt3A : i32
    %convert_element_type3A = arith.extui %lt3A_1 : i1 to i32
    %cond3A = arith.constant 0 : i32
    %cond3A_2 = arith.cmpi ne, %convert_element_type3A, %cond3A : i32
    scf.if %cond3A_2 {
      %mul3A_14 = arith.constant 1000 : i32
      %mul3A_15 = arith.muli %arg1, %mul3A_14 : i32
      %mul3A_16 = arith.constant 1000 : i32
      %mul3A_17 = arith.muli %arg1, %mul3A_16 : i32
      "tpu.region"() ({
        %run_scoped3A = tpu.sem_alloc : memref<!tpu.dma_semaphore, #tpu.memory_space<semaphore_mem>>
        %dma_start3A = arith.constant 0 : i32
        %dma_start3A_18 = tpu.memref_slice %arg8[%mul3A_17, %dma_start3A] : memref<10000x1xf32, #tpu.memory_space<vmem_shared>> -> memref<1000x1xf32, #tpu.memory_space<vmem_shared>>
        %dma_start3A_19 = arith.constant 0 : i32
        %dma_start3A_20 = tpu.memref_slice %arg3[%mul3A_15, %dma_start3A_19] : memref<10000x1xf32, #tpu.memory_space<hbm>> -> memref<1000x1xf32, #tpu.memory_space<hbm>>
        tpu.enqueue_dma source(%dma_start3A_20 : memref<1000x1xf32, #tpu.memory_space<hbm>>) target(%dma_start3A_18 : memref<1000x1xf32, #tpu.memory_space<vmem_shared>>) target_semaphore(%run_scoped3A : memref<!tpu.dma_semaphore, #tpu.memory_space<semaphore_mem>>)
        %dma_wait3A = arith.constant 0 : i32
        %dma_wait3A_21 = tpu.memref_slice %arg8[%mul3A_17, %dma_wait3A] : memref<10000x1xf32, #tpu.memory_space<vmem_shared>> -> memref<1000x1xf32, #tpu.memory_space<vmem_shared>>
        %dma_wait3A_22 = arith.constant 0 : i32
        %dma_wait3A_23 = tpu.memref_slice %arg3[%mul3A_15, %dma_wait3A_22] : memref<10000x1xf32, #tpu.memory_space<hbm>> -> memref<1000x1xf32, #tpu.memory_space<hbm>>
        tpu.wait_dma2 semaphore(%run_scoped3A : memref<!tpu.dma_semaphore, #tpu.memory_space<semaphore_mem>>) src(%dma_wait3A_23 : memref<1000x1xf32, #tpu.memory_space<hbm>>) dst(%dma_wait3A_21 : memref<1000x1xf32, #tpu.memory_space<vmem_shared>>)
        tpu.yield
      }) : () -> ()
    } else {
    }
    %barrier3A = arith.constant 0 : index
    tpu.barrier barrier_id(%barrier3A)
    "tpu.region"() ({
      %run_scoped3A = tpu.sem_alloc : memref<!tpu.dma_semaphore, #tpu.memory_space<semaphore_mem>>
      %dma_start3A = arith.constant 0 : i32
      %dma_start3A_14 = arith.constant 0 : i32
      %dma_start3A_15 = tpu.memref_slice %arg2[%add3A, %dma_start3A, %dma_start3A_14] : memref<32x125x80xi32, #tpu.memory_space<hbm>> -> memref<1x125x80xi32, #tpu.memory_space<hbm>>
      %dma_start3A_16 = tpu.memref_squeeze %dma_start3A_15 : memref<1x125x80xi32, #tpu.memory_space<hbm>> -> memref<125x80xi32, #tpu.memory_space<hbm>>
      %dma_start3A_17 = arith.constant 0 : i32
      %dma_start3A_18 = arith.constant 0 : i32
      %dma_start3A_19 = tpu.memref_slice %arg2[%add3A, %dma_start3A_17, %dma_start3A_18] : memref<32x125x80xi32, #tpu.memory_space<hbm>> -> memref<1x125x80xi32, #tpu.memory_space<hbm>>
      %dma_start3A_20 = tpu.memref_squeeze %dma_start3A_19 : memref<1x125x80xi32, #tpu.memory_space<hbm>> -> memref<125x80xi32, #tpu.memory_space<hbm>>
      tpu.enqueue_dma source(%dma_start3A_20 : memref<125x80xi32, #tpu.memory_space<hbm>>) target(%arg6 : memref<125x80xi32, #tpu.memory_space<vmem>>) target_semaphore(%run_scoped3A : memref<!tpu.dma_semaphore, #tpu.memory_space<semaphore_mem>>)
      %dma_wait3A = arith.constant 0 : i32
      %dma_wait3A_21 = arith.constant 0 : i32
      %dma_wait3A_22 = tpu.memref_slice %arg2[%add3A, %dma_wait3A, %dma_wait3A_21] : memref<32x125x80xi32, #tpu.memory_space<hbm>> -> memref<1x125x80xi32, #tpu.memory_space<hbm>>
      %dma_wait3A_23 = tpu.memref_squeeze %dma_wait3A_22 : memref<1x125x80xi32, #tpu.memory_space<hbm>> -> memref<125x80xi32, #tpu.memory_space<hbm>>
      %dma_wait3A_24 = arith.constant 0 : i32
      %dma_wait3A_25 = arith.constant 0 : i32
      %dma_wait3A_26 = tpu.memref_slice %arg2[%add3A, %dma_wait3A_24, %dma_wait3A_25] : memref<32x125x80xi32, #tpu.memory_space<hbm>> -> memref<1x125x80xi32, #tpu.memory_space<hbm>>
      %dma_wait3A_27 = tpu.memref_squeeze %dma_wait3A_26 : memref<1x125x80xi32, #tpu.memory_space<hbm>> -> memref<125x80xi32, #tpu.memory_space<hbm>>
      tpu.wait_dma2 semaphore(%run_scoped3A : memref<!tpu.dma_semaphore, #tpu.memory_space<semaphore_mem>>) src(%dma_wait3A_27 : memref<125x80xi32, #tpu.memory_space<hbm>>) dst(%arg6 : memref<125x80xi32, #tpu.memory_space<vmem>>)
      tpu.yield
    }) : () -> ()
    %scan3A = arith.constant 0 : i32
    %scan3A_3 = arith.constant 0 : i32
    %scan3A_4 = arith.constant 125 : i32
    %scan3A_5 = arith.addi %scan3A_3, %scan3A_4 : i32
    %scan3A_6 = arith.constant 1 : i32
    scf.for %scan3A_14 = %scan3A_3 to %scan3A_5 step %scan3A_6  : i32 {
      "tpu.region"() ({
        %run_scoped3A = tpu.sem_alloc : memref<!tpu.dma_semaphore, #tpu.memory_space<semaphore_mem>>
        %dma_start3A = arith.constant 0 : i32
        %dma_start3A_15 = tpu.memref_slice %arg6[%scan3A_14, %dma_start3A] : memref<125x80xi32, #tpu.memory_space<vmem>> -> memref<1x80xi32, #tpu.memory_space<vmem>>
        %dma_start3A_16 = tpu.memref_squeeze %dma_start3A_15 : memref<1x80xi32, #tpu.memory_space<vmem>> -> memref<80xi32, #tpu.memory_space<vmem>>
        %dma_start3A_17 = arith.constant 0 : i32
        %dma_start3A_18 = arith.constant 0 : i32
        %dma_start3A_19 = tpu.memref_slice %arg8[%dma_start3A_17, %dma_start3A_18] : memref<10000x1xf32, #tpu.memory_space<vmem_shared>> -> memref<10000x1xf32, #tpu.memory_space<vmem_shared>>
        tpu.enqueue_indirect_dma source(%arg7 : memref<80x1xf32, #tpu.memory_space<vmem>>) target(%dma_start3A_19 : memref<10000x1xf32, #tpu.memory_space<vmem_shared>>) offsets(%dma_start3A_16 : memref<80xi32, #tpu.memory_space<vmem>>) semaphore(%run_scoped3A : memref<!tpu.dma_semaphore, #tpu.memory_space<semaphore_mem>>) {add = true}
        %dma_wait3A = arith.constant 0 : i32
        %dma_wait3A_20 = tpu.memref_slice %arg6[%scan3A_14, %dma_wait3A] : memref<125x80xi32, #tpu.memory_space<vmem>> -> memref<1x80xi32, #tpu.memory_space<vmem>>
        %dma_wait3A_21 = tpu.memref_squeeze %dma_wait3A_20 : memref<1x80xi32, #tpu.memory_space<vmem>> -> memref<80xi32, #tpu.memory_space<vmem>>
        %dma_wait3A_22 = arith.constant 0 : i32
        %dma_wait3A_23 = arith.constant 0 : i32
        %dma_wait3A_24 = tpu.memref_slice %arg8[%dma_wait3A_22, %dma_wait3A_23] : memref<10000x1xf32, #tpu.memory_space<vmem_shared>> -> memref<10000x1xf32, #tpu.memory_space<vmem_shared>>
        tpu.wait_indirect_dma semaphore(%run_scoped3A : memref<!tpu.dma_semaphore, #tpu.memory_space<semaphore_mem>>) src(%arg7 : memref<80x1xf32, #tpu.memory_space<vmem>>) dst(%dma_wait3A_24 : memref<10000x1xf32, #tpu.memory_space<vmem_shared>>)
        tpu.yield
      }) : () -> ()
    }
    %scan3A_7 = arith.constant 125 : i32
    %barrier3A_8 = arith.constant 0 : index
    tpu.barrier barrier_id(%barrier3A_8)
    %lt3A_9 = arith.constant 10 : i32
    %lt3A_10 = arith.cmpi slt, %arg1, %lt3A_9 : i32
    %convert_element_type3A_11 = arith.extui %lt3A_10 : i1 to i32
    %cond3A_12 = arith.constant 0 : i32
    %cond3A_13 = arith.cmpi ne, %convert_element_type3A_11, %cond3A_12 : i32
    scf.if %cond3A_13 {
      %mul3A_14 = arith.constant 1000 : i32
      %mul3A_15 = arith.muli %arg1, %mul3A_14 : i32
      %mul3A_16 = arith.constant 1000 : i32
      %mul3A_17 = arith.muli %arg1, %mul3A_16 : i32
      "tpu.region"() ({
        %run_scoped3A = tpu.sem_alloc : memref<!tpu.dma_semaphore, #tpu.memory_space<semaphore_mem>>
        %dma_start3A = arith.constant 0 : i32
        %dma_start3A_18 = tpu.memref_slice %arg5[%arg0, %mul3A_17, %dma_start3A] : memref<2x10000x1xf32, #tpu.memory_space<hbm>> -> memref<1x1000x1xf32, #tpu.memory_space<hbm>>
        %dma_start3A_19 = tpu.memref_squeeze %dma_start3A_18 : memref<1x1000x1xf32, #tpu.memory_space<hbm>> -> memref<1000x1xf32, #tpu.memory_space<hbm>>
        %dma_start3A_20 = arith.constant 0 : i32
        %dma_start3A_21 = tpu.memref_slice %arg8[%mul3A_15, %dma_start3A_20] : memref<10000x1xf32, #tpu.memory_space<vmem_shared>> -> memref<1000x1xf32, #tpu.memory_space<vmem_shared>>
        tpu.enqueue_dma source(%dma_start3A_21 : memref<1000x1xf32, #tpu.memory_space<vmem_shared>>) target(%dma_start3A_19 : memref<1000x1xf32, #tpu.memory_space<hbm>>) target_semaphore(%run_scoped3A : memref<!tpu.dma_semaphore, #tpu.memory_space<semaphore_mem>>)
        %dma_wait3A = arith.constant 0 : i32
        %dma_wait3A_22 = tpu.memref_slice %arg5[%arg0, %mul3A_17, %dma_wait3A] : memref<2x10000x1xf32, #tpu.memory_space<hbm>> -> memref<1x1000x1xf32, #tpu.memory_space<hbm>>
        %dma_wait3A_23 = tpu.memref_squeeze %dma_wait3A_22 : memref<1x1000x1xf32, #tpu.memory_space<hbm>> -> memref<1000x1xf32, #tpu.memory_space<hbm>>
        %dma_wait3A_24 = arith.constant 0 : i32
        %dma_wait3A_25 = tpu.memref_slice %arg8[%mul3A_15, %dma_wait3A_24] : memref<10000x1xf32, #tpu.memory_space<vmem_shared>> -> memref<1000x1xf32, #tpu.memory_space<vmem_shared>>
        tpu.wait_dma2 semaphore(%run_scoped3A : memref<!tpu.dma_semaphore, #tpu.memory_space<semaphore_mem>>) src(%dma_wait3A_25 : memref<1000x1xf32, #tpu.memory_space<vmem_shared>>) dst(%dma_wait3A_23 : memref<1000x1xf32, #tpu.memory_space<hbm>>)
        tpu.yield
      }) : () -> ()
    } else {
    }
    return
  }
}

#map = affine_map<(d0, d1) -> (0, 0)>
#map1 = affine_map<(d0, d1) -> (0, 0, 0)>
module attributes {stable_mosaic.version = 14 : i64} {
  func.func @body(%arg0: i32, %arg1: i32, %arg2: memref<10000x64xf32, #tpu.memory_space<hbm>>, %arg3: memref<10000x64xf32, #tpu.memory_space<hbm>>, %arg4: memref<32x125x80xi32, #tpu.memory_space<hbm>>, %arg5: memref<32x125x80xi32, #tpu.memory_space<hbm>>, %arg6: memref<2x10000x64xf32, #tpu.memory_space<hbm>>, %arg7: memref<2x10000x64xf32, #tpu.memory_space<hbm>>, %arg8: memref<125x80xi32, #tpu.memory_space<vmem>>, %arg9: memref<125x80xi32, #tpu.memory_space<vmem>>, %arg10: memref<80x64xf32, #tpu.memory_space<vmem>>, %arg11: memref<80x64xf32, #tpu.memory_space<vmem>>, %arg12: memref<80x64xf32, #tpu.memory_space<vmem>>, %arg13: memref<125x64xf32, #tpu.memory_space<vmem>>, %arg14: memref<10000x64xf32, #tpu.memory_space<vmem_shared>>, %arg15: memref<!tpu.dma_semaphore, #tpu.memory_space<semaphore_mem>>, %arg16: memref<!tpu.dma_semaphore, #tpu.memory_space<semaphore_mem>>, %arg17: memref<!tpu.dma_semaphore, #tpu.memory_space<semaphore_mem>>, %arg18: memref<!tpu.dma_semaphore, #tpu.memory_space<semaphore_mem>>, %arg19: memref<!tpu.dma_semaphore, #tpu.memory_space<semaphore_mem>>, %arg20: memref<!tpu.dma_semaphore, #tpu.memory_space<semaphore_mem>>) attributes {dimension_semantics = [#tpu.dimension_semantics<core_parallel>, #tpu.dimension_semantics<subcore_parallel>], iteration_bounds = array<i64: 2, 16>, scalar_prefetch = 0 : i64, scratch_operands = 13 : i64, tpu.core_type = #tpu.core_type<sc_vector_subcore>, window_params = [{transform_indices = #map}, {transform_indices = #map}, {transform_indices = #map1}, {transform_indices = #map1}, {transform_indices = #map1}, {transform_indices = #map1}]} {
    %mul3A = arith.constant 2 : i32
    %mul3A_0 = arith.muli %arg1, %mul3A : i32
    %add3A = arith.addi %mul3A_0, %arg0 : i32
    %broadcast_in_dim3A = arith.constant 0.000000e+00 : f32
    %broadcast_in_dim3A_1 = vector.broadcast %broadcast_in_dim3A : f32 to vector<16xf32>
    %scan3A = arith.constant 0 : i32
    %scan3A_2 = arith.constant 0 : i32
    %scan3A_3 = arith.constant 125 : i32
    %scan3A_4 = arith.addi %scan3A_2, %scan3A_3 : i32
    %scan3A_5 = arith.constant 1 : i32
    scf.for %scan3A_205 = %scan3A_2 to %scan3A_4 step %scan3A_5  : i32 {
      %swap3A = arith.index_cast %scan3A_205 : i32 to index
      %swap3A_206 = arith.constant 0 : index
      %swap3A_207 = tpu.vector_load %arg13[%swap3A, %swap3A_206] {strides = array<i32>} : memref<125x64xf32, #tpu.memory_space<vmem>>, vector<1x16xf32>,
      %swap3A_208 = vector.shape_cast %swap3A_207 : vector<1x16xf32> to vector<16xf32>
      %swap3A_209 = vector.shape_cast %broadcast_in_dim3A_1 : vector<16xf32> to vector<1x16xf32>
      tpu.vector_store %arg13[%swap3A, %swap3A_206], %swap3A_209 {strides = array<i32>} : memref<125x64xf32, #tpu.memory_space<vmem>>, vector<1x16xf32>,
      %swap3A_210 = arith.index_cast %scan3A_205 : i32 to index
      %swap3A_211 = arith.constant 16 : index
      %swap3A_212 = tpu.vector_load %arg13[%swap3A_210, %swap3A_211] {strides = array<i32>} : memref<125x64xf32, #tpu.memory_space<vmem>>, vector<1x16xf32>,
      %swap3A_213 = vector.shape_cast %swap3A_212 : vector<1x16xf32> to vector<16xf32>
      %swap3A_214 = vector.shape_cast %broadcast_in_dim3A_1 : vector<16xf32> to vector<1x16xf32>
      tpu.vector_store %arg13[%swap3A_210, %swap3A_211], %swap3A_214 {strides = array<i32>} : memref<125x64xf32, #tpu.memory_space<vmem>>, vector<1x16xf32>,
      %swap3A_215 = arith.index_cast %scan3A_205 : i32 to index
      %swap3A_216 = arith.constant 32 : index
      %swap3A_217 = tpu.vector_load %arg13[%swap3A_215, %swap3A_216] {strides = array<i32>} : memref<125x64xf32, #tpu.memory_space<vmem>>, vector<1x16xf32>,
      %swap3A_218 = vector.shape_cast %swap3A_217 : vector<1x16xf32> to vector<16xf32>
      %swap3A_219 = vector.shape_cast %broadcast_in_dim3A_1 : vector<16xf32> to vector<1x16xf32>
      tpu.vector_store %arg13[%swap3A_215, %swap3A_216], %swap3A_219 {strides = array<i32>} : memref<125x64xf32, #tpu.memory_space<vmem>>, vector<1x16xf32>,
      %swap3A_220 = arith.index_cast %scan3A_205 : i32 to index
      %swap3A_221 = arith.constant 48 : index
      %swap3A_222 = tpu.vector_load %arg13[%swap3A_220, %swap3A_221] {strides = array<i32>} : memref<125x64xf32, #tpu.memory_space<vmem>>, vector<1x16xf32>,
      %swap3A_223 = vector.shape_cast %swap3A_222 : vector<1x16xf32> to vector<16xf32>
      %swap3A_224 = vector.shape_cast %broadcast_in_dim3A_1 : vector<16xf32> to vector<1x16xf32>
      tpu.vector_store %arg13[%swap3A_220, %swap3A_221], %swap3A_224 {strides = array<i32>} : memref<125x64xf32, #tpu.memory_space<vmem>>, vector<1x16xf32>,
    }
    %scan3A_6 = arith.constant 125 : i32
    "tpu.region"() ({
      %run_scoped3A = tpu.sem_alloc : memref<!tpu.dma_semaphore, #tpu.memory_space<semaphore_mem>>
      %dma_start3A_205 = arith.constant 0 : i32
      %dma_start3A_206 = arith.constant 0 : i32
      %dma_start3A_207 = tpu.memref_slice %arg4[%add3A, %dma_start3A_205, %dma_start3A_206] : memref<32x125x80xi32, #tpu.memory_space<hbm>> -> memref<1x125x80xi32, #tpu.memory_space<hbm>>
      %dma_start3A_208 = tpu.memref_squeeze %dma_start3A_207 : memref<1x125x80xi32, #tpu.memory_space<hbm>> -> memref<125x80xi32, #tpu.memory_space<hbm>>
      %dma_start3A_209 = arith.constant 0 : i32
      %dma_start3A_210 = arith.constant 0 : i32
      %dma_start3A_211 = tpu.memref_slice %arg4[%add3A, %dma_start3A_209, %dma_start3A_210] : memref<32x125x80xi32, #tpu.memory_space<hbm>> -> memref<1x125x80xi32, #tpu.memory_space<hbm>>
      %dma_start3A_212 = tpu.memref_squeeze %dma_start3A_211 : memref<1x125x80xi32, #tpu.memory_space<hbm>> -> memref<125x80xi32, #tpu.memory_space<hbm>>
      tpu.enqueue_dma source(%dma_start3A_212 : memref<125x80xi32, #tpu.memory_space<hbm>>) target(%arg8 : memref<125x80xi32, #tpu.memory_space<vmem>>) target_semaphore(%run_scoped3A : memref<!tpu.dma_semaphore, #tpu.memory_space<semaphore_mem>>)
      %dma_wait3A_213 = arith.constant 0 : i32
      %dma_wait3A_214 = arith.constant 0 : i32
      %dma_wait3A_215 = tpu.memref_slice %arg4[%add3A, %dma_wait3A_213, %dma_wait3A_214] : memref<32x125x80xi32, #tpu.memory_space<hbm>> -> memref<1x125x80xi32, #tpu.memory_space<hbm>>
      %dma_wait3A_216 = tpu.memref_squeeze %dma_wait3A_215 : memref<1x125x80xi32, #tpu.memory_space<hbm>> -> memref<125x80xi32, #tpu.memory_space<hbm>>
      %dma_wait3A_217 = arith.constant 0 : i32
      %dma_wait3A_218 = arith.constant 0 : i32
      %dma_wait3A_219 = tpu.memref_slice %arg4[%add3A, %dma_wait3A_217, %dma_wait3A_218] : memref<32x125x80xi32, #tpu.memory_space<hbm>> -> memref<1x125x80xi32, #tpu.memory_space<hbm>>
      %dma_wait3A_220 = tpu.memref_squeeze %dma_wait3A_219 : memref<1x125x80xi32, #tpu.memory_space<hbm>> -> memref<125x80xi32, #tpu.memory_space<hbm>>
      tpu.wait_dma2 semaphore(%run_scoped3A : memref<!tpu.dma_semaphore, #tpu.memory_space<semaphore_mem>>) src(%dma_wait3A_220 : memref<125x80xi32, #tpu.memory_space<hbm>>) dst(%arg8 : memref<125x80xi32, #tpu.memory_space<vmem>>)
      tpu.yield
    }) : () -> ()
    "tpu.region"() ({
      %run_scoped3A = tpu.sem_alloc : memref<!tpu.dma_semaphore, #tpu.memory_space<semaphore_mem>>
      %dma_start3A_205 = arith.constant 0 : i32
      %dma_start3A_206 = arith.constant 0 : i32
      %dma_start3A_207 = tpu.memref_slice %arg5[%add3A, %dma_start3A_205, %dma_start3A_206] : memref<32x125x80xi32, #tpu.memory_space<hbm>> -> memref<1x125x80xi32, #tpu.memory_space<hbm>>
      %dma_start3A_208 = tpu.memref_squeeze %dma_start3A_207 : memref<1x125x80xi32, #tpu.memory_space<hbm>> -> memref<125x80xi32, #tpu.memory_space<hbm>>
      %dma_start3A_209 = arith.constant 0 : i32
      %dma_start3A_210 = arith.constant 0 : i32
      %dma_start3A_211 = tpu.memref_slice %arg5[%add3A, %dma_start3A_209, %dma_start3A_210] : memref<32x125x80xi32, #tpu.memory_space<hbm>> -> memref<1x125x80xi32, #tpu.memory_space<hbm>>
      %dma_start3A_212 = tpu.memref_squeeze %dma_start3A_211 : memref<1x125x80xi32, #tpu.memory_space<hbm>> -> memref<125x80xi32, #tpu.memory_space<hbm>>
      tpu.enqueue_dma source(%dma_start3A_212 : memref<125x80xi32, #tpu.memory_space<hbm>>) target(%arg9 : memref<125x80xi32, #tpu.memory_space<vmem>>) target_semaphore(%run_scoped3A : memref<!tpu.dma_semaphore, #tpu.memory_space<semaphore_mem>>)
      %dma_wait3A_213 = arith.constant 0 : i32
      %dma_wait3A_214 = arith.constant 0 : i32
      %dma_wait3A_215 = tpu.memref_slice %arg5[%add3A, %dma_wait3A_213, %dma_wait3A_214] : memref<32x125x80xi32, #tpu.memory_space<hbm>> -> memref<1x125x80xi32, #tpu.memory_space<hbm>>
      %dma_wait3A_216 = tpu.memref_squeeze %dma_wait3A_215 : memref<1x125x80xi32, #tpu.memory_space<hbm>> -> memref<125x80xi32, #tpu.memory_space<hbm>>
      %dma_wait3A_217 = arith.constant 0 : i32
      %dma_wait3A_218 = arith.constant 0 : i32
      %dma_wait3A_219 = tpu.memref_slice %arg5[%add3A, %dma_wait3A_217, %dma_wait3A_218] : memref<32x125x80xi32, #tpu.memory_space<hbm>> -> memref<1x125x80xi32, #tpu.memory_space<hbm>>
      %dma_wait3A_220 = tpu.memref_squeeze %dma_wait3A_219 : memref<1x125x80xi32, #tpu.memory_space<hbm>> -> memref<125x80xi32, #tpu.memory_space<hbm>>
      tpu.wait_dma2 semaphore(%run_scoped3A : memref<!tpu.dma_semaphore, #tpu.memory_space<semaphore_mem>>) src(%dma_wait3A_220 : memref<125x80xi32, #tpu.memory_space<hbm>>) dst(%arg9 : memref<125x80xi32, #tpu.memory_space<vmem>>)
      tpu.yield
    }) : () -> ()
    %mul3A_7 = arith.constant 625 : i32
    %mul3A_8 = arith.muli %arg1, %mul3A_7 : i32
    %add3A_9 = arith.constant 0 : i32
    %add3A_10 = arith.addi %mul3A_8, %add3A_9 : i32
    "tpu.region"() ({
      %run_scoped3A = tpu.sem_alloc : memref<!tpu.dma_semaphore, #tpu.memory_space<semaphore_mem>>
      %dma_start3A_205 = arith.constant 0 : i32
      %dma_start3A_206 = tpu.memref_slice %arg14[%add3A_10, %dma_start3A_205] : memref<10000x64xf32, #tpu.memory_space<vmem_shared>> -> memref<125x64xf32, #tpu.memory_space<vmem_shared>>
      %dma_start3A_207 = arith.constant 0 : i32
      %dma_start3A_208 = tpu.memref_slice %arg14[%add3A_10, %dma_start3A_207] : memref<10000x64xf32, #tpu.memory_space<vmem_shared>> -> memref<125x64xf32, #tpu.memory_space<vmem_shared>>
      tpu.enqueue_dma source(%arg13 : memref<125x64xf32, #tpu.memory_space<vmem>>) target(%dma_start3A_208 : memref<125x64xf32, #tpu.memory_space<vmem_shared>>) target_semaphore(%run_scoped3A : memref<!tpu.dma_semaphore, #tpu.memory_space<semaphore_mem>>)
      %dma_wait3A_209 = arith.constant 0 : i32
      %dma_wait3A_210 = tpu.memref_slice %arg14[%add3A_10, %dma_wait3A_209] : memref<10000x64xf32, #tpu.memory_space<vmem_shared>> -> memref<125x64xf32, #tpu.memory_space<vmem_shared>>
      %dma_wait3A_211 = arith.constant 0 : i32
      %dma_wait3A_212 = tpu.memref_slice %arg14[%add3A_10, %dma_wait3A_211] : memref<10000x64xf32, #tpu.memory_space<vmem_shared>> -> memref<125x64xf32, #tpu.memory_space<vmem_shared>>
      tpu.wait_dma2 semaphore(%run_scoped3A : memref<!tpu.dma_semaphore, #tpu.memory_space<semaphore_mem>>) src(%arg13 : memref<125x64xf32, #tpu.memory_space<vmem>>) dst(%dma_wait3A_212 : memref<125x64xf32, #tpu.memory_space<vmem_shared>>)
      tpu.yield
    }) : () -> ()
    %mul3A_11 = arith.constant 625 : i32
    %mul3A_12 = arith.muli %arg1, %mul3A_11 : i32
    %add3A_13 = arith.constant 125 : i32
    %add3A_14 = arith.addi %mul3A_12, %add3A_13 : i32
    "tpu.region"() ({
      %run_scoped3A = tpu.sem_alloc : memref<!tpu.dma_semaphore, #tpu.memory_space<semaphore_mem>>
      %dma_start3A_205 = arith.constant 0 : i32
      %dma_start3A_206 = tpu.memref_slice %arg14[%add3A_14, %dma_start3A_205] : memref<10000x64xf32, #tpu.memory_space<vmem_shared>> -> memref<125x64xf32, #tpu.memory_space<vmem_shared>>
      %dma_start3A_207 = arith.constant 0 : i32
      %dma_start3A_208 = tpu.memref_slice %arg14[%add3A_14, %dma_start3A_207] : memref<10000x64xf32, #tpu.memory_space<vmem_shared>> -> memref<125x64xf32, #tpu.memory_space<vmem_shared>>
      tpu.enqueue_dma source(%arg13 : memref<125x64xf32, #tpu.memory_space<vmem>>) target(%dma_start3A_208 : memref<125x64xf32, #tpu.memory_space<vmem_shared>>) target_semaphore(%run_scoped3A : memref<!tpu.dma_semaphore, #tpu.memory_space<semaphore_mem>>)
      %dma_wait3A_209 = arith.constant 0 : i32
      %dma_wait3A_210 = tpu.memref_slice %arg14[%add3A_14, %dma_wait3A_209] : memref<10000x64xf32, #tpu.memory_space<vmem_shared>> -> memref<125x64xf32, #tpu.memory_space<vmem_shared>>
      %dma_wait3A_211 = arith.constant 0 : i32
      %dma_wait3A_212 = tpu.memref_slice %arg14[%add3A_14, %dma_wait3A_211] : memref<10000x64xf32, #tpu.memory_space<vmem_shared>> -> memref<125x64xf32, #tpu.memory_space<vmem_shared>>
      tpu.wait_dma2 semaphore(%run_scoped3A : memref<!tpu.dma_semaphore, #tpu.memory_space<semaphore_mem>>) src(%arg13 : memref<125x64xf32, #tpu.memory_space<vmem>>) dst(%dma_wait3A_212 : memref<125x64xf32, #tpu.memory_space<vmem_shared>>)
      tpu.yield
    }) : () -> ()
    %mul3A_15 = arith.constant 625 : i32
    %mul3A_16 = arith.muli %arg1, %mul3A_15 : i32
    %add3A_17 = arith.constant 250 : i32
    %add3A_18 = arith.addi %mul3A_16, %add3A_17 : i32
    "tpu.region"() ({
      %run_scoped3A = tpu.sem_alloc : memref<!tpu.dma_semaphore, #tpu.memory_space<semaphore_mem>>
      %dma_start3A_205 = arith.constant 0 : i32
      %dma_start3A_206 = tpu.memref_slice %arg14[%add3A_18, %dma_start3A_205] : memref<10000x64xf32, #tpu.memory_space<vmem_shared>> -> memref<125x64xf32, #tpu.memory_space<vmem_shared>>
      %dma_start3A_207 = arith.constant 0 : i32
      %dma_start3A_208 = tpu.memref_slice %arg14[%add3A_18, %dma_start3A_207] : memref<10000x64xf32, #tpu.memory_space<vmem_shared>> -> memref<125x64xf32, #tpu.memory_space<vmem_shared>>
      tpu.enqueue_dma source(%arg13 : memref<125x64xf32, #tpu.memory_space<vmem>>) target(%dma_start3A_208 : memref<125x64xf32, #tpu.memory_space<vmem_shared>>) target_semaphore(%run_scoped3A : memref<!tpu.dma_semaphore, #tpu.memory_space<semaphore_mem>>)
      %dma_wait3A_209 = arith.constant 0 : i32
      %dma_wait3A_210 = tpu.memref_slice %arg14[%add3A_18, %dma_wait3A_209] : memref<10000x64xf32, #tpu.memory_space<vmem_shared>> -> memref<125x64xf32, #tpu.memory_space<vmem_shared>>
      %dma_wait3A_211 = arith.constant 0 : i32
      %dma_wait3A_212 = tpu.memref_slice %arg14[%add3A_18, %dma_wait3A_211] : memref<10000x64xf32, #tpu.memory_space<vmem_shared>> -> memref<125x64xf32, #tpu.memory_space<vmem_shared>>
      tpu.wait_dma2 semaphore(%run_scoped3A : memref<!tpu.dma_semaphore, #tpu.memory_space<semaphore_mem>>) src(%arg13 : memref<125x64xf32, #tpu.memory_space<vmem>>) dst(%dma_wait3A_212 : memref<125x64xf32, #tpu.memory_space<vmem_shared>>)
      tpu.yield
    }) : () -> ()
    %mul3A_19 = arith.constant 625 : i32
    %mul3A_20 = arith.muli %arg1, %mul3A_19 : i32
    %add3A_21 = arith.constant 375 : i32
    %add3A_22 = arith.addi %mul3A_20, %add3A_21 : i32
    "tpu.region"() ({
      %run_scoped3A = tpu.sem_alloc : memref<!tpu.dma_semaphore, #tpu.memory_space<semaphore_mem>>
      %dma_start3A_205 = arith.constant 0 : i32
      %dma_start3A_206 = tpu.memref_slice %arg14[%add3A_22, %dma_start3A_205] : memref<10000x64xf32, #tpu.memory_space<vmem_shared>> -> memref<125x64xf32, #tpu.memory_space<vmem_shared>>
      %dma_start3A_207 = arith.constant 0 : i32
      %dma_start3A_208 = tpu.memref_slice %arg14[%add3A_22, %dma_start3A_207] : memref<10000x64xf32, #tpu.memory_space<vmem_shared>> -> memref<125x64xf32, #tpu.memory_space<vmem_shared>>
      tpu.enqueue_dma source(%arg13 : memref<125x64xf32, #tpu.memory_space<vmem>>) target(%dma_start3A_208 : memref<125x64xf32, #tpu.memory_space<vmem_shared>>) target_semaphore(%run_scoped3A : memref<!tpu.dma_semaphore, #tpu.memory_space<semaphore_mem>>)
      %dma_wait3A_209 = arith.constant 0 : i32
      %dma_wait3A_210 = tpu.memref_slice %arg14[%add3A_22, %dma_wait3A_209] : memref<10000x64xf32, #tpu.memory_space<vmem_shared>> -> memref<125x64xf32, #tpu.memory_space<vmem_shared>>
      %dma_wait3A_211 = arith.constant 0 : i32
      %dma_wait3A_212 = tpu.memref_slice %arg14[%add3A_22, %dma_wait3A_211] : memref<10000x64xf32, #tpu.memory_space<vmem_shared>> -> memref<125x64xf32, #tpu.memory_space<vmem_shared>>
      tpu.wait_dma2 semaphore(%run_scoped3A : memref<!tpu.dma_semaphore, #tpu.memory_space<semaphore_mem>>) src(%arg13 : memref<125x64xf32, #tpu.memory_space<vmem>>) dst(%dma_wait3A_212 : memref<125x64xf32, #tpu.memory_space<vmem_shared>>)
      tpu.yield
    }) : () -> ()
    %mul3A_23 = arith.constant 625 : i32
    %mul3A_24 = arith.muli %arg1, %mul3A_23 : i32
    %add3A_25 = arith.constant 500 : i32
    %add3A_26 = arith.addi %mul3A_24, %add3A_25 : i32
    "tpu.region"() ({
      %run_scoped3A = tpu.sem_alloc : memref<!tpu.dma_semaphore, #tpu.memory_space<semaphore_mem>>
      %dma_start3A_205 = arith.constant 0 : i32
      %dma_start3A_206 = tpu.memref_slice %arg14[%add3A_26, %dma_start3A_205] : memref<10000x64xf32, #tpu.memory_space<vmem_shared>> -> memref<125x64xf32, #tpu.memory_space<vmem_shared>>
      %dma_start3A_207 = arith.constant 0 : i32
      %dma_start3A_208 = tpu.memref_slice %arg14[%add3A_26, %dma_start3A_207] : memref<10000x64xf32, #tpu.memory_space<vmem_shared>> -> memref<125x64xf32, #tpu.memory_space<vmem_shared>>
      tpu.enqueue_dma source(%arg13 : memref<125x64xf32, #tpu.memory_space<vmem>>) target(%dma_start3A_208 : memref<125x64xf32, #tpu.memory_space<vmem_shared>>) target_semaphore(%run_scoped3A : memref<!tpu.dma_semaphore, #tpu.memory_space<semaphore_mem>>)
      %dma_wait3A_209 = arith.constant 0 : i32
      %dma_wait3A_210 = tpu.memref_slice %arg14[%add3A_26, %dma_wait3A_209] : memref<10000x64xf32, #tpu.memory_space<vmem_shared>> -> memref<125x64xf32, #tpu.memory_space<vmem_shared>>
      %dma_wait3A_211 = arith.constant 0 : i32
      %dma_wait3A_212 = tpu.memref_slice %arg14[%add3A_26, %dma_wait3A_211] : memref<10000x64xf32, #tpu.memory_space<vmem_shared>> -> memref<125x64xf32, #tpu.memory_space<vmem_shared>>
      tpu.wait_dma2 semaphore(%run_scoped3A : memref<!tpu.dma_semaphore, #tpu.memory_space<semaphore_mem>>) src(%arg13 : memref<125x64xf32, #tpu.memory_space<vmem>>) dst(%dma_wait3A_212 : memref<125x64xf32, #tpu.memory_space<vmem_shared>>)
      tpu.yield
    }) : () -> ()
    %barrier3A = arith.constant 0 : index
    tpu.barrier barrier_id(%barrier3A)
    %dma_start3A = arith.constant 0 : i32
    %dma_start3A_27 = arith.constant 0 : i32
    %dma_start3A_28 = tpu.memref_slice %arg8[%dma_start3A, %dma_start3A_27] : memref<125x80xi32, #tpu.memory_space<vmem>> -> memref<1x80xi32, #tpu.memory_space<vmem>>
    %dma_start3A_29 = tpu.memref_squeeze %dma_start3A_28 : memref<1x80xi32, #tpu.memory_space<vmem>> -> memref<80xi32, #tpu.memory_space<vmem>>
    %dma_start3A_30 = arith.constant 0 : i32
    %dma_start3A_31 = arith.constant 0 : i32
    %dma_start3A_32 = tpu.memref_slice %arg2[%dma_start3A_30, %dma_start3A_31] : memref<10000x64xf32, #tpu.memory_space<hbm>> -> memref<10000x64xf32, #tpu.memory_space<hbm>>
    tpu.enqueue_indirect_dma source(%dma_start3A_32 : memref<10000x64xf32, #tpu.memory_space<hbm>>) target(%arg10 : memref<80x64xf32, #tpu.memory_space<vmem>>) offsets(%dma_start3A_29 : memref<80xi32, #tpu.memory_space<vmem>>) semaphore(%arg15 : memref<!tpu.dma_semaphore, #tpu.memory_space<semaphore_mem>>)
    %dma_start3A_33 = arith.constant 1 : i32
    %dma_start3A_34 = arith.constant 0 : i32
    %dma_start3A_35 = tpu.memref_slice %arg8[%dma_start3A_33, %dma_start3A_34] : memref<125x80xi32, #tpu.memory_space<vmem>> -> memref<1x80xi32, #tpu.memory_space<vmem>>
    %dma_start3A_36 = tpu.memref_squeeze %dma_start3A_35 : memref<1x80xi32, #tpu.memory_space<vmem>> -> memref<80xi32, #tpu.memory_space<vmem>>
    %dma_start3A_37 = arith.constant 0 : i32
    %dma_start3A_38 = arith.constant 0 : i32
    %dma_start3A_39 = tpu.memref_slice %arg2[%dma_start3A_37, %dma_start3A_38] : memref<10000x64xf32, #tpu.memory_space<hbm>> -> memref<10000x64xf32, #tpu.memory_space<hbm>>
    tpu.enqueue_indirect_dma source(%dma_start3A_39 : memref<10000x64xf32, #tpu.memory_space<hbm>>) target(%arg11 : memref<80x64xf32, #tpu.memory_space<vmem>>) offsets(%dma_start3A_36 : memref<80xi32, #tpu.memory_space<vmem>>) semaphore(%arg16 : memref<!tpu.dma_semaphore, #tpu.memory_space<semaphore_mem>>)
    %dma_start3A_40 = arith.constant 0 : i32
    %dma_start3A_41 = arith.constant 0 : i32
    %dma_start3A_42 = arith.constant 0 : i32
    %dma_start3A_43 = tpu.memref_slice %arg13[%dma_start3A_41, %dma_start3A_42] : memref<125x64xf32, #tpu.memory_space<vmem>> -> memref<80x64xf32, #tpu.memory_space<vmem>>
    %dma_start3A_44 = arith.constant 0 : i32
    %dma_start3A_45 = tpu.memref_slice %arg9[%dma_start3A_40, %dma_start3A_44] : memref<125x80xi32, #tpu.memory_space<vmem>> -> memref<1x80xi32, #tpu.memory_space<vmem>>
    %dma_start3A_46 = tpu.memref_squeeze %dma_start3A_45 : memref<1x80xi32, #tpu.memory_space<vmem>> -> memref<80xi32, #tpu.memory_space<vmem>>
    %dma_start3A_47 = arith.constant 0 : i32
    %dma_start3A_48 = arith.constant 0 : i32
    %dma_start3A_49 = tpu.memref_slice %arg14[%dma_start3A_47, %dma_start3A_48] : memref<10000x64xf32, #tpu.memory_space<vmem_shared>> -> memref<10000x64xf32, #tpu.memory_space<vmem_shared>>
    tpu.enqueue_indirect_dma source(%dma_start3A_43 : memref<80x64xf32, #tpu.memory_space<vmem>>) target(%dma_start3A_49 : memref<10000x64xf32, #tpu.memory_space<vmem_shared>>) offsets(%dma_start3A_46 : memref<80xi32, #tpu.memory_space<vmem>>) semaphore(%arg20 : memref<!tpu.dma_semaphore, #tpu.memory_space<semaphore_mem>>) {add = true}
    %scan3A_50 = arith.constant 0 : i32
    %scan3A_51 = arith.constant 0 : i32
    %scan3A_52 = arith.constant 41 : i32
    %scan3A_53 = arith.addi %scan3A_51, %scan3A_52 : i32
    %scan3A_54 = arith.constant 1 : i32
    scf.for %scan3A_205 = %scan3A_51 to %scan3A_53 step %scan3A_54  : i32 {
      %mul3A_206 = arith.constant 3 : i32
      %mul3A_207 = arith.muli %mul3A_206, %scan3A_205 : i32
      %dma_wait3A_208 = arith.constant 0 : i32
      %dma_wait3A_209 = arith.constant 0 : i32
      %dma_wait3A_210 = tpu.memref_slice %arg2[%dma_wait3A_208, %dma_wait3A_209] : memref<10000x64xf32, #tpu.memory_space<hbm>> -> memref<80x64xf32, #tpu.memory_space<hbm>>
      %dma_wait3A_211 = arith.constant 0 : i32
      %dma_wait3A_212 = arith.constant 0 : i32
      %dma_wait3A_213 = tpu.memref_slice %arg2[%dma_wait3A_211, %dma_wait3A_212] : memref<10000x64xf32, #tpu.memory_space<hbm>> -> memref<80x64xf32, #tpu.memory_space<hbm>>
      tpu.wait_dma2 semaphore(%arg15 : memref<!tpu.dma_semaphore, #tpu.memory_space<semaphore_mem>>) src(%dma_wait3A_213 : memref<80x64xf32, #tpu.memory_space<hbm>>) dst(%arg10 : memref<80x64xf32, #tpu.memory_space<vmem>>)
      %dma_start3A_214 = arith.constant 0 : i32
      %dma_start3A_215 = tpu.memref_slice %arg9[%mul3A_207, %dma_start3A_214] : memref<125x80xi32, #tpu.memory_space<vmem>> -> memref<1x80xi32, #tpu.memory_space<vmem>>
      %dma_start3A_216 = tpu.memref_squeeze %dma_start3A_215 : memref<1x80xi32, #tpu.memory_space<vmem>> -> memref<80xi32, #tpu.memory_space<vmem>>
      %dma_start3A_217 = arith.constant 0 : i32
      %dma_start3A_218 = arith.constant 0 : i32
      %dma_start3A_219 = tpu.memref_slice %arg14[%dma_start3A_217, %dma_start3A_218] : memref<10000x64xf32, #tpu.memory_space<vmem_shared>> -> memref<10000x64xf32, #tpu.memory_space<vmem_shared>>
      tpu.enqueue_indirect_dma source(%arg10 : memref<80x64xf32, #tpu.memory_space<vmem>>) target(%dma_start3A_219 : memref<10000x64xf32, #tpu.memory_space<vmem_shared>>) offsets(%dma_start3A_216 : memref<80xi32, #tpu.memory_space<vmem>>) semaphore(%arg18 : memref<!tpu.dma_semaphore, #tpu.memory_space<semaphore_mem>>) {add = true}
      %dma_wait3A_220 = arith.constant 0 : i32
      %dma_wait3A_221 = arith.constant 0 : i32
      %dma_wait3A_222 = tpu.memref_slice %arg14[%dma_wait3A_220, %dma_wait3A_221] : memref<10000x64xf32, #tpu.memory_space<vmem_shared>> -> memref<80x64xf32, #tpu.memory_space<vmem_shared>>
      %dma_wait3A_223 = arith.constant 0 : i32
      %dma_wait3A_224 = arith.constant 0 : i32
      %dma_wait3A_225 = tpu.memref_slice %arg14[%dma_wait3A_223, %dma_wait3A_224] : memref<10000x64xf32, #tpu.memory_space<vmem_shared>> -> memref<80x64xf32, #tpu.memory_space<vmem_shared>>
      tpu.wait_dma2 semaphore(%arg20 : memref<!tpu.dma_semaphore, #tpu.memory_space<semaphore_mem>>) src(%arg12 : memref<80x64xf32, #tpu.memory_space<vmem>>) dst(%dma_wait3A_225 : memref<80x64xf32, #tpu.memory_space<vmem_shared>>)
      %add3A_226 = arith.constant 2 : i32
      %add3A_227 = arith.addi %mul3A_207, %add3A_226 : i32
      %dma_start3A_228 = arith.constant 0 : i32
      %dma_start3A_229 = tpu.memref_slice %arg8[%add3A_227, %dma_start3A_228] : memref<125x80xi32, #tpu.memory_space<vmem>> -> memref<1x80xi32, #tpu.memory_space<vmem>>
      %dma_start3A_230 = tpu.memref_squeeze %dma_start3A_229 : memref<1x80xi32, #tpu.memory_space<vmem>> -> memref<80xi32, #tpu.memory_space<vmem>>
      %dma_start3A_231 = arith.constant 0 : i32
      %dma_start3A_232 = arith.constant 0 : i32
      %dma_start3A_233 = tpu.memref_slice %arg2[%dma_start3A_231, %dma_start3A_232] : memref<10000x64xf32, #tpu.memory_space<hbm>> -> memref<10000x64xf32, #tpu.memory_space<hbm>>
      tpu.enqueue_indirect_dma source(%dma_start3A_233 : memref<10000x64xf32, #tpu.memory_space<hbm>>) target(%arg12 : memref<80x64xf32, #tpu.memory_space<vmem>>) offsets(%dma_start3A_230 : memref<80xi32, #tpu.memory_space<vmem>>) semaphore(%arg17 : memref<!tpu.dma_semaphore, #tpu.memory_space<semaphore_mem>>)
      %add3A_234 = arith.constant 1 : i32
      %add3A_235 = arith.addi %mul3A_207, %add3A_234 : i32
      %dma_wait3A_236 = arith.constant 0 : i32
      %dma_wait3A_237 = arith.constant 0 : i32
      %dma_wait3A_238 = tpu.memref_slice %arg2[%dma_wait3A_236, %dma_wait3A_237] : memref<10000x64xf32, #tpu.memory_space<hbm>> -> memref<80x64xf32, #tpu.memory_space<hbm>>
      %dma_wait3A_239 = arith.constant 0 : i32
      %dma_wait3A_240 = arith.constant 0 : i32
      %dma_wait3A_241 = tpu.memref_slice %arg2[%dma_wait3A_239, %dma_wait3A_240] : memref<10000x64xf32, #tpu.memory_space<hbm>> -> memref<80x64xf32, #tpu.memory_space<hbm>>
      tpu.wait_dma2 semaphore(%arg16 : memref<!tpu.dma_semaphore, #tpu.memory_space<semaphore_mem>>) src(%dma_wait3A_241 : memref<80x64xf32, #tpu.memory_space<hbm>>) dst(%arg11 : memref<80x64xf32, #tpu.memory_space<vmem>>)
      %dma_start3A_242 = arith.constant 0 : i32
      %dma_start3A_243 = tpu.memref_slice %arg9[%add3A_235, %dma_start3A_242] : memref<125x80xi32, #tpu.memory_space<vmem>> -> memref<1x80xi32, #tpu.memory_space<vmem>>
      %dma_start3A_244 = tpu.memref_squeeze %dma_start3A_243 : memref<1x80xi32, #tpu.memory_space<vmem>> -> memref<80xi32, #tpu.memory_space<vmem>>
      %dma_start3A_245 = arith.constant 0 : i32
      %dma_start3A_246 = arith.constant 0 : i32
      %dma_start3A_247 = tpu.memref_slice %arg14[%dma_start3A_245, %dma_start3A_246] : memref<10000x64xf32, #tpu.memory_space<vmem_shared>> -> memref<10000x64xf32, #tpu.memory_space<vmem_shared>>
      tpu.enqueue_indirect_dma source(%arg11 : memref<80x64xf32, #tpu.memory_space<vmem>>) target(%dma_start3A_247 : memref<10000x64xf32, #tpu.memory_space<vmem_shared>>) offsets(%dma_start3A_244 : memref<80xi32, #tpu.memory_space<vmem>>) semaphore(%arg19 : memref<!tpu.dma_semaphore, #tpu.memory_space<semaphore_mem>>) {add = true}
      %dma_wait3A_248 = arith.constant 0 : i32
      %dma_wait3A_249 = arith.constant 0 : i32
      %dma_wait3A_250 = tpu.memref_slice %arg14[%dma_wait3A_248, %dma_wait3A_249] : memref<10000x64xf32, #tpu.memory_space<vmem_shared>> -> memref<80x64xf32, #tpu.memory_space<vmem_shared>>
      %dma_wait3A_251 = arith.constant 0 : i32
      %dma_wait3A_252 = arith.constant 0 : i32
      %dma_wait3A_253 = tpu.memref_slice %arg14[%dma_wait3A_251, %dma_wait3A_252] : memref<10000x64xf32, #tpu.memory_space<vmem_shared>> -> memref<80x64xf32, #tpu.memory_space<vmem_shared>>
      tpu.wait_dma2 semaphore(%arg18 : memref<!tpu.dma_semaphore, #tpu.memory_space<semaphore_mem>>) src(%arg10 : memref<80x64xf32, #tpu.memory_space<vmem>>) dst(%dma_wait3A_253 : memref<80x64xf32, #tpu.memory_space<vmem_shared>>)
      %add3A_254 = arith.constant 2 : i32
      %add3A_255 = arith.addi %add3A_235, %add3A_254 : i32
      %dma_start3A_256 = arith.constant 0 : i32
      %dma_start3A_257 = tpu.memref_slice %arg8[%add3A_255, %dma_start3A_256] : memref<125x80xi32, #tpu.memory_space<vmem>> -> memref<1x80xi32, #tpu.memory_space<vmem>>
      %dma_start3A_258 = tpu.memref_squeeze %dma_start3A_257 : memref<1x80xi32, #tpu.memory_space<vmem>> -> memref<80xi32, #tpu.memory_space<vmem>>
      %dma_start3A_259 = arith.constant 0 : i32
      %dma_start3A_260 = arith.constant 0 : i32
      %dma_start3A_261 = tpu.memref_slice %arg2[%dma_start3A_259, %dma_start3A_260] : memref<10000x64xf32, #tpu.memory_space<hbm>> -> memref<10000x64xf32, #tpu.memory_space<hbm>>
      tpu.enqueue_indirect_dma source(%dma_start3A_261 : memref<10000x64xf32, #tpu.memory_space<hbm>>) target(%arg10 : memref<80x64xf32, #tpu.memory_space<vmem>>) offsets(%dma_start3A_258 : memref<80xi32, #tpu.memory_space<vmem>>) semaphore(%arg15 : memref<!tpu.dma_semaphore, #tpu.memory_space<semaphore_mem>>)
      %add3A_262 = arith.constant 2 : i32
      %add3A_263 = arith.addi %mul3A_207, %add3A_262 : i32
      %dma_wait3A_264 = arith.constant 0 : i32
      %dma_wait3A_265 = arith.constant 0 : i32
      %dma_wait3A_266 = tpu.memref_slice %arg2[%dma_wait3A_264, %dma_wait3A_265] : memref<10000x64xf32, #tpu.memory_space<hbm>> -> memref<80x64xf32, #tpu.memory_space<hbm>>
      %dma_wait3A_267 = arith.constant 0 : i32
      %dma_wait3A_268 = arith.constant 0 : i32
      %dma_wait3A_269 = tpu.memref_slice %arg2[%dma_wait3A_267, %dma_wait3A_268] : memref<10000x64xf32, #tpu.memory_space<hbm>> -> memref<80x64xf32, #tpu.memory_space<hbm>>
      tpu.wait_dma2 semaphore(%arg17 : memref<!tpu.dma_semaphore, #tpu.memory_space<semaphore_mem>>) src(%dma_wait3A_269 : memref<80x64xf32, #tpu.memory_space<hbm>>) dst(%arg12 : memref<80x64xf32, #tpu.memory_space<vmem>>)
      %dma_start3A_270 = arith.constant 0 : i32
      %dma_start3A_271 = tpu.memref_slice %arg9[%add3A_263, %dma_start3A_270] : memref<125x80xi32, #tpu.memory_space<vmem>> -> memref<1x80xi32, #tpu.memory_space<vmem>>
      %dma_start3A_272 = tpu.memref_squeeze %dma_start3A_271 : memref<1x80xi32, #tpu.memory_space<vmem>> -> memref<80xi32, #tpu.memory_space<vmem>>
      %dma_start3A_273 = arith.constant 0 : i32
      %dma_start3A_274 = arith.constant 0 : i32
      %dma_start3A_275 = tpu.memref_slice %arg14[%dma_start3A_273, %dma_start3A_274] : memref<10000x64xf32, #tpu.memory_space<vmem_shared>> -> memref<10000x64xf32, #tpu.memory_space<vmem_shared>>
      tpu.enqueue_indirect_dma source(%arg12 : memref<80x64xf32, #tpu.memory_space<vmem>>) target(%dma_start3A_275 : memref<10000x64xf32, #tpu.memory_space<vmem_shared>>) offsets(%dma_start3A_272 : memref<80xi32, #tpu.memory_space<vmem>>) semaphore(%arg20 : memref<!tpu.dma_semaphore, #tpu.memory_space<semaphore_mem>>) {add = true}
      %dma_wait3A_276 = arith.constant 0 : i32
      %dma_wait3A_277 = arith.constant 0 : i32
      %dma_wait3A_278 = tpu.memref_slice %arg14[%dma_wait3A_276, %dma_wait3A_277] : memref<10000x64xf32, #tpu.memory_space<vmem_shared>> -> memref<80x64xf32, #tpu.memory_space<vmem_shared>>
      %dma_wait3A_279 = arith.constant 0 : i32
      %dma_wait3A_280 = arith.constant 0 : i32
      %dma_wait3A_281 = tpu.memref_slice %arg14[%dma_wait3A_279, %dma_wait3A_280] : memref<10000x64xf32, #tpu.memory_space<vmem_shared>> -> memref<80x64xf32, #tpu.memory_space<vmem_shared>>
      tpu.wait_dma2 semaphore(%arg19 : memref<!tpu.dma_semaphore, #tpu.memory_space<semaphore_mem>>) src(%arg11 : memref<80x64xf32, #tpu.memory_space<vmem>>) dst(%dma_wait3A_281 : memref<80x64xf32, #tpu.memory_space<vmem_shared>>)
      %add3A_282 = arith.constant 2 : i32
      %add3A_283 = arith.addi %add3A_263, %add3A_282 : i32
      %dma_start3A_284 = arith.constant 0 : i32
      %dma_start3A_285 = tpu.memref_slice %arg8[%add3A_283, %dma_start3A_284] : memref<125x80xi32, #tpu.memory_space<vmem>> -> memref<1x80xi32, #tpu.memory_space<vmem>>
      %dma_start3A_286 = tpu.memref_squeeze %dma_start3A_285 : memref<1x80xi32, #tpu.memory_space<vmem>> -> memref<80xi32, #tpu.memory_space<vmem>>
      %dma_start3A_287 = arith.constant 0 : i32
      %dma_start3A_288 = arith.constant 0 : i32
      %dma_start3A_289 = tpu.memref_slice %arg2[%dma_start3A_287, %dma_start3A_288] : memref<10000x64xf32, #tpu.memory_space<hbm>> -> memref<10000x64xf32, #tpu.memory_space<hbm>>
      tpu.enqueue_indirect_dma source(%dma_start3A_289 : memref<10000x64xf32, #tpu.memory_space<hbm>>) target(%arg11 : memref<80x64xf32, #tpu.memory_space<vmem>>) offsets(%dma_start3A_286 : memref<80xi32, #tpu.memory_space<vmem>>) semaphore(%arg16 : memref<!tpu.dma_semaphore, #tpu.memory_space<semaphore_mem>>)
    }
    %scan3A_55 = arith.constant 41 : i32
    %dma_wait3A = arith.constant 0 : i32
    %dma_wait3A_56 = arith.constant 0 : i32
    %dma_wait3A_57 = tpu.memref_slice %arg2[%dma_wait3A, %dma_wait3A_56] : memref<10000x64xf32, #tpu.memory_space<hbm>> -> memref<80x64xf32, #tpu.memory_space<hbm>>
    %dma_wait3A_58 = arith.constant 0 : i32
    %dma_wait3A_59 = arith.constant 0 : i32
    %dma_wait3A_60 = tpu.memref_slice %arg2[%dma_wait3A_58, %dma_wait3A_59] : memref<10000x64xf32, #tpu.memory_space<hbm>> -> memref<80x64xf32, #tpu.memory_space<hbm>>
    tpu.wait_dma2 semaphore(%arg15 : memref<!tpu.dma_semaphore, #tpu.memory_space<semaphore_mem>>) src(%dma_wait3A_60 : memref<80x64xf32, #tpu.memory_space<hbm>>) dst(%arg10 : memref<80x64xf32, #tpu.memory_space<vmem>>)
    %dma_start3A_61 = arith.constant 123 : i32
    %dma_start3A_62 = arith.constant 0 : i32
    %dma_start3A_63 = tpu.memref_slice %arg9[%dma_start3A_61, %dma_start3A_62] : memref<125x80xi32, #tpu.memory_space<vmem>> -> memref<1x80xi32, #tpu.memory_space<vmem>>
    %dma_start3A_64 = tpu.memref_squeeze %dma_start3A_63 : memref<1x80xi32, #tpu.memory_space<vmem>> -> memref<80xi32, #tpu.memory_space<vmem>>
    %dma_start3A_65 = arith.constant 0 : i32
    %dma_start3A_66 = arith.constant 0 : i32
    %dma_start3A_67 = tpu.memref_slice %arg14[%dma_start3A_65, %dma_start3A_66] : memref<10000x64xf32, #tpu.memory_space<vmem_shared>> -> memref<10000x64xf32, #tpu.memory_space<vmem_shared>>
    tpu.enqueue_indirect_dma source(%arg10 : memref<80x64xf32, #tpu.memory_space<vmem>>) target(%dma_start3A_67 : memref<10000x64xf32, #tpu.memory_space<vmem_shared>>) offsets(%dma_start3A_64 : memref<80xi32, #tpu.memory_space<vmem>>) semaphore(%arg18 : memref<!tpu.dma_semaphore, #tpu.memory_space<semaphore_mem>>) {add = true}
    %dma_wait3A_68 = arith.constant 0 : i32
    %dma_wait3A_69 = arith.constant 0 : i32
    %dma_wait3A_70 = tpu.memref_slice %arg14[%dma_wait3A_68, %dma_wait3A_69] : memref<10000x64xf32, #tpu.memory_space<vmem_shared>> -> memref<80x64xf32, #tpu.memory_space<vmem_shared>>
    %dma_wait3A_71 = arith.constant 0 : i32
    %dma_wait3A_72 = arith.constant 0 : i32
    %dma_wait3A_73 = tpu.memref_slice %arg14[%dma_wait3A_71, %dma_wait3A_72] : memref<10000x64xf32, #tpu.memory_space<vmem_shared>> -> memref<80x64xf32, #tpu.memory_space<vmem_shared>>
    tpu.wait_dma2 semaphore(%arg20 : memref<!tpu.dma_semaphore, #tpu.memory_space<semaphore_mem>>) src(%arg12 : memref<80x64xf32, #tpu.memory_space<vmem>>) dst(%dma_wait3A_73 : memref<80x64xf32, #tpu.memory_space<vmem_shared>>)
    %dma_wait3A_74 = arith.constant 0 : i32
    %dma_wait3A_75 = arith.constant 0 : i32
    %dma_wait3A_76 = tpu.memref_slice %arg2[%dma_wait3A_74, %dma_wait3A_75] : memref<10000x64xf32, #tpu.memory_space<hbm>> -> memref<80x64xf32, #tpu.memory_space<hbm>>
    %dma_wait3A_77 = arith.constant 0 : i32
    %dma_wait3A_78 = arith.constant 0 : i32
    %dma_wait3A_79 = tpu.memref_slice %arg2[%dma_wait3A_77, %dma_wait3A_78] : memref<10000x64xf32, #tpu.memory_space<hbm>> -> memref<80x64xf32, #tpu.memory_space<hbm>>
    tpu.wait_dma2 semaphore(%arg16 : memref<!tpu.dma_semaphore, #tpu.memory_space<semaphore_mem>>) src(%dma_wait3A_79 : memref<80x64xf32, #tpu.memory_space<hbm>>) dst(%arg11 : memref<80x64xf32, #tpu.memory_space<vmem>>)
    %dma_start3A_80 = arith.constant 124 : i32
    %dma_start3A_81 = arith.constant 0 : i32
    %dma_start3A_82 = tpu.memref_slice %arg9[%dma_start3A_80, %dma_start3A_81] : memref<125x80xi32, #tpu.memory_space<vmem>> -> memref<1x80xi32, #tpu.memory_space<vmem>>
    %dma_start3A_83 = tpu.memref_squeeze %dma_start3A_82 : memref<1x80xi32, #tpu.memory_space<vmem>> -> memref<80xi32, #tpu.memory_space<vmem>>
    %dma_start3A_84 = arith.constant 0 : i32
    %dma_start3A_85 = arith.constant 0 : i32
    %dma_start3A_86 = tpu.memref_slice %arg14[%dma_start3A_84, %dma_start3A_85] : memref<10000x64xf32, #tpu.memory_space<vmem_shared>> -> memref<10000x64xf32, #tpu.memory_space<vmem_shared>>
    tpu.enqueue_indirect_dma source(%arg11 : memref<80x64xf32, #tpu.memory_space<vmem>>) target(%dma_start3A_86 : memref<10000x64xf32, #tpu.memory_space<vmem_shared>>) offsets(%dma_start3A_83 : memref<80xi32, #tpu.memory_space<vmem>>) semaphore(%arg19 : memref<!tpu.dma_semaphore, #tpu.memory_space<semaphore_mem>>) {add = true}
    %dma_wait3A_87 = arith.constant 0 : i32
    %dma_wait3A_88 = arith.constant 0 : i32
    %dma_wait3A_89 = tpu.memref_slice %arg14[%dma_wait3A_87, %dma_wait3A_88] : memref<10000x64xf32, #tpu.memory_space<vmem_shared>> -> memref<80x64xf32, #tpu.memory_space<vmem_shared>>
    %dma_wait3A_90 = arith.constant 0 : i32
    %dma_wait3A_91 = arith.constant 0 : i32
    %dma_wait3A_92 = tpu.memref_slice %arg14[%dma_wait3A_90, %dma_wait3A_91] : memref<10000x64xf32, #tpu.memory_space<vmem_shared>> -> memref<80x64xf32, #tpu.memory_space<vmem_shared>>
    tpu.wait_dma2 semaphore(%arg18 : memref<!tpu.dma_semaphore, #tpu.memory_space<semaphore_mem>>) src(%arg10 : memref<80x64xf32, #tpu.memory_space<vmem>>) dst(%dma_wait3A_92 : memref<80x64xf32, #tpu.memory_space<vmem_shared>>)
    %dma_wait3A_93 = arith.constant 0 : i32
    %dma_wait3A_94 = arith.constant 0 : i32
    %dma_wait3A_95 = tpu.memref_slice %arg14[%dma_wait3A_93, %dma_wait3A_94] : memref<10000x64xf32, #tpu.memory_space<vmem_shared>> -> memref<80x64xf32, #tpu.memory_space<vmem_shared>>
    %dma_wait3A_96 = arith.constant 0 : i32
    %dma_wait3A_97 = arith.constant 0 : i32
    %dma_wait3A_98 = tpu.memref_slice %arg14[%dma_wait3A_96, %dma_wait3A_97] : memref<10000x64xf32, #tpu.memory_space<vmem_shared>> -> memref<80x64xf32, #tpu.memory_space<vmem_shared>>
    tpu.wait_dma2 semaphore(%arg19 : memref<!tpu.dma_semaphore, #tpu.memory_space<semaphore_mem>>) src(%arg11 : memref<80x64xf32, #tpu.memory_space<vmem>>) dst(%dma_wait3A_98 : memref<80x64xf32, #tpu.memory_space<vmem_shared>>)
    %barrier3A_99 = arith.constant 0 : index
    tpu.barrier barrier_id(%barrier3A_99)
    %lt3A = arith.constant 10 : i32
    %lt3A_100 = arith.cmpi slt, %arg1, %lt3A : i32
    %convert_element_type3A = arith.extui %lt3A_100 : i1 to i32
    %cond3A = arith.constant 0 : i32
    %cond3A_101 = arith.cmpi ne, %convert_element_type3A, %cond3A : i32
    scf.if %cond3A_101 {
      %mul3A_205 = arith.constant 1000 : i32
      %mul3A_206 = arith.muli %arg1, %mul3A_205 : i32
      %mul3A_207 = arith.constant 1000 : i32
      %mul3A_208 = arith.muli %arg1, %mul3A_207 : i32
      "tpu.region"() ({
        %run_scoped3A = tpu.sem_alloc : memref<!tpu.dma_semaphore, #tpu.memory_space<semaphore_mem>>
        %dma_start3A_209 = arith.constant 0 : i32
        %dma_start3A_210 = tpu.memref_slice %arg6[%arg0, %mul3A_208, %dma_start3A_209] : memref<2x10000x64xf32, #tpu.memory_space<hbm>> -> memref<1x1000x64xf32, #tpu.memory_space<hbm>>
        %dma_start3A_211 = tpu.memref_squeeze %dma_start3A_210 : memref<1x1000x64xf32, #tpu.memory_space<hbm>> -> memref<1000x64xf32, #tpu.memory_space<hbm>>
        %dma_start3A_212 = arith.constant 0 : i32
        %dma_start3A_213 = tpu.memref_slice %arg14[%mul3A_206, %dma_start3A_212] : memref<10000x64xf32, #tpu.memory_space<vmem_shared>> -> memref<1000x64xf32, #tpu.memory_space<vmem_shared>>
        tpu.enqueue_dma source(%dma_start3A_213 : memref<1000x64xf32, #tpu.memory_space<vmem_shared>>) target(%dma_start3A_211 : memref<1000x64xf32, #tpu.memory_space<hbm>>) target_semaphore(%run_scoped3A : memref<!tpu.dma_semaphore, #tpu.memory_space<semaphore_mem>>)
        %dma_wait3A_214 = arith.constant 0 : i32
        %dma_wait3A_215 = tpu.memref_slice %arg6[%arg0, %mul3A_208, %dma_wait3A_214] : memref<2x10000x64xf32, #tpu.memory_space<hbm>> -> memref<1x1000x64xf32, #tpu.memory_space<hbm>>
        %dma_wait3A_216 = tpu.memref_squeeze %dma_wait3A_215 : memref<1x1000x64xf32, #tpu.memory_space<hbm>> -> memref<1000x64xf32, #tpu.memory_space<hbm>>
        %dma_wait3A_217 = arith.constant 0 : i32
        %dma_wait3A_218 = tpu.memref_slice %arg14[%mul3A_206, %dma_wait3A_217] : memref<10000x64xf32, #tpu.memory_space<vmem_shared>> -> memref<1000x64xf32, #tpu.memory_space<vmem_shared>>
        tpu.wait_dma2 semaphore(%run_scoped3A : memref<!tpu.dma_semaphore, #tpu.memory_space<semaphore_mem>>) src(%dma_wait3A_218 : memref<1000x64xf32, #tpu.memory_space<vmem_shared>>) dst(%dma_wait3A_216 : memref<1000x64xf32, #tpu.memory_space<hbm>>)
        tpu.yield
      }) : () -> ()
    } else {
    }
    %barrier3A_102 = arith.constant 0 : index
    tpu.barrier barrier_id(%barrier3A_102)
    %mul3A_103 = arith.constant 625 : i32
    %mul3A_104 = arith.muli %arg1, %mul3A_103 : i32
    %add3A_105 = arith.constant 0 : i32
    %add3A_106 = arith.addi %mul3A_104, %add3A_105 : i32
    "tpu.region"() ({
      %run_scoped3A = tpu.sem_alloc : memref<!tpu.dma_semaphore, #tpu.memory_space<semaphore_mem>>
      %dma_start3A_205 = arith.constant 0 : i32
      %dma_start3A_206 = tpu.memref_slice %arg14[%add3A_106, %dma_start3A_205] : memref<10000x64xf32, #tpu.memory_space<vmem_shared>> -> memref<125x64xf32, #tpu.memory_space<vmem_shared>>
      %dma_start3A_207 = arith.constant 0 : i32
      %dma_start3A_208 = tpu.memref_slice %arg14[%add3A_106, %dma_start3A_207] : memref<10000x64xf32, #tpu.memory_space<vmem_shared>> -> memref<125x64xf32, #tpu.memory_space<vmem_shared>>
      tpu.enqueue_dma source(%arg13 : memref<125x64xf32, #tpu.memory_space<vmem>>) target(%dma_start3A_208 : memref<125x64xf32, #tpu.memory_space<vmem_shared>>) target_semaphore(%run_scoped3A : memref<!tpu.dma_semaphore, #tpu.memory_space<semaphore_mem>>)
      %dma_wait3A_209 = arith.constant 0 : i32
      %dma_wait3A_210 = tpu.memref_slice %arg14[%add3A_106, %dma_wait3A_209] : memref<10000x64xf32, #tpu.memory_space<vmem_shared>> -> memref<125x64xf32, #tpu.memory_space<vmem_shared>>
      %dma_wait3A_211 = arith.constant 0 : i32
      %dma_wait3A_212 = tpu.memref_slice %arg14[%add3A_106, %dma_wait3A_211] : memref<10000x64xf32, #tpu.memory_space<vmem_shared>> -> memref<125x64xf32, #tpu.memory_space<vmem_shared>>
      tpu.wait_dma2 semaphore(%run_scoped3A : memref<!tpu.dma_semaphore, #tpu.memory_space<semaphore_mem>>) src(%arg13 : memref<125x64xf32, #tpu.memory_space<vmem>>) dst(%dma_wait3A_212 : memref<125x64xf32, #tpu.memory_space<vmem_shared>>)
      tpu.yield
    }) : () -> ()
    %mul3A_107 = arith.constant 625 : i32
    %mul3A_108 = arith.muli %arg1, %mul3A_107 : i32
    %add3A_109 = arith.constant 125 : i32
    %add3A_110 = arith.addi %mul3A_108, %add3A_109 : i32
    "tpu.region"() ({
      %run_scoped3A = tpu.sem_alloc : memref<!tpu.dma_semaphore, #tpu.memory_space<semaphore_mem>>
      %dma_start3A_205 = arith.constant 0 : i32
      %dma_start3A_206 = tpu.memref_slice %arg14[%add3A_110, %dma_start3A_205] : memref<10000x64xf32, #tpu.memory_space<vmem_shared>> -> memref<125x64xf32, #tpu.memory_space<vmem_shared>>
      %dma_start3A_207 = arith.constant 0 : i32
      %dma_start3A_208 = tpu.memref_slice %arg14[%add3A_110, %dma_start3A_207] : memref<10000x64xf32, #tpu.memory_space<vmem_shared>> -> memref<125x64xf32, #tpu.memory_space<vmem_shared>>
      tpu.enqueue_dma source(%arg13 : memref<125x64xf32, #tpu.memory_space<vmem>>) target(%dma_start3A_208 : memref<125x64xf32, #tpu.memory_space<vmem_shared>>) target_semaphore(%run_scoped3A : memref<!tpu.dma_semaphore, #tpu.memory_space<semaphore_mem>>)
      %dma_wait3A_209 = arith.constant 0 : i32
      %dma_wait3A_210 = tpu.memref_slice %arg14[%add3A_110, %dma_wait3A_209] : memref<10000x64xf32, #tpu.memory_space<vmem_shared>> -> memref<125x64xf32, #tpu.memory_space<vmem_shared>>
      %dma_wait3A_211 = arith.constant 0 : i32
      %dma_wait3A_212 = tpu.memref_slice %arg14[%add3A_110, %dma_wait3A_211] : memref<10000x64xf32, #tpu.memory_space<vmem_shared>> -> memref<125x64xf32, #tpu.memory_space<vmem_shared>>
      tpu.wait_dma2 semaphore(%run_scoped3A : memref<!tpu.dma_semaphore, #tpu.memory_space<semaphore_mem>>) src(%arg13 : memref<125x64xf32, #tpu.memory_space<vmem>>) dst(%dma_wait3A_212 : memref<125x64xf32, #tpu.memory_space<vmem_shared>>)
      tpu.yield
    }) : () -> ()
    %mul3A_111 = arith.constant 625 : i32
    %mul3A_112 = arith.muli %arg1, %mul3A_111 : i32
    %add3A_113 = arith.constant 250 : i32
    %add3A_114 = arith.addi %mul3A_112, %add3A_113 : i32
    "tpu.region"() ({
      %run_scoped3A = tpu.sem_alloc : memref<!tpu.dma_semaphore, #tpu.memory_space<semaphore_mem>>
      %dma_start3A_205 = arith.constant 0 : i32
      %dma_start3A_206 = tpu.memref_slice %arg14[%add3A_114, %dma_start3A_205] : memref<10000x64xf32, #tpu.memory_space<vmem_shared>> -> memref<125x64xf32, #tpu.memory_space<vmem_shared>>
      %dma_start3A_207 = arith.constant 0 : i32
      %dma_start3A_208 = tpu.memref_slice %arg14[%add3A_114, %dma_start3A_207] : memref<10000x64xf32, #tpu.memory_space<vmem_shared>> -> memref<125x64xf32, #tpu.memory_space<vmem_shared>>
      tpu.enqueue_dma source(%arg13 : memref<125x64xf32, #tpu.memory_space<vmem>>) target(%dma_start3A_208 : memref<125x64xf32, #tpu.memory_space<vmem_shared>>) target_semaphore(%run_scoped3A : memref<!tpu.dma_semaphore, #tpu.memory_space<semaphore_mem>>)
      %dma_wait3A_209 = arith.constant 0 : i32
      %dma_wait3A_210 = tpu.memref_slice %arg14[%add3A_114, %dma_wait3A_209] : memref<10000x64xf32, #tpu.memory_space<vmem_shared>> -> memref<125x64xf32, #tpu.memory_space<vmem_shared>>
      %dma_wait3A_211 = arith.constant 0 : i32
      %dma_wait3A_212 = tpu.memref_slice %arg14[%add3A_114, %dma_wait3A_211] : memref<10000x64xf32, #tpu.memory_space<vmem_shared>> -> memref<125x64xf32, #tpu.memory_space<vmem_shared>>
      tpu.wait_dma2 semaphore(%run_scoped3A : memref<!tpu.dma_semaphore, #tpu.memory_space<semaphore_mem>>) src(%arg13 : memref<125x64xf32, #tpu.memory_space<vmem>>) dst(%dma_wait3A_212 : memref<125x64xf32, #tpu.memory_space<vmem_shared>>)
      tpu.yield
    }) : () -> ()
    %mul3A_115 = arith.constant 625 : i32
    %mul3A_116 = arith.muli %arg1, %mul3A_115 : i32
    %add3A_117 = arith.constant 375 : i32
    %add3A_118 = arith.addi %mul3A_116, %add3A_117 : i32
    "tpu.region"() ({
      %run_scoped3A = tpu.sem_alloc : memref<!tpu.dma_semaphore, #tpu.memory_space<semaphore_mem>>
      %dma_start3A_205 = arith.constant 0 : i32
      %dma_start3A_206 = tpu.memref_slice %arg14[%add3A_118, %dma_start3A_205] : memref<10000x64xf32, #tpu.memory_space<vmem_shared>> -> memref<125x64xf32, #tpu.memory_space<vmem_shared>>
      %dma_start3A_207 = arith.constant 0 : i32
      %dma_start3A_208 = tpu.memref_slice %arg14[%add3A_118, %dma_start3A_207] : memref<10000x64xf32, #tpu.memory_space<vmem_shared>> -> memref<125x64xf32, #tpu.memory_space<vmem_shared>>
      tpu.enqueue_dma source(%arg13 : memref<125x64xf32, #tpu.memory_space<vmem>>) target(%dma_start3A_208 : memref<125x64xf32, #tpu.memory_space<vmem_shared>>) target_semaphore(%run_scoped3A : memref<!tpu.dma_semaphore, #tpu.memory_space<semaphore_mem>>)
      %dma_wait3A_209 = arith.constant 0 : i32
      %dma_wait3A_210 = tpu.memref_slice %arg14[%add3A_118, %dma_wait3A_209] : memref<10000x64xf32, #tpu.memory_space<vmem_shared>> -> memref<125x64xf32, #tpu.memory_space<vmem_shared>>
      %dma_wait3A_211 = arith.constant 0 : i32
      %dma_wait3A_212 = tpu.memref_slice %arg14[%add3A_118, %dma_wait3A_211] : memref<10000x64xf32, #tpu.memory_space<vmem_shared>> -> memref<125x64xf32, #tpu.memory_space<vmem_shared>>
      tpu.wait_dma2 semaphore(%run_scoped3A : memref<!tpu.dma_semaphore, #tpu.memory_space<semaphore_mem>>) src(%arg13 : memref<125x64xf32, #tpu.memory_space<vmem>>) dst(%dma_wait3A_212 : memref<125x64xf32, #tpu.memory_space<vmem_shared>>)
      tpu.yield
    }) : () -> ()
    %mul3A_119 = arith.constant 625 : i32
    %mul3A_120 = arith.muli %arg1, %mul3A_119 : i32
    %add3A_121 = arith.constant 500 : i32
    %add3A_122 = arith.addi %mul3A_120, %add3A_121 : i32
    "tpu.region"() ({
      %run_scoped3A = tpu.sem_alloc : memref<!tpu.dma_semaphore, #tpu.memory_space<semaphore_mem>>
      %dma_start3A_205 = arith.constant 0 : i32
      %dma_start3A_206 = tpu.memref_slice %arg14[%add3A_122, %dma_start3A_205] : memref<10000x64xf32, #tpu.memory_space<vmem_shared>> -> memref<125x64xf32, #tpu.memory_space<vmem_shared>>
      %dma_start3A_207 = arith.constant 0 : i32
      %dma_start3A_208 = tpu.memref_slice %arg14[%add3A_122, %dma_start3A_207] : memref<10000x64xf32, #tpu.memory_space<vmem_shared>> -> memref<125x64xf32, #tpu.memory_space<vmem_shared>>
      tpu.enqueue_dma source(%arg13 : memref<125x64xf32, #tpu.memory_space<vmem>>) target(%dma_start3A_208 : memref<125x64xf32, #tpu.memory_space<vmem_shared>>) target_semaphore(%run_scoped3A : memref<!tpu.dma_semaphore, #tpu.memory_space<semaphore_mem>>)
      %dma_wait3A_209 = arith.constant 0 : i32
      %dma_wait3A_210 = tpu.memref_slice %arg14[%add3A_122, %dma_wait3A_209] : memref<10000x64xf32, #tpu.memory_space<vmem_shared>> -> memref<125x64xf32, #tpu.memory_space<vmem_shared>>
      %dma_wait3A_211 = arith.constant 0 : i32
      %dma_wait3A_212 = tpu.memref_slice %arg14[%add3A_122, %dma_wait3A_211] : memref<10000x64xf32, #tpu.memory_space<vmem_shared>> -> memref<125x64xf32, #tpu.memory_space<vmem_shared>>
      tpu.wait_dma2 semaphore(%run_scoped3A : memref<!tpu.dma_semaphore, #tpu.memory_space<semaphore_mem>>) src(%arg13 : memref<125x64xf32, #tpu.memory_space<vmem>>) dst(%dma_wait3A_212 : memref<125x64xf32, #tpu.memory_space<vmem_shared>>)
      tpu.yield
    }) : () -> ()
    %barrier3A_123 = arith.constant 0 : index
    tpu.barrier barrier_id(%barrier3A_123)
    %dma_start3A_124 = arith.constant 0 : i32
    %dma_start3A_125 = arith.constant 0 : i32
    %dma_start3A_126 = tpu.memref_slice %arg8[%dma_start3A_124, %dma_start3A_125] : memref<125x80xi32, #tpu.memory_space<vmem>> -> memref<1x80xi32, #tpu.memory_space<vmem>>
    %dma_start3A_127 = tpu.memref_squeeze %dma_start3A_126 : memref<1x80xi32, #tpu.memory_space<vmem>> -> memref<80xi32, #tpu.memory_space<vmem>>
    %dma_start3A_128 = arith.constant 0 : i32
    %dma_start3A_129 = arith.constant 0 : i32
    %dma_start3A_130 = tpu.memref_slice %arg3[%dma_start3A_128, %dma_start3A_129] : memref<10000x64xf32, #tpu.memory_space<hbm>> -> memref<10000x64xf32, #tpu.memory_space<hbm>>
    tpu.enqueue_indirect_dma source(%dma_start3A_130 : memref<10000x64xf32, #tpu.memory_space<hbm>>) target(%arg10 : memref<80x64xf32, #tpu.memory_space<vmem>>) offsets(%dma_start3A_127 : memref<80xi32, #tpu.memory_space<vmem>>) semaphore(%arg15 : memref<!tpu.dma_semaphore, #tpu.memory_space<semaphore_mem>>)
    %dma_start3A_131 = arith.constant 1 : i32
    %dma_start3A_132 = arith.constant 0 : i32
    %dma_start3A_133 = tpu.memref_slice %arg8[%dma_start3A_131, %dma_start3A_132] : memref<125x80xi32, #tpu.memory_space<vmem>> -> memref<1x80xi32, #tpu.memory_space<vmem>>
    %dma_start3A_134 = tpu.memref_squeeze %dma_start3A_133 : memref<1x80xi32, #tpu.memory_space<vmem>> -> memref<80xi32, #tpu.memory_space<vmem>>
    %dma_start3A_135 = arith.constant 0 : i32
    %dma_start3A_136 = arith.constant 0 : i32
    %dma_start3A_137 = tpu.memref_slice %arg3[%dma_start3A_135, %dma_start3A_136] : memref<10000x64xf32, #tpu.memory_space<hbm>> -> memref<10000x64xf32, #tpu.memory_space<hbm>>
    tpu.enqueue_indirect_dma source(%dma_start3A_137 : memref<10000x64xf32, #tpu.memory_space<hbm>>) target(%arg11 : memref<80x64xf32, #tpu.memory_space<vmem>>) offsets(%dma_start3A_134 : memref<80xi32, #tpu.memory_space<vmem>>) semaphore(%arg16 : memref<!tpu.dma_semaphore, #tpu.memory_space<semaphore_mem>>)
    %dma_start3A_138 = arith.constant 0 : i32
    %dma_start3A_139 = arith.constant 0 : i32
    %dma_start3A_140 = arith.constant 0 : i32
    %dma_start3A_141 = tpu.memref_slice %arg13[%dma_start3A_139, %dma_start3A_140] : memref<125x64xf32, #tpu.memory_space<vmem>> -> memref<80x64xf32, #tpu.memory_space<vmem>>
    %dma_start3A_142 = arith.constant 0 : i32
    %dma_start3A_143 = tpu.memref_slice %arg9[%dma_start3A_138, %dma_start3A_142] : memref<125x80xi32, #tpu.memory_space<vmem>> -> memref<1x80xi32, #tpu.memory_space<vmem>>
    %dma_start3A_144 = tpu.memref_squeeze %dma_start3A_143 : memref<1x80xi32, #tpu.memory_space<vmem>> -> memref<80xi32, #tpu.memory_space<vmem>>
    %dma_start3A_145 = arith.constant 0 : i32
    %dma_start3A_146 = arith.constant 0 : i32
    %dma_start3A_147 = tpu.memref_slice %arg14[%dma_start3A_145, %dma_start3A_146] : memref<10000x64xf32, #tpu.memory_space<vmem_shared>> -> memref<10000x64xf32, #tpu.memory_space<vmem_shared>>
    tpu.enqueue_indirect_dma source(%dma_start3A_141 : memref<80x64xf32, #tpu.memory_space<vmem>>) target(%dma_start3A_147 : memref<10000x64xf32, #tpu.memory_space<vmem_shared>>) offsets(%dma_start3A_144 : memref<80xi32, #tpu.memory_space<vmem>>) semaphore(%arg20 : memref<!tpu.dma_semaphore, #tpu.memory_space<semaphore_mem>>) {add = true}
    %scan3A_148 = arith.constant 0 : i32
    %scan3A_149 = arith.constant 0 : i32
    %scan3A_150 = arith.constant 41 : i32
    %scan3A_151 = arith.addi %scan3A_149, %scan3A_150 : i32
    %scan3A_152 = arith.constant 1 : i32
    scf.for %scan3A_205 = %scan3A_149 to %scan3A_151 step %scan3A_152  : i32 {
      %mul3A_206 = arith.constant 3 : i32
      %mul3A_207 = arith.muli %mul3A_206, %scan3A_205 : i32
      %dma_wait3A_208 = arith.constant 0 : i32
      %dma_wait3A_209 = arith.constant 0 : i32
      %dma_wait3A_210 = tpu.memref_slice %arg3[%dma_wait3A_208, %dma_wait3A_209] : memref<10000x64xf32, #tpu.memory_space<hbm>> -> memref<80x64xf32, #tpu.memory_space<hbm>>
      %dma_wait3A_211 = arith.constant 0 : i32
      %dma_wait3A_212 = arith.constant 0 : i32
      %dma_wait3A_213 = tpu.memref_slice %arg3[%dma_wait3A_211, %dma_wait3A_212] : memref<10000x64xf32, #tpu.memory_space<hbm>> -> memref<80x64xf32, #tpu.memory_space<hbm>>
      tpu.wait_dma2 semaphore(%arg15 : memref<!tpu.dma_semaphore, #tpu.memory_space<semaphore_mem>>) src(%dma_wait3A_213 : memref<80x64xf32, #tpu.memory_space<hbm>>) dst(%arg10 : memref<80x64xf32, #tpu.memory_space<vmem>>)
      %dma_start3A_214 = arith.constant 0 : i32
      %dma_start3A_215 = tpu.memref_slice %arg9[%mul3A_207, %dma_start3A_214] : memref<125x80xi32, #tpu.memory_space<vmem>> -> memref<1x80xi32, #tpu.memory_space<vmem>>
      %dma_start3A_216 = tpu.memref_squeeze %dma_start3A_215 : memref<1x80xi32, #tpu.memory_space<vmem>> -> memref<80xi32, #tpu.memory_space<vmem>>
      %dma_start3A_217 = arith.constant 0 : i32
      %dma_start3A_218 = arith.constant 0 : i32
      %dma_start3A_219 = tpu.memref_slice %arg14[%dma_start3A_217, %dma_start3A_218] : memref<10000x64xf32, #tpu.memory_space<vmem_shared>> -> memref<10000x64xf32, #tpu.memory_space<vmem_shared>>
      tpu.enqueue_indirect_dma source(%arg10 : memref<80x64xf32, #tpu.memory_space<vmem>>) target(%dma_start3A_219 : memref<10000x64xf32, #tpu.memory_space<vmem_shared>>) offsets(%dma_start3A_216 : memref<80xi32, #tpu.memory_space<vmem>>) semaphore(%arg18 : memref<!tpu.dma_semaphore, #tpu.memory_space<semaphore_mem>>) {add = true}
      %dma_wait3A_220 = arith.constant 0 : i32
      %dma_wait3A_221 = arith.constant 0 : i32
      %dma_wait3A_222 = tpu.memref_slice %arg14[%dma_wait3A_220, %dma_wait3A_221] : memref<10000x64xf32, #tpu.memory_space<vmem_shared>> -> memref<80x64xf32, #tpu.memory_space<vmem_shared>>
      %dma_wait3A_223 = arith.constant 0 : i32
      %dma_wait3A_224 = arith.constant 0 : i32
      %dma_wait3A_225 = tpu.memref_slice %arg14[%dma_wait3A_223, %dma_wait3A_224] : memref<10000x64xf32, #tpu.memory_space<vmem_shared>> -> memref<80x64xf32, #tpu.memory_space<vmem_shared>>
      tpu.wait_dma2 semaphore(%arg20 : memref<!tpu.dma_semaphore, #tpu.memory_space<semaphore_mem>>) src(%arg12 : memref<80x64xf32, #tpu.memory_space<vmem>>) dst(%dma_wait3A_225 : memref<80x64xf32, #tpu.memory_space<vmem_shared>>)
      %add3A_226 = arith.constant 2 : i32
      %add3A_227 = arith.addi %mul3A_207, %add3A_226 : i32
      %dma_start3A_228 = arith.constant 0 : i32
      %dma_start3A_229 = tpu.memref_slice %arg8[%add3A_227, %dma_start3A_228] : memref<125x80xi32, #tpu.memory_space<vmem>> -> memref<1x80xi32, #tpu.memory_space<vmem>>
      %dma_start3A_230 = tpu.memref_squeeze %dma_start3A_229 : memref<1x80xi32, #tpu.memory_space<vmem>> -> memref<80xi32, #tpu.memory_space<vmem>>
      %dma_start3A_231 = arith.constant 0 : i32
      %dma_start3A_232 = arith.constant 0 : i32
      %dma_start3A_233 = tpu.memref_slice %arg3[%dma_start3A_231, %dma_start3A_232] : memref<10000x64xf32, #tpu.memory_space<hbm>> -> memref<10000x64xf32, #tpu.memory_space<hbm>>
      tpu.enqueue_indirect_dma source(%dma_start3A_233 : memref<10000x64xf32, #tpu.memory_space<hbm>>) target(%arg12 : memref<80x64xf32, #tpu.memory_space<vmem>>) offsets(%dma_start3A_230 : memref<80xi32, #tpu.memory_space<vmem>>) semaphore(%arg17 : memref<!tpu.dma_semaphore, #tpu.memory_space<semaphore_mem>>)
      %add3A_234 = arith.constant 1 : i32
      %add3A_235 = arith.addi %mul3A_207, %add3A_234 : i32
      %dma_wait3A_236 = arith.constant 0 : i32
      %dma_wait3A_237 = arith.constant 0 : i32
      %dma_wait3A_238 = tpu.memref_slice %arg3[%dma_wait3A_236, %dma_wait3A_237] : memref<10000x64xf32, #tpu.memory_space<hbm>> -> memref<80x64xf32, #tpu.memory_space<hbm>>
      %dma_wait3A_239 = arith.constant 0 : i32
      %dma_wait3A_240 = arith.constant 0 : i32
      %dma_wait3A_241 = tpu.memref_slice %arg3[%dma_wait3A_239, %dma_wait3A_240] : memref<10000x64xf32, #tpu.memory_space<hbm>> -> memref<80x64xf32, #tpu.memory_space<hbm>>
      tpu.wait_dma2 semaphore(%arg16 : memref<!tpu.dma_semaphore, #tpu.memory_space<semaphore_mem>>) src(%dma_wait3A_241 : memref<80x64xf32, #tpu.memory_space<hbm>>) dst(%arg11 : memref<80x64xf32, #tpu.memory_space<vmem>>)
      %dma_start3A_242 = arith.constant 0 : i32
      %dma_start3A_243 = tpu.memref_slice %arg9[%add3A_235, %dma_start3A_242] : memref<125x80xi32, #tpu.memory_space<vmem>> -> memref<1x80xi32, #tpu.memory_space<vmem>>
      %dma_start3A_244 = tpu.memref_squeeze %dma_start3A_243 : memref<1x80xi32, #tpu.memory_space<vmem>> -> memref<80xi32, #tpu.memory_space<vmem>>
      %dma_start3A_245 = arith.constant 0 : i32
      %dma_start3A_246 = arith.constant 0 : i32
      %dma_start3A_247 = tpu.memref_slice %arg14[%dma_start3A_245, %dma_start3A_246] : memref<10000x64xf32, #tpu.memory_space<vmem_shared>> -> memref<10000x64xf32, #tpu.memory_space<vmem_shared>>
      tpu.enqueue_indirect_dma source(%arg11 : memref<80x64xf32, #tpu.memory_space<vmem>>) target(%dma_start3A_247 : memref<10000x64xf32, #tpu.memory_space<vmem_shared>>) offsets(%dma_start3A_244 : memref<80xi32, #tpu.memory_space<vmem>>) semaphore(%arg19 : memref<!tpu.dma_semaphore, #tpu.memory_space<semaphore_mem>>) {add = true}
      %dma_wait3A_248 = arith.constant 0 : i32
      %dma_wait3A_249 = arith.constant 0 : i32
      %dma_wait3A_250 = tpu.memref_slice %arg14[%dma_wait3A_248, %dma_wait3A_249] : memref<10000x64xf32, #tpu.memory_space<vmem_shared>> -> memref<80x64xf32, #tpu.memory_space<vmem_shared>>
      %dma_wait3A_251 = arith.constant 0 : i32
      %dma_wait3A_252 = arith.constant 0 : i32
      %dma_wait3A_253 = tpu.memref_slice %arg14[%dma_wait3A_251, %dma_wait3A_252] : memref<10000x64xf32, #tpu.memory_space<vmem_shared>> -> memref<80x64xf32, #tpu.memory_space<vmem_shared>>
      tpu.wait_dma2 semaphore(%arg18 : memref<!tpu.dma_semaphore, #tpu.memory_space<semaphore_mem>>) src(%arg10 : memref<80x64xf32, #tpu.memory_space<vmem>>) dst(%dma_wait3A_253 : memref<80x64xf32, #tpu.memory_space<vmem_shared>>)
      %add3A_254 = arith.constant 2 : i32
      %add3A_255 = arith.addi %add3A_235, %add3A_254 : i32
      %dma_start3A_256 = arith.constant 0 : i32
      %dma_start3A_257 = tpu.memref_slice %arg8[%add3A_255, %dma_start3A_256] : memref<125x80xi32, #tpu.memory_space<vmem>> -> memref<1x80xi32, #tpu.memory_space<vmem>>
      %dma_start3A_258 = tpu.memref_squeeze %dma_start3A_257 : memref<1x80xi32, #tpu.memory_space<vmem>> -> memref<80xi32, #tpu.memory_space<vmem>>
      %dma_start3A_259 = arith.constant 0 : i32
      %dma_start3A_260 = arith.constant 0 : i32
      %dma_start3A_261 = tpu.memref_slice %arg3[%dma_start3A_259, %dma_start3A_260] : memref<10000x64xf32, #tpu.memory_space<hbm>> -> memref<10000x64xf32, #tpu.memory_space<hbm>>
      tpu.enqueue_indirect_dma source(%dma_start3A_261 : memref<10000x64xf32, #tpu.memory_space<hbm>>) target(%arg10 : memref<80x64xf32, #tpu.memory_space<vmem>>) offsets(%dma_start3A_258 : memref<80xi32, #tpu.memory_space<vmem>>) semaphore(%arg15 : memref<!tpu.dma_semaphore, #tpu.memory_space<semaphore_mem>>)
      %add3A_262 = arith.constant 2 : i32
      %add3A_263 = arith.addi %mul3A_207, %add3A_262 : i32
      %dma_wait3A_264 = arith.constant 0 : i32
      %dma_wait3A_265 = arith.constant 0 : i32
      %dma_wait3A_266 = tpu.memref_slice %arg3[%dma_wait3A_264, %dma_wait3A_265] : memref<10000x64xf32, #tpu.memory_space<hbm>> -> memref<80x64xf32, #tpu.memory_space<hbm>>
      %dma_wait3A_267 = arith.constant 0 : i32
      %dma_wait3A_268 = arith.constant 0 : i32
      %dma_wait3A_269 = tpu.memref_slice %arg3[%dma_wait3A_267, %dma_wait3A_268] : memref<10000x64xf32, #tpu.memory_space<hbm>> -> memref<80x64xf32, #tpu.memory_space<hbm>>
      tpu.wait_dma2 semaphore(%arg17 : memref<!tpu.dma_semaphore, #tpu.memory_space<semaphore_mem>>) src(%dma_wait3A_269 : memref<80x64xf32, #tpu.memory_space<hbm>>) dst(%arg12 : memref<80x64xf32, #tpu.memory_space<vmem>>)
      %dma_start3A_270 = arith.constant 0 : i32
      %dma_start3A_271 = tpu.memref_slice %arg9[%add3A_263, %dma_start3A_270] : memref<125x80xi32, #tpu.memory_space<vmem>> -> memref<1x80xi32, #tpu.memory_space<vmem>>
      %dma_start3A_272 = tpu.memref_squeeze %dma_start3A_271 : memref<1x80xi32, #tpu.memory_space<vmem>> -> memref<80xi32, #tpu.memory_space<vmem>>
      %dma_start3A_273 = arith.constant 0 : i32
      %dma_start3A_274 = arith.constant 0 : i32
      %dma_start3A_275 = tpu.memref_slice %arg14[%dma_start3A_273, %dma_start3A_274] : memref<10000x64xf32, #tpu.memory_space<vmem_shared>> -> memref<10000x64xf32, #tpu.memory_space<vmem_shared>>
      tpu.enqueue_indirect_dma source(%arg12 : memref<80x64xf32, #tpu.memory_space<vmem>>) target(%dma_start3A_275 : memref<10000x64xf32, #tpu.memory_space<vmem_shared>>) offsets(%dma_start3A_272 : memref<80xi32, #tpu.memory_space<vmem>>) semaphore(%arg20 : memref<!tpu.dma_semaphore, #tpu.memory_space<semaphore_mem>>) {add = true}
      %dma_wait3A_276 = arith.constant 0 : i32
      %dma_wait3A_277 = arith.constant 0 : i32
      %dma_wait3A_278 = tpu.memref_slice %arg14[%dma_wait3A_276, %dma_wait3A_277] : memref<10000x64xf32, #tpu.memory_space<vmem_shared>> -> memref<80x64xf32, #tpu.memory_space<vmem_shared>>
      %dma_wait3A_279 = arith.constant 0 : i32
      %dma_wait3A_280 = arith.constant 0 : i32
      %dma_wait3A_281 = tpu.memref_slice %arg14[%dma_wait3A_279, %dma_wait3A_280] : memref<10000x64xf32, #tpu.memory_space<vmem_shared>> -> memref<80x64xf32, #tpu.memory_space<vmem_shared>>
      tpu.wait_dma2 semaphore(%arg19 : memref<!tpu.dma_semaphore, #tpu.memory_space<semaphore_mem>>) src(%arg11 : memref<80x64xf32, #tpu.memory_space<vmem>>) dst(%dma_wait3A_281 : memref<80x64xf32, #tpu.memory_space<vmem_shared>>)
      %add3A_282 = arith.constant 2 : i32
      %add3A_283 = arith.addi %add3A_263, %add3A_282 : i32
      %dma_start3A_284 = arith.constant 0 : i32
      %dma_start3A_285 = tpu.memref_slice %arg8[%add3A_283, %dma_start3A_284] : memref<125x80xi32, #tpu.memory_space<vmem>> -> memref<1x80xi32, #tpu.memory_space<vmem>>
      %dma_start3A_286 = tpu.memref_squeeze %dma_start3A_285 : memref<1x80xi32, #tpu.memory_space<vmem>> -> memref<80xi32, #tpu.memory_space<vmem>>
      %dma_start3A_287 = arith.constant 0 : i32
      %dma_start3A_288 = arith.constant 0 : i32
      %dma_start3A_289 = tpu.memref_slice %arg3[%dma_start3A_287, %dma_start3A_288] : memref<10000x64xf32, #tpu.memory_space<hbm>> -> memref<10000x64xf32, #tpu.memory_space<hbm>>
      tpu.enqueue_indirect_dma source(%dma_start3A_289 : memref<10000x64xf32, #tpu.memory_space<hbm>>) target(%arg11 : memref<80x64xf32, #tpu.memory_space<vmem>>) offsets(%dma_start3A_286 : memref<80xi32, #tpu.memory_space<vmem>>) semaphore(%arg16 : memref<!tpu.dma_semaphore, #tpu.memory_space<semaphore_mem>>)
    }
    %scan3A_153 = arith.constant 41 : i32
    %dma_wait3A_154 = arith.constant 0 : i32
    %dma_wait3A_155 = arith.constant 0 : i32
    %dma_wait3A_156 = tpu.memref_slice %arg3[%dma_wait3A_154, %dma_wait3A_155] : memref<10000x64xf32, #tpu.memory_space<hbm>> -> memref<80x64xf32, #tpu.memory_space<hbm>>
    %dma_wait3A_157 = arith.constant 0 : i32
    %dma_wait3A_158 = arith.constant 0 : i32
    %dma_wait3A_159 = tpu.memref_slice %arg3[%dma_wait3A_157, %dma_wait3A_158] : memref<10000x64xf32, #tpu.memory_space<hbm>> -> memref<80x64xf32, #tpu.memory_space<hbm>>
    tpu.wait_dma2 semaphore(%arg15 : memref<!tpu.dma_semaphore, #tpu.memory_space<semaphore_mem>>) src(%dma_wait3A_159 : memref<80x64xf32, #tpu.memory_space<hbm>>) dst(%arg10 : memref<80x64xf32, #tpu.memory_space<vmem>>)
    %dma_start3A_160 = arith.constant 123 : i32
    %dma_start3A_161 = arith.constant 0 : i32
    %dma_start3A_162 = tpu.memref_slice %arg9[%dma_start3A_160, %dma_start3A_161] : memref<125x80xi32, #tpu.memory_space<vmem>> -> memref<1x80xi32, #tpu.memory_space<vmem>>
    %dma_start3A_163 = tpu.memref_squeeze %dma_start3A_162 : memref<1x80xi32, #tpu.memory_space<vmem>> -> memref<80xi32, #tpu.memory_space<vmem>>
    %dma_start3A_164 = arith.constant 0 : i32
    %dma_start3A_165 = arith.constant 0 : i32
    %dma_start3A_166 = tpu.memref_slice %arg14[%dma_start3A_164, %dma_start3A_165] : memref<10000x64xf32, #tpu.memory_space<vmem_shared>> -> memref<10000x64xf32, #tpu.memory_space<vmem_shared>>
    tpu.enqueue_indirect_dma source(%arg10 : memref<80x64xf32, #tpu.memory_space<vmem>>) target(%dma_start3A_166 : memref<10000x64xf32, #tpu.memory_space<vmem_shared>>) offsets(%dma_start3A_163 : memref<80xi32, #tpu.memory_space<vmem>>) semaphore(%arg18 : memref<!tpu.dma_semaphore, #tpu.memory_space<semaphore_mem>>) {add = true}
    %dma_wait3A_167 = arith.constant 0 : i32
    %dma_wait3A_168 = arith.constant 0 : i32
    %dma_wait3A_169 = tpu.memref_slice %arg14[%dma_wait3A_167, %dma_wait3A_168] : memref<10000x64xf32, #tpu.memory_space<vmem_shared>> -> memref<80x64xf32, #tpu.memory_space<vmem_shared>>
    %dma_wait3A_170 = arith.constant 0 : i32
    %dma_wait3A_171 = arith.constant 0 : i32
    %dma_wait3A_172 = tpu.memref_slice %arg14[%dma_wait3A_170, %dma_wait3A_171] : memref<10000x64xf32, #tpu.memory_space<vmem_shared>> -> memref<80x64xf32, #tpu.memory_space<vmem_shared>>
    tpu.wait_dma2 semaphore(%arg20 : memref<!tpu.dma_semaphore, #tpu.memory_space<semaphore_mem>>) src(%arg12 : memref<80x64xf32, #tpu.memory_space<vmem>>) dst(%dma_wait3A_172 : memref<80x64xf32, #tpu.memory_space<vmem_shared>>)
    %dma_wait3A_173 = arith.constant 0 : i32
    %dma_wait3A_174 = arith.constant 0 : i32
    %dma_wait3A_175 = tpu.memref_slice %arg3[%dma_wait3A_173, %dma_wait3A_174] : memref<10000x64xf32, #tpu.memory_space<hbm>> -> memref<80x64xf32, #tpu.memory_space<hbm>>
    %dma_wait3A_176 = arith.constant 0 : i32
    %dma_wait3A_177 = arith.constant 0 : i32
    %dma_wait3A_178 = tpu.memref_slice %arg3[%dma_wait3A_176, %dma_wait3A_177] : memref<10000x64xf32, #tpu.memory_space<hbm>> -> memref<80x64xf32, #tpu.memory_space<hbm>>
    tpu.wait_dma2 semaphore(%arg16 : memref<!tpu.dma_semaphore, #tpu.memory_space<semaphore_mem>>) src(%dma_wait3A_178 : memref<80x64xf32, #tpu.memory_space<hbm>>) dst(%arg11 : memref<80x64xf32, #tpu.memory_space<vmem>>)
    %dma_start3A_179 = arith.constant 124 : i32
    %dma_start3A_180 = arith.constant 0 : i32
    %dma_start3A_181 = tpu.memref_slice %arg9[%dma_start3A_179, %dma_start3A_180] : memref<125x80xi32, #tpu.memory_space<vmem>> -> memref<1x80xi32, #tpu.memory_space<vmem>>
    %dma_start3A_182 = tpu.memref_squeeze %dma_start3A_181 : memref<1x80xi32, #tpu.memory_space<vmem>> -> memref<80xi32, #tpu.memory_space<vmem>>
    %dma_start3A_183 = arith.constant 0 : i32
    %dma_start3A_184 = arith.constant 0 : i32
    %dma_start3A_185 = tpu.memref_slice %arg14[%dma_start3A_183, %dma_start3A_184] : memref<10000x64xf32, #tpu.memory_space<vmem_shared>> -> memref<10000x64xf32, #tpu.memory_space<vmem_shared>>
    tpu.enqueue_indirect_dma source(%arg11 : memref<80x64xf32, #tpu.memory_space<vmem>>) target(%dma_start3A_185 : memref<10000x64xf32, #tpu.memory_space<vmem_shared>>) offsets(%dma_start3A_182 : memref<80xi32, #tpu.memory_space<vmem>>) semaphore(%arg19 : memref<!tpu.dma_semaphore, #tpu.memory_space<semaphore_mem>>) {add = true}
    %dma_wait3A_186 = arith.constant 0 : i32
    %dma_wait3A_187 = arith.constant 0 : i32
    %dma_wait3A_188 = tpu.memref_slice %arg14[%dma_wait3A_186, %dma_wait3A_187] : memref<10000x64xf32, #tpu.memory_space<vmem_shared>> -> memref<80x64xf32, #tpu.memory_space<vmem_shared>>
    %dma_wait3A_189 = arith.constant 0 : i32
    %dma_wait3A_190 = arith.constant 0 : i32
    %dma_wait3A_191 = tpu.memref_slice %arg14[%dma_wait3A_189, %dma_wait3A_190] : memref<10000x64xf32, #tpu.memory_space<vmem_shared>> -> memref<80x64xf32, #tpu.memory_space<vmem_shared>>
    tpu.wait_dma2 semaphore(%arg18 : memref<!tpu.dma_semaphore, #tpu.memory_space<semaphore_mem>>) src(%arg10 : memref<80x64xf32, #tpu.memory_space<vmem>>) dst(%dma_wait3A_191 : memref<80x64xf32, #tpu.memory_space<vmem_shared>>)
    %dma_wait3A_192 = arith.constant 0 : i32
    %dma_wait3A_193 = arith.constant 0 : i32
    %dma_wait3A_194 = tpu.memref_slice %arg14[%dma_wait3A_192, %dma_wait3A_193] : memref<10000x64xf32, #tpu.memory_space<vmem_shared>> -> memref<80x64xf32, #tpu.memory_space<vmem_shared>>
    %dma_wait3A_195 = arith.constant 0 : i32
    %dma_wait3A_196 = arith.constant 0 : i32
    %dma_wait3A_197 = tpu.memref_slice %arg14[%dma_wait3A_195, %dma_wait3A_196] : memref<10000x64xf32, #tpu.memory_space<vmem_shared>> -> memref<80x64xf32, #tpu.memory_space<vmem_shared>>
    tpu.wait_dma2 semaphore(%arg19 : memref<!tpu.dma_semaphore, #tpu.memory_space<semaphore_mem>>) src(%arg11 : memref<80x64xf32, #tpu.memory_space<vmem>>) dst(%dma_wait3A_197 : memref<80x64xf32, #tpu.memory_space<vmem_shared>>)
    %barrier3A_198 = arith.constant 0 : index
    tpu.barrier barrier_id(%barrier3A_198)
    %lt3A_199 = arith.constant 10 : i32
    %lt3A_200 = arith.cmpi slt, %arg1, %lt3A_199 : i32
    %convert_element_type3A_201 = arith.extui %lt3A_200 : i1 to i32
    %cond3A_202 = arith.constant 0 : i32
    %cond3A_203 = arith.cmpi ne, %convert_element_type3A_201, %cond3A_202 : i32
    scf.if %cond3A_203 {
      %mul3A_205 = arith.constant 1000 : i32
      %mul3A_206 = arith.muli %arg1, %mul3A_205 : i32
      %mul3A_207 = arith.constant 1000 : i32
      %mul3A_208 = arith.muli %arg1, %mul3A_207 : i32
      "tpu.region"() ({
        %run_scoped3A = tpu.sem_alloc : memref<!tpu.dma_semaphore, #tpu.memory_space<semaphore_mem>>
        %dma_start3A_209 = arith.constant 0 : i32
        %dma_start3A_210 = tpu.memref_slice %arg7[%arg0, %mul3A_208, %dma_start3A_209] : memref<2x10000x64xf32, #tpu.memory_space<hbm>> -> memref<1x1000x64xf32, #tpu.memory_space<hbm>>
        %dma_start3A_211 = tpu.memref_squeeze %dma_start3A_210 : memref<1x1000x64xf32, #tpu.memory_space<hbm>> -> memref<1000x64xf32, #tpu.memory_space<hbm>>
        %dma_start3A_212 = arith.constant 0 : i32
        %dma_start3A_213 = tpu.memref_slice %arg14[%mul3A_206, %dma_start3A_212] : memref<10000x64xf32, #tpu.memory_space<vmem_shared>> -> memref<1000x64xf32, #tpu.memory_space<vmem_shared>>
        tpu.enqueue_dma source(%dma_start3A_213 : memref<1000x64xf32, #tpu.memory_space<vmem_shared>>) target(%dma_start3A_211 : memref<1000x64xf32, #tpu.memory_space<hbm>>) target_semaphore(%run_scoped3A : memref<!tpu.dma_semaphore, #tpu.memory_space<semaphore_mem>>)
        %dma_wait3A_214 = arith.constant 0 : i32
        %dma_wait3A_215 = tpu.memref_slice %arg7[%arg0, %mul3A_208, %dma_wait3A_214] : memref<2x10000x64xf32, #tpu.memory_space<hbm>> -> memref<1x1000x64xf32, #tpu.memory_space<hbm>>
        %dma_wait3A_216 = tpu.memref_squeeze %dma_wait3A_215 : memref<1x1000x64xf32, #tpu.memory_space<hbm>> -> memref<1000x64xf32, #tpu.memory_space<hbm>>
        %dma_wait3A_217 = arith.constant 0 : i32
        %dma_wait3A_218 = tpu.memref_slice %arg14[%mul3A_206, %dma_wait3A_217] : memref<10000x64xf32, #tpu.memory_space<vmem_shared>> -> memref<1000x64xf32, #tpu.memory_space<vmem_shared>>
        tpu.wait_dma2 semaphore(%run_scoped3A : memref<!tpu.dma_semaphore, #tpu.memory_space<semaphore_mem>>) src(%dma_wait3A_218 : memref<1000x64xf32, #tpu.memory_space<vmem_shared>>) dst(%dma_wait3A_216 : memref<1000x64xf32, #tpu.memory_space<hbm>>)
        tpu.yield
      }) : () -> ()
    } else {
    }
    %barrier3A_204 = arith.constant 0 : index
    tpu.barrier barrier_id(%barrier3A_204)
    return
  }
}

module attributes {stable_mosaic.version = 14 : i64} {
  func.func @_tc1_body(%arg0: i32, %arg1: memref<2000x128xf32, #tpu.memory_space<vmem>>, %arg2: memref<128x128xf32, #tpu.memory_space<vmem>>, %arg3: memref<2000x1xf32, #tpu.memory_space<vmem>>, %arg4: memref<2000x1xf32, #tpu.memory_space<vmem>>, %arg5: memref<2000x64xf32, #tpu.memory_space<vmem>>, %arg6: memref<2000x64xf32, #tpu.memory_space<vmem>>, %arg7: memref<2000x1xf32, #tpu.memory_space<vmem>>) attributes {dimension_semantics = [#tpu.dimension_semantics<arbitrary>], iteration_bounds = array<i64: 5>, scalar_prefetch = 0 : i64, scratch_operands = 0 : i64, tpu.core_type = #tpu.core_type<tc>, window_params = [{transform_indices = @transform_0, window_bounds = array<i64: 2000, 128>}, {pipeline_mode = #tpu.pipeline_mode<synchronous>, transform_indices = @transform_1, window_bounds = array<i64: 128, 128>}, {transform_indices = @transform_2, window_bounds = array<i64: 2000, 1>}, {transform_indices = @transform_3, window_bounds = array<i64: 2000, 1>}, {transform_indices = @transform_4, window_bounds = array<i64: 2000, 64>}, {transform_indices = @transform_5, window_bounds = array<i64: 2000, 64>}, {transform_indices = @transform_6, window_bounds = array<i64: 2000, 1>}]} {
    %get3A = arith.constant 0 : index
    %get3A_0 = arith.constant 0 : index
    %get3A_1 = vector.load %arg3[%get3A, %get3A_0] : memref<2000x1xf32, #tpu.memory_space<vmem>>, vector<2000x1xf32>
    %get3A_2 = arith.constant 0 : index
    %get3A_3 = arith.constant 0 : index
    %get3A_4 = vector.load %arg4[%get3A_2, %get3A_3] : memref<2000x1xf32, #tpu.memory_space<vmem>>, vector<2000x1xf32>
    %add3A = arith.addf %get3A_1, %get3A_4 : vector<2000x1xf32>
    %add3A_5 = arith.constant 1.000000e+00 : f32
    %add3A_6 = vector.broadcast %add3A_5 : f32 to vector<2000x1xf32>
    %add3A_7 = arith.addf %add3A, %add3A_6 : vector<2000x1xf32>
    %rsqrt3A = math.rsqrt %add3A_7 : vector<2000x1xf32>
    %get3A_8 = arith.constant 0 : index
    %get3A_9 = arith.constant 0 : index
    %get3A_10 = vector.load %arg1[%get3A_8, %get3A_9] : memref<2000x128xf32, #tpu.memory_space<vmem>>, vector<2000x128xf32>
    %get3A_11 = arith.constant 0 : index
    %get3A_12 = arith.constant 0 : index
    %get3A_13 = vector.load %arg2[%get3A_11, %get3A_12] : memref<128x128xf32, #tpu.memory_space<vmem>>, vector<128x128xf32>
    %dot_general3A = arith.constant dense<0.000000e+00> : vector<2000x128xf32>
    %dot_general3A_14 = tpu.matmul %get3A_10, %get3A_13, %dot_general3A {dimension_numbers = #tpu.dot_dimension_numbers<[1], [0], [0], [1], [0, 0, 1, 1], [], []>, transpose_lhs_hint = false} : vector<2000x128xf32>, vector<128x128xf32>, vector<2000x128xf32> -> vector<2000x128xf32>
    %mul3A = vector.broadcast %rsqrt3A : vector<2000x1xf32> to vector<2000x128xf32>
    %mul3A_15 = arith.mulf %mul3A, %dot_general3A_14 : vector<2000x128xf32>
    %slice3A = vector.extract_strided_slice %mul3A_15 {offsets = [0, 0], sizes = [2000, 64], strides = [1, 1]} : vector<2000x128xf32> to vector<2000x64xf32>
    %swap3A = arith.constant 0 : index
    %swap3A_16 = arith.constant 0 : index
    %swap3A_17 = vector.load %arg5[%swap3A, %swap3A_16] : memref<2000x64xf32, #tpu.memory_space<vmem>>, vector<2000x64xf32>
    tpu.vector_store %arg5[%swap3A, %swap3A_16], %slice3A {strides = array<i32>} : memref<2000x64xf32, #tpu.memory_space<vmem>>, vector<2000x64xf32>,
    %slice3A_18 = vector.extract_strided_slice %mul3A_15 {offsets = [0, 64], sizes = [2000, 64], strides = [1, 1]} : vector<2000x128xf32> to vector<2000x64xf32>
    %swap3A_19 = arith.constant 0 : index
    %swap3A_20 = arith.constant 0 : index
    %swap3A_21 = vector.load %arg6[%swap3A_19, %swap3A_20] : memref<2000x64xf32, #tpu.memory_space<vmem>>, vector<2000x64xf32>
    tpu.vector_store %arg6[%swap3A_19, %swap3A_20], %slice3A_18 {strides = array<i32>} : memref<2000x64xf32, #tpu.memory_space<vmem>>, vector<2000x64xf32>,
    %swap3A_22 = arith.constant 0 : index
    %swap3A_23 = arith.constant 0 : index
    %swap3A_24 = vector.load %arg7[%swap3A_22, %swap3A_23] : memref<2000x1xf32, #tpu.memory_space<vmem>>, vector<2000x1xf32>
    tpu.vector_store %arg7[%swap3A_22, %swap3A_23], %rsqrt3A {strides = array<i32>} : memref<2000x1xf32, #tpu.memory_space<vmem>>, vector<2000x1xf32>,
    return
  }
  func.func @transform_0(%arg0: i32) -> (i32, i32) {
    %c0_i32 = arith.constant 0 : i32
    %c0_i32_0 = arith.constant 0 : i32
    return %arg0, %c0_i32 : i32, i32
  }
  func.func @transform_1(%arg0: i32) -> (i32, i32) {
    %c0_i32 = arith.constant 0 : i32
    %c0_i32_0 = arith.constant 0 : i32
    %c0_i32_1 = arith.constant 0 : i32
    return %c0_i32, %c0_i32_0 : i32, i32
  }
  func.func @transform_2(%arg0: i32) -> (i32, i32) {
    %c0_i32 = arith.constant 0 : i32
    %c0_i32_0 = arith.constant 0 : i32
    return %arg0, %c0_i32 : i32, i32
  }
  func.func @transform_3(%arg0: i32) -> (i32, i32) {
    %c0_i32 = arith.constant 0 : i32
    %c0_i32_0 = arith.constant 0 : i32
    return %arg0, %c0_i32 : i32, i32
  }
  func.func @transform_4(%arg0: i32) -> (i32, i32) {
    %c0_i32 = arith.constant 0 : i32
    %c0_i32_0 = arith.constant 0 : i32
    return %arg0, %c0_i32 : i32, i32
  }
  func.func @transform_5(%arg0: i32) -> (i32, i32) {
    %c0_i32 = arith.constant 0 : i32
    %c0_i32_0 = arith.constant 0 : i32
    return %arg0, %c0_i32 : i32, i32
  }
  func.func @transform_6(%arg0: i32) -> (i32, i32) {
    %c0_i32 = arith.constant 0 : i32
    %c0_i32_0 = arith.constant 0 : i32
    return %arg0, %c0_i32 : i32, i32
  }
}

module attributes {stable_mosaic.version = 14 : i64} {
  func.func @_tc2_body(%arg0: i32, %arg1: memref<2x2000x64xf32, #tpu.memory_space<vmem>>, %arg2: memref<2x2000x64xf32, #tpu.memory_space<vmem>>, %arg3: memref<2000x64xf32, #tpu.memory_space<vmem>>, %arg4: memref<2000x64xf32, #tpu.memory_space<vmem>>, %arg5: memref<2000x1xf32, #tpu.memory_space<vmem>>, %arg6: memref<1x128xf32, #tpu.memory_space<vmem>>, %arg7: memref<128x64xf32, #tpu.memory_space<vmem>>, %arg8: memref<2000x64xf32, #tpu.memory_space<vmem>>) attributes {dimension_semantics = [#tpu.dimension_semantics<arbitrary>], iteration_bounds = array<i64: 5>, scalar_prefetch = 0 : i64, scratch_operands = 0 : i64, tpu.core_type = #tpu.core_type<tc>, window_params = [{transform_indices = @transform_0, window_bounds = array<i64: 2, 2000, 64>}, {transform_indices = @transform_1, window_bounds = array<i64: 2, 2000, 64>}, {transform_indices = @transform_2, window_bounds = array<i64: 2000, 64>}, {transform_indices = @transform_3, window_bounds = array<i64: 2000, 64>}, {transform_indices = @transform_4, window_bounds = array<i64: 2000, 1>}, {pipeline_mode = #tpu.pipeline_mode<synchronous>, transform_indices = @transform_5, window_bounds = array<i64: 1, 128>}, {pipeline_mode = #tpu.pipeline_mode<synchronous>, transform_indices = @transform_6, window_bounds = array<i64: 128, 64>}, {transform_indices = @transform_7, window_bounds = array<i64: 2000, 64>}]} {
    %get3A = arith.constant 0 : index
    %get3A_0 = arith.constant 0 : index
    %get3A_1 = vector.load %arg5[%get3A, %get3A_0] : memref<2000x1xf32, #tpu.memory_space<vmem>>, vector<2000x1xf32>
    %get3A_2 = arith.constant 0 : index
    %get3A_3 = arith.constant 0 : index
    %get3A_4 = arith.constant 0 : index
    %get3A_5 = vector.load %arg1[%get3A_2, %get3A_3, %get3A_4] : memref<2x2000x64xf32, #tpu.memory_space<vmem>>, vector<1x2000x64xf32>
    %get3A_6 = vector.shape_cast %get3A_5 : vector<1x2000x64xf32> to vector<2000x64xf32>
    %get3A_7 = arith.constant 1 : index
    %get3A_8 = arith.constant 0 : index
    %get3A_9 = arith.constant 0 : index
    %get3A_10 = vector.load %arg1[%get3A_7, %get3A_8, %get3A_9] : memref<2x2000x64xf32, #tpu.memory_space<vmem>>, vector<1x2000x64xf32>
    %get3A_11 = vector.shape_cast %get3A_10 : vector<1x2000x64xf32> to vector<2000x64xf32>
    %add3A = arith.addf %get3A_6, %get3A_11 : vector<2000x64xf32>
    %get3A_12 = arith.constant 0 : index
    %get3A_13 = arith.constant 0 : index
    %get3A_14 = vector.load %arg3[%get3A_12, %get3A_13] : memref<2000x64xf32, #tpu.memory_space<vmem>>, vector<2000x64xf32>
    %add3A_15 = arith.addf %add3A, %get3A_14 : vector<2000x64xf32>
    %mul3A = vector.broadcast %get3A_1 : vector<2000x1xf32> to vector<2000x64xf32>
    %mul3A_16 = arith.mulf %add3A_15, %mul3A : vector<2000x64xf32>
    %get3A_17 = arith.constant 0 : index
    %get3A_18 = arith.constant 0 : index
    %get3A_19 = vector.load %arg6[%get3A_17, %get3A_18] : memref<1x128xf32, #tpu.memory_space<vmem>>, vector<1x64xf32>
    %add3A_20 = vector.broadcast %get3A_19 : vector<1x64xf32> to vector<2000x64xf32>
    %add3A_21 = arith.addf %mul3A_16, %add3A_20 : vector<2000x64xf32>
    %get3A_22 = arith.constant 0 : index
    %get3A_23 = arith.constant 0 : index
    %get3A_24 = arith.constant 0 : index
    %get3A_25 = vector.load %arg2[%get3A_22, %get3A_23, %get3A_24] : memref<2x2000x64xf32, #tpu.memory_space<vmem>>, vector<1x2000x64xf32>
    %get3A_26 = vector.shape_cast %get3A_25 : vector<1x2000x64xf32> to vector<2000x64xf32>
    %get3A_27 = arith.constant 1 : index
    %get3A_28 = arith.constant 0 : index
    %get3A_29 = arith.constant 0 : index
    %get3A_30 = vector.load %arg2[%get3A_27, %get3A_28, %get3A_29] : memref<2x2000x64xf32, #tpu.memory_space<vmem>>, vector<1x2000x64xf32>
    %get3A_31 = vector.shape_cast %get3A_30 : vector<1x2000x64xf32> to vector<2000x64xf32>
    %add3A_32 = arith.addf %get3A_26, %get3A_31 : vector<2000x64xf32>
    %get3A_33 = arith.constant 0 : index
    %get3A_34 = arith.constant 0 : index
    %get3A_35 = vector.load %arg4[%get3A_33, %get3A_34] : memref<2000x64xf32, #tpu.memory_space<vmem>>, vector<2000x64xf32>
    %add3A_36 = arith.addf %add3A_32, %get3A_35 : vector<2000x64xf32>
    %mul3A_37 = vector.broadcast %get3A_1 : vector<2000x1xf32> to vector<2000x64xf32>
    %mul3A_38 = arith.mulf %add3A_36, %mul3A_37 : vector<2000x64xf32>
    %get3A_39 = arith.constant 0 : index
    %get3A_40 = arith.constant 64 : index
    %get3A_41 = vector.load %arg6[%get3A_39, %get3A_40] : memref<1x128xf32, #tpu.memory_space<vmem>>, vector<1x64xf32>
    %add3A_42 = vector.broadcast %get3A_41 : vector<1x64xf32> to vector<2000x64xf32>
    %add3A_43 = arith.addf %mul3A_38, %add3A_42 : vector<2000x64xf32>
    %max3A = arith.constant 0.000000e+00 : f32
    %max3A_44 = vector.broadcast %max3A : f32 to vector<2000x64xf32>
    %max3A_45 = arith.maximumf %add3A_21, %max3A_44 : vector<2000x64xf32>
    %max3A_46 = arith.constant 0.000000e+00 : f32
    %max3A_47 = vector.broadcast %max3A_46 : f32 to vector<2000x64xf32>
    %max3A_48 = arith.maximumf %add3A_43, %max3A_47 : vector<2000x64xf32>
    %concatenate3A = tpu.concatenate %max3A_45, %max3A_48 in 1 : vector<2000x64xf32>, vector<2000x64xf32> -> vector<2000x128xf32>
    %get3A_49 = arith.constant 0 : index
    %get3A_50 = arith.constant 0 : index
    %get3A_51 = vector.load %arg7[%get3A_49, %get3A_50] : memref<128x64xf32, #tpu.memory_space<vmem>>, vector<128x64xf32>
    %dot_general3A = arith.constant dense<0.000000e+00> : vector<2000x64xf32>
    %dot_general3A_52 = tpu.matmul %concatenate3A, %get3A_51, %dot_general3A {dimension_numbers = #tpu.dot_dimension_numbers<[1], [0], [0], [1], [0, 0, 1, 1], [], []>, transpose_lhs_hint = false} : vector<2000x128xf32>, vector<128x64xf32>, vector<2000x64xf32> -> vector<2000x64xf32>
    %mul3A_53 = vector.broadcast %get3A_1 : vector<2000x1xf32> to vector<2000x64xf32>
    %mul3A_54 = arith.mulf %mul3A_53, %dot_general3A_52 : vector<2000x64xf32>
    %swap3A = arith.constant 0 : index
    %swap3A_55 = arith.constant 0 : index
    %swap3A_56 = vector.load %arg8[%swap3A, %swap3A_55] : memref<2000x64xf32, #tpu.memory_space<vmem>>, vector<2000x64xf32>
    tpu.vector_store %arg8[%swap3A, %swap3A_55], %mul3A_54 {strides = array<i32>} : memref<2000x64xf32, #tpu.memory_space<vmem>>, vector<2000x64xf32>,
    return
  }
  func.func @transform_0(%arg0: i32) -> (i32, i32, i32) {
    %c0_i32 = arith.constant 0 : i32
    %c0_i32_0 = arith.constant 0 : i32
    %c0_i32_1 = arith.constant 0 : i32
    return %c0_i32, %arg0, %c0_i32_0 : i32, i32, i32
  }
  func.func @transform_1(%arg0: i32) -> (i32, i32, i32) {
    %c0_i32 = arith.constant 0 : i32
    %c0_i32_0 = arith.constant 0 : i32
    %c0_i32_1 = arith.constant 0 : i32
    return %c0_i32, %arg0, %c0_i32_0 : i32, i32, i32
  }
  func.func @transform_2(%arg0: i32) -> (i32, i32) {
    %c0_i32 = arith.constant 0 : i32
    %c0_i32_0 = arith.constant 0 : i32
    return %arg0, %c0_i32 : i32, i32
  }
  func.func @transform_3(%arg0: i32) -> (i32, i32) {
    %c0_i32 = arith.constant 0 : i32
    %c0_i32_0 = arith.constant 0 : i32
    return %arg0, %c0_i32 : i32, i32
  }
  func.func @transform_4(%arg0: i32) -> (i32, i32) {
    %c0_i32 = arith.constant 0 : i32
    %c0_i32_0 = arith.constant 0 : i32
    return %arg0, %c0_i32 : i32, i32
  }
  func.func @transform_5(%arg0: i32) -> (i32, i32) {
    %c0_i32 = arith.constant 0 : i32
    %c0_i32_0 = arith.constant 0 : i32
    %c0_i32_1 = arith.constant 0 : i32
    return %c0_i32, %c0_i32_0 : i32, i32
  }
  func.func @transform_6(%arg0: i32) -> (i32, i32) {
    %c0_i32 = arith.constant 0 : i32
    %c0_i32_0 = arith.constant 0 : i32
    %c0_i32_1 = arith.constant 0 : i32
    return %c0_i32, %c0_i32_0 : i32, i32
  }
  func.func @transform_7(%arg0: i32) -> (i32, i32) {
    %c0_i32 = arith.constant 0 : i32
    %c0_i32_0 = arith.constant 0 : i32
    return %arg0, %c0_i32 : i32, i32
  }
}

module attributes {stable_mosaic.version = 14 : i64} {
  func.func @_tc3_body(%arg0: i32, %arg1: memref<2x2000x64xf32, #tpu.memory_space<vmem>>, %arg2: memref<2000x64xf32, #tpu.memory_space<vmem>>, %arg3: memref<2000x1xf32, #tpu.memory_space<vmem>>, %arg4: memref<1x64xf32, #tpu.memory_space<vmem>>, %arg5: memref<2x64xf32, #tpu.memory_space<vmem>>, %arg6: memref<1x2xf32, #tpu.memory_space<vmem>>, %arg7: memref<2000x2xf32, #tpu.memory_space<vmem>>) attributes {dimension_semantics = [#tpu.dimension_semantics<arbitrary>], iteration_bounds = array<i64: 5>, scalar_prefetch = 0 : i64, scratch_operands = 0 : i64, tpu.core_type = #tpu.core_type<tc>, window_params = [{transform_indices = @transform_0, window_bounds = array<i64: 2, 2000, 64>}, {transform_indices = @transform_1, window_bounds = array<i64: 2000, 64>}, {transform_indices = @transform_2, window_bounds = array<i64: 2000, 1>}, {pipeline_mode = #tpu.pipeline_mode<synchronous>, transform_indices = @transform_3, window_bounds = array<i64: 1, 64>}, {pipeline_mode = #tpu.pipeline_mode<synchronous>, transform_indices = @transform_4, window_bounds = array<i64: 2, 64>}, {pipeline_mode = #tpu.pipeline_mode<synchronous>, transform_indices = @transform_5, window_bounds = array<i64: 1, 2>}, {transform_indices = @transform_6, window_bounds = array<i64: 2000, 2>}]} {
    %get3A = arith.constant 0 : index
    %get3A_0 = arith.constant 0 : index
    %get3A_1 = vector.load %arg3[%get3A, %get3A_0] : memref<2000x1xf32, #tpu.memory_space<vmem>>, vector<2000x1xf32>
    %get3A_2 = arith.constant 0 : index
    %get3A_3 = arith.constant 0 : index
    %get3A_4 = arith.constant 0 : index
    %get3A_5 = vector.load %arg1[%get3A_2, %get3A_3, %get3A_4] : memref<2x2000x64xf32, #tpu.memory_space<vmem>>, vector<1x2000x64xf32>
    %get3A_6 = vector.shape_cast %get3A_5 : vector<1x2000x64xf32> to vector<2000x64xf32>
    %get3A_7 = arith.constant 1 : index
    %get3A_8 = arith.constant 0 : index
    %get3A_9 = arith.constant 0 : index
    %get3A_10 = vector.load %arg1[%get3A_7, %get3A_8, %get3A_9] : memref<2x2000x64xf32, #tpu.memory_space<vmem>>, vector<1x2000x64xf32>
    %get3A_11 = vector.shape_cast %get3A_10 : vector<1x2000x64xf32> to vector<2000x64xf32>
    %add3A = arith.addf %get3A_6, %get3A_11 : vector<2000x64xf32>
    %get3A_12 = arith.constant 0 : index
    %get3A_13 = arith.constant 0 : index
    %get3A_14 = vector.load %arg2[%get3A_12, %get3A_13] : memref<2000x64xf32, #tpu.memory_space<vmem>>, vector<2000x64xf32>
    %add3A_15 = arith.addf %add3A, %get3A_14 : vector<2000x64xf32>
    %mul3A = vector.broadcast %get3A_1 : vector<2000x1xf32> to vector<2000x64xf32>
    %mul3A_16 = arith.mulf %add3A_15, %mul3A : vector<2000x64xf32>
    %get3A_17 = arith.constant 0 : index
    %get3A_18 = arith.constant 0 : index
    %get3A_19 = vector.load %arg4[%get3A_17, %get3A_18] : memref<1x64xf32, #tpu.memory_space<vmem>>, vector<1x64xf32>
    %add3A_20 = vector.broadcast %get3A_19 : vector<1x64xf32> to vector<2000x64xf32>
    %add3A_21 = arith.addf %mul3A_16, %add3A_20 : vector<2000x64xf32>
    %max3A = arith.constant 0.000000e+00 : f32
    %max3A_22 = vector.broadcast %max3A : f32 to vector<2000x64xf32>
    %max3A_23 = arith.maximumf %add3A_21, %max3A_22 : vector<2000x64xf32>
    %get3A_24 = arith.constant 0 : index
    %get3A_25 = arith.constant 0 : index
    %get3A_26 = vector.load %arg5[%get3A_24, %get3A_25] : memref<2x64xf32, #tpu.memory_space<vmem>>, vector<1x64xf32>
    %mul3A_27 = vector.broadcast %get3A_26 : vector<1x64xf32> to vector<2000x64xf32>
    %mul3A_28 = arith.mulf %max3A_23, %mul3A_27 : vector<2000x64xf32>
    %reduce_sum3A = arith.constant dense<0.000000e+00> : vector<2000xf32>
    %reduce_sum3A_29 = vector.multi_reduction <add>, %mul3A_28, %reduce_sum3A [1] : vector<2000x64xf32> to vector<2000xf32>
    %broadcast_in_dim3A = vector.shape_cast %reduce_sum3A_29 : vector<2000xf32> to vector<2000x1xf32>
    %get3A_30 = arith.constant 0 : index
    %get3A_31 = arith.constant 0 : index
    %get3A_32 = vector.load %arg6[%get3A_30, %get3A_31] : memref<1x2xf32, #tpu.memory_space<vmem>>, vector<1x1xf32>
    %add3A_33 = vector.broadcast %get3A_32 : vector<1x1xf32> to vector<2000x1xf32>
    %add3A_34 = arith.addf %broadcast_in_dim3A, %add3A_33 : vector<2000x1xf32>
    %get3A_35 = arith.constant 1 : index
    %get3A_36 = arith.constant 0 : index
    %get3A_37 = vector.load %arg5[%get3A_35, %get3A_36] : memref<2x64xf32, #tpu.memory_space<vmem>>, vector<1x64xf32>
    %mul3A_38 = vector.broadcast %get3A_37 : vector<1x64xf32> to vector<2000x64xf32>
    %mul3A_39 = arith.mulf %max3A_23, %mul3A_38 : vector<2000x64xf32>
    %reduce_sum3A_40 = arith.constant dense<0.000000e+00> : vector<2000xf32>
    %reduce_sum3A_41 = vector.multi_reduction <add>, %mul3A_39, %reduce_sum3A_40 [1] : vector<2000x64xf32> to vector<2000xf32>
    %broadcast_in_dim3A_42 = vector.shape_cast %reduce_sum3A_41 : vector<2000xf32> to vector<2000x1xf32>
    %get3A_43 = arith.constant 0 : index
    %get3A_44 = arith.constant 1 : index
    %get3A_45 = vector.load %arg6[%get3A_43, %get3A_44] : memref<1x2xf32, #tpu.memory_space<vmem>>, vector<1x1xf32>
    %add3A_46 = vector.broadcast %get3A_45 : vector<1x1xf32> to vector<2000x1xf32>
    %add3A_47 = arith.addf %broadcast_in_dim3A_42, %add3A_46 : vector<2000x1xf32>
    %max3A_48 = arith.maximumf %add3A_34, %add3A_47 : vector<2000x1xf32>
    %sub3A = arith.subf %add3A_34, %max3A_48 : vector<2000x1xf32>
    %exp3A = math.exp %sub3A : vector<2000x1xf32>
    %sub3A_49 = arith.subf %add3A_47, %max3A_48 : vector<2000x1xf32>
    %exp3A_50 = math.exp %sub3A_49 : vector<2000x1xf32>
    %add3A_51 = arith.addf %exp3A, %exp3A_50 : vector<2000x1xf32>
    %log3A = math.log %add3A_51 : vector<2000x1xf32>
    %add3A_52 = arith.addf %max3A_48, %log3A : vector<2000x1xf32>
    %sub3A_53 = arith.subf %add3A_34, %add3A_52 : vector<2000x1xf32>
    %sub3A_54 = arith.subf %add3A_47, %add3A_52 : vector<2000x1xf32>
    %concatenate3A = tpu.concatenate %sub3A_53, %sub3A_54 in 1 : vector<2000x1xf32>, vector<2000x1xf32> -> vector<2000x2xf32>
    %swap3A = arith.constant 0 : index
    %swap3A_55 = arith.constant 0 : index
    %swap3A_56 = vector.load %arg7[%swap3A, %swap3A_55] : memref<2000x2xf32, #tpu.memory_space<vmem>>, vector<2000x2xf32>
    tpu.vector_store %arg7[%swap3A, %swap3A_55], %concatenate3A {strides = array<i32>} : memref<2000x2xf32, #tpu.memory_space<vmem>>, vector<2000x2xf32>,
    return
  }
  func.func @transform_0(%arg0: i32) -> (i32, i32, i32) {
    %c0_i32 = arith.constant 0 : i32
    %c0_i32_0 = arith.constant 0 : i32
    %c0_i32_1 = arith.constant 0 : i32
    return %c0_i32, %arg0, %c0_i32_0 : i32, i32, i32
  }
  func.func @transform_1(%arg0: i32) -> (i32, i32) {
    %c0_i32 = arith.constant 0 : i32
    %c0_i32_0 = arith.constant 0 : i32
    return %arg0, %c0_i32 : i32, i32
  }
  func.func @transform_2(%arg0: i32) -> (i32, i32) {
    %c0_i32 = arith.constant 0 : i32
    %c0_i32_0 = arith.constant 0 : i32
    return %arg0, %c0_i32 : i32, i32
  }
  func.func @transform_3(%arg0: i32) -> (i32, i32) {
    %c0_i32 = arith.constant 0 : i32
    %c0_i32_0 = arith.constant 0 : i32
    %c0_i32_1 = arith.constant 0 : i32
    return %c0_i32, %c0_i32_0 : i32, i32
  }
  func.func @transform_4(%arg0: i32) -> (i32, i32) {
    %c0_i32 = arith.constant 0 : i32
    %c0_i32_0 = arith.constant 0 : i32
    %c0_i32_1 = arith.constant 0 : i32
    return %c0_i32, %c0_i32_0 : i32, i32
  }
  func.func @transform_5(%arg0: i32) -> (i32, i32) {
    %c0_i32 = arith.constant 0 : i32
    %c0_i32_0 = arith.constant 0 : i32
    %c0_i32_1 = arith.constant 0 : i32
    return %c0_i32, %c0_i32_0 : i32, i32
  }
  func.func @transform_6(%arg0: i32) -> (i32, i32) {
    %c0_i32 = arith.constant 0 : i32
    %c0_i32_0 = arith.constant 0 : i32
    return %arg0, %c0_i32 : i32, i32
  }
}

</mosaic_0001>

<sc_bundles>
// kernel: kernel.11.cloned.1.call-start
scs
__scs_entry_jumppad:
0x0: {  	(pc) =	sbr.rel $0x88, $3  }
0x1: {  	(tag) =	ssettag $0x0;
	lr =	simm.s32 $0x1  }
0x2: {  	[smem:$0x3F99] =	sst lr;
	_ =	strace $0xD0000000  }
0x3: {  	_ = 	snop  }
0x4: {  	_ = 	snop  }
0x5: {  	_ = 	snop  }
0x6: {  	_ = 	snop  }
0x7: {  	_ = 	snop  }
__scs_overlays_trampoline_lowered:
0x8: {  	[smem:$0x3FA8] =	sst s0  }
0x9: {  	[smem:$0x3FA9] =	sst s1  }
0xa: {  	[smem:$0x3FAA] =	sst s2  }
0xb: {  	[smem:$0x3FAB] =	sst s3  }
0xc: {  	[smem:$0x3FAC] =	sst s4  }
0xd: {  	[smem:$0x3FAD] =	sst s5  }
0xe: {  	[smem:$0x3FAE] =	sst s6  }
0xf: {  	[smem:$0x3FAF] =	sst s7  }
0x10: {  	[smem:$0x3FB0] =	sst s8  }
0x11: {  	[smem:$0x3FB1] =	sst s9;
	s0 =	simm.s32 @!p0 $0x0  }
0x12: {  	s1 =	sld [smem:$0x3F97];
	s0 =	simm.s32 @p0 $0x1  }
0x13: {  	[smem:$0x3FB2] =	sst s0;
	s0 =	simm.s32 @!p1 $0x0  }
0x14: {  	s2 =	sld [smem:$0x3F96];
	s0 =	simm.s32 @p1 $0x1  }
0x15: {  	[smem:$0x3FB3] =	sst s0;
	s0 =	simm.s32 @!p2 $0x0  }
0x16: {  	s3 =	sld [smem:$0x3FDB];
	s0 =	simm.s32 @p2 $0x1  }
0x17: {  	s4 =	simm.s32 $0x1BF5;
	[smem:$0x3FB5] =	sst s0  }
0x18: {  	s0 =	sld [smem:$0x3F98];
	_ =	swait.ge [sflag:s4], $0x0  }
0x19: {  	s7 =	sld [smem:$0x3F99]  }
0x1a: {  	s8 =	sadd.s32 $0xFFFFE003, lr  }
0x1b: {  	s9 =	sadd.s32 $0xFFFFFEF7, lr;
	s5 =	simm.s32 $0xFFFFFFFF;
	p2 =	slt.u32 s8, $0xFFFFF086  }
0x1c: {  	p1 =	slt.u32 s9, $0xF7A;
	s5 =	simm.s32 @!p2 $0x0  }
0x1d: {  	s5 =	simm.s32 @p1 $0x1;
	p0 =	seq.s32 s7, s2  }
0x1e: {  	s7 =	smul.u32 @!p0 $0xF7A, s2;
	p2 =	seq.s32 @!p0 s5, $0x0  }
0x1f: {  	s9 =	smul.u32 $0xF7A, s1;
	s8 =	simm.s32 @!p0 $0x1BF5;
	p2 =	por !p2, p0  }
0x20: {  	[sflag:s8] =	ssyncset.s32 @!p0 $0xFFFFF086;
	s6 =	sadd.s32 @!p0 s3, s7;
	s7 =	simm.s32 @!p0 $0x108  }
0x21: {  	s3 =	sadd.s32 s3, s9;
	s6 =	sadd.s32 @!p0 $0x88, s6;
	s7 =	simm.s32 @p2 $0x1082  }
0x22: {  	[simem:s7], [sflag:s8] =	dma.local @!p0 [hbm:s6], $0xF7A  }
0x23: {  	s9 =	sor.u32 $0xD0000000, s2;
	s6 =	simm.s32 $0x108;
	_ =	swait.ge @!p0 [sflag:s8], $0x0  }
0x24: {  	s3 =	sadd.s32 $0x88, s3;
	s6 =	simm.s32 @!p1 $0x1082;
	[sflag:s4] =	ssyncset.s32 $0xFFFFF086  }
0x25: {  	[simem:s6], [sflag:s4] =	dma.local [hbm:s3], $0xF7A  }
0x26: {  	[smem:$0x3F99] =	sst s1;
	(tag) =	ssettag s2;
	_ =	strace s9  }
0x27: {  	s1 =	sld [smem:$0x3FA9]  }
0x28: {  	s2 =	sld [smem:$0x3FAA]  }
0x29: {  	s4 =	sld [smem:$0x3FAC]  }
0x2a: {  	p0 =	seq.s32 s5, $0x0;
	s5 =	sld [smem:$0x3FAD]  }
0x2b: {  	s6 =	sld [smem:$0x3FAE]  }
0x2c: {  	s7 =	sld [smem:$0x3FAF]  }
0x2d: {  	s3 =	simm.s32 $0x108;
	s8 =	sld [smem:$0x3FB0]  }
0x2e: {  	s3 =	simm.s32 @!p0 $0x1082;
	s9 =	sld [smem:$0x3FB1]  }
0x2f: {  	lr =	sadd.s32 s0, s3;
	s0 =	sld [smem:$0x3FA8]  }
0x30: {  	s3 =	sld [smem:$0x3FAB]  }
0x31: {  	[smem:$0x3FB4] =	sst s10  }
0x32: {  	s10 =	sld [smem:$0x3FB2];
	_ =	sdelay $0x3  }
0x33: {  	p0 =	seq.s32 s10, $0x1;
	s10 =	sld [smem:$0x3FB4];
	_ =	sdelay $0x3  }
0x34: {  	[smem:$0x3FB4] =	sst s10  }
0x35: {  	s10 =	sld [smem:$0x3FB3];
	_ =	sdelay $0x3  }
0x36: {  	p1 =	seq.s32 s10, $0x1;
	s10 =	sld [smem:$0x3FB4];
	_ =	sdelay $0x3  }
0x37: {  	[smem:$0x3FB4] =	sst s10  }
0x38: {  	s10 =	sld [smem:$0x3FB5]  }
0x39: {  	_ = 	snop;
	(pc) =	sbr.ind lr, $3  }
0x3a: {  	_ = 	snop  }
0x3b: {  	_ = 	snop  }
0x3c: {  	p2 =	seq.s32 s10, $0x1;
	s10 =	sld [smem:$0x3FB4]  }
0x3d: {  	_ =	shalt  }
0x3e: {  	_ =	shalt  }
0x3f: {  	_ =	shalt  }
0x40: {  	_ =	shalt  }
0x41: {  	_ =	shalt  }
0x42: {  	_ =	shalt  }
0x43: {  	_ =	shalt  }
0x44: {  	_ =	shalt  }
0x45: {  	_ =	shalt  }
0x46: {  	_ =	shalt  }
0x47: {  	_ =	shalt  }
0x48: {  	_ =	shalt  }
0x49: {  	_ =	shalt  }
0x4a: {  	_ =	shalt  }
0x4b: {  	_ =	shalt  }
0x4c: {  	_ =	shalt  }
0x4d: {  	_ =	shalt  }
0x4e: {  	_ =	shalt  }
0x4f: {  	_ =	shalt  }
0x50: {  	_ =	shalt  }
0x51: {  	_ =	shalt  }
0x52: {  	_ =	shalt  }
0x53: {  	_ =	shalt  }
0x54: {  	_ =	shalt  }
0x55: {  	_ =	shalt  }
0x56: {  	_ =	shalt  }
0x57: {  	_ =	shalt  }
0x58: {  	_ =	shalt  }
0x59: {  	_ =	shalt  }
0x5a: {  	_ =	shalt  }
0x5b: {  	_ =	shalt  }
0x5c: {  	_ =	shalt  }
0x5d: {  	_ =	shalt  }
0x5e: {  	_ =	shalt  }
0x5f: {  	_ =	shalt  }
0x60: {  	_ =	shalt  }
0x61: {  	_ =	shalt  }
0x62: {  	_ =	shalt  }
0x63: {  	_ =	shalt  }
0x64: {  	_ =	shalt  }
0x65: {  	_ =	shalt  }
0x66: {  	_ =	shalt  }
0x67: {  	_ =	shalt  }
0x68: {  	_ =	shalt  }
0x69: {  	_ =	shalt  }
0x6a: {  	_ =	shalt  }
0x6b: {  	_ =	shalt  }
0x6c: {  	_ =	shalt  }
0x6d: {  	_ =	shalt  }
0x6e: {  	_ =	shalt  }
0x6f: {  	_ =	shalt  }
0x70: {  	_ =	shalt  }
0x71: {  	_ =	shalt  }
0x72: {  	_ =	shalt  }
0x73: {  	_ =	shalt  }
0x74: {  	_ =	shalt  }
0x75: {  	_ =	shalt  }
0x76: {  	_ =	shalt  }
0x77: {  	_ =	shalt  }
0x78: {  	_ =	shalt  }
0x79: {  	_ =	shalt  }
0x7a: {  	_ =	shalt  }
0x7b: {  	_ =	shalt  }
0x7c: {  	_ =	shalt  }
0x7d: {  	_ =	shalt  }
0x7e: {  	_ =	shalt  }
0x7f: {  	_ =	shalt  }
0x80: {  	_ =	shalt  }
0x81: {  	_ =	shalt  }
0x82: {  	_ =	shalt  }
0x83: {  	_ =	shalt  }
0x84: {  	_ =	shalt  }
0x85: {  	_ =	shalt  }
0x86: {  	_ =	shalt  }
0x87: {  	_ =	shalt  }
.Lfunc_end0:
.L_simem_size_0:
called_computation.1_lowered:
.L_overlay_start_0:
0x88: {  	s2 =	sld [smem:$0x3FD9]  }
0x89: {  	s3 =	sld [smem:$0x3FFE];
	_ =	sdelay $0x1  }
0x8a: {  	s1 =	srdreg.scid  }
0x8b: {  	s0 =	sand.u32 $0x1, s1  }
0x8c: {  	s16 =	sshll.u32 s0, $0xA;
	s2 =	sadd.s32 s3, s2  }
0x8d: {  	s2 =	sadd.s32 s2, s16  }
0x8e: {  	[smem:$0x3FC0] =	sst s2  }
0x8f: {  	_ = 	snop  }
0x90: {  	(tm) =	ssettm $0x1  }
0x91: {  	s17 =	sld [smem:$0x3FFB];
	_ =	sdelay $0x3  }
0x92: {  	_ =	strace s17  }
0x93: {  	s2 =	sld [smem:$0x3FFC];
	_ =	sdelay $0x3  }
0x94: {  	_ =	strace s2  }
0x95: {  	s2 =	sld [smem:$0x3FFD];
	_ =	sdelay $0x3  }
0x96: {  	_ =	strace s2  }
0x97: {  	_ =	strace $0x8FFFFFFF  }
0x98: {  	s18 =	sld [smem:$0x3FDB];
	_ =	sdelay $0x1  }
0x99: {  	s19 =	simm.s32 $_scs_section_size  }
0x9a: {  	s4 =	simm.s32 $_size__tile_overlayer_lowered;
	s5 =	simm.s32 $_tile_overlayer_lowered  }
0x9b: {  	s22 =	simm.s32 $0x1BFF;
	s21 =	sshll.u32 s5, $0x1;
	s2 =	sadd.s32 s19, s18  }
0x9c: {  	s6 =	simm.s32 $0x0;
	s20 =	sshll.u32 s4, $0x1;
	s4 =	sadd.s32 s21, s2  }
0x9d: {  	[timem:s6], [sflag:s22] =	dma.local [hbm:s4], s20  }
0x9e: {  	_ =	swait.ge [sflag:s22], s20  }
0x9f: {  	s3 =	ssub.s32 $0x0, s20;
	[sflag:s22] =	ssyncset.done $0x0  }
0xa0: {  	[sflag:s22] =	ssyncadd.s32 s3;
	_ =	sdelay $0x1  }
0xa1: {  	s23 =	simm.s32 $0x1B8B  }
0xa2: {  	_ =	swait.ge [sflag:s23], $0x1  }
0xa3: {  	[sflag:s23] =	ssyncset.done $0x0  }
0xa4: {  	s25 =	simm.s32 $0x1B8E;
	s24 =	sld [smem:$0x3FFE];
	[sflag:s23] =	ssyncadd.s32 $0xFFFFFFFF  }
0xa5: {  	s26 =	simm.s32 $execute0_lowered;
	[smem:$0x3FD2] =	sst s25  }
0xa6: {  	s4 =	sshll.u32 s26, $0x1;
	_ =	strace $0x80000049;
	[dreg:$0x1] =	wrdreg $0xFFFFFFFF  }
0xa7: {  	s28 =	simm.s32 $_size_execute0_lowered;
	s2 =	sadd.s32 s2, s4;
	[dreg:$0x0] =	wrdreg $0x0  }
0xa8: {  	s4 =	sshll.u32 s28, $0x1;
	[dreg:$0x2] =	wrdreg s2  }
0xa9: {  	[dreg:$0x3] =	wrdreg s4  }
0xaa: {  	[dreg:$0x4] =	wrdreg $0xC0  }
0xab: {  	_ =	task [dreg:s6], $0x5FFFF  }
0xac: {  	[dreg:$0x1] =	wrdreg $0xFFFFFFFF  }
0xad: {  	[dreg:$0x0] =	wrdreg $0x60  }
0xae: {  	[dreg:$0x2] =	wrdreg s24  }
0xaf: {  	[dreg:$0x3] =	wrdreg $0xA9600  }
0xb0: {  	[dreg:$0x4] =	wrdreg $0x9  }
0xb1: {  	_ =	task.clear_ibuf [dreg:s6], $0x5FFFF;
	_ =	strace $0x90000049  }
0xb2: {  	s29 =	simm.s32 $0x9;
	_ =	strace $0x8000004B  }
0xb3: {  	_ =	swait.ge [sflag:s29], $0x1  }
0xb4: {  	[sflag:s29] =	ssyncadd.s32 $0xFFFFFFFF  }
0xb5: {  	_ =	strace $0x9000004B  }
0xb6: {  	_ =	sfence  }
0xb7: {  	s30 =	sld [smem:$0x0];
	_ =	sdelay $0x2  }
0xb8: {  	s31 =	sshll.u32 s1, $0xD;
	s1 =	sshrl.u32 s1, $0x2  }
0xb9: {  	s3 =	sand.u32 $0x4000, s31;
	s1 =	sadd.s32 s1, s30  }
0xba: {  	s0 =	sor.u32 s3, s0;
	s1 =	sshll.u32 s1, $0x11  }
0xbb: {  	s0 =	sor.u32 s1, s0  }
0xbc: {  	s0 =	sadd.s32 $0x8F2B, s0  }
0xbd: {  	[sflag:s0] =	ssyncadd.remote.s32 $0x1  }
0xbe: {  	_ =	sfence.sel $0xFFFF  }
0xbf: {  	[dreg:$0x0] =	wrdreg $0xFFFFFFFF;
	(pc) =	sbr.abs _section_cstart, $3  }
0xc0: {  	[dreg:$0x1] =	wrdreg $0xFFFFFFFF  }
0xc1: {  	_ =	task.clear_ibuf [dreg:s6], $0x2FFFF;
	_ =	strace $0x9FFFFFFF  }
0xc2: {  	(tm) =	ssettm $0x7FFFFFFF  }
0xc3: {  	_ =	shalt  }
tec
execute0_lowered:
.L_overlay_start_1:
0x0: {  	(tag) =	ssettag $0x1  }
0x1: {  	s0 =	rddreg [dreg:$0x0]  }
0x2: {  	s2 =	rddreg [dreg:$0x1];
	s1 =	srdreg.scid;
	s3 =	simm.s32 $0x0  }
0x3: {  	s14 =	stileid.u32;
	s17 =	simm.s32 $0x7;
	s18 =	simm.s32 $0x2710  }
0x4: {  	s19 =	simm.s32 $0x8A20;
	s20 =	simm.s32 $0x50;
	s21 =	simm.s32 $0x4E20  }
0x5: {  	s22 =	simm.s32 $0x6220;
	s28 =	simm.s32 $0x4;
	s29 =	simm.s32 $0x3  }
0x6: {  	s30 =	simm.s32 $0x5;
	s31 =	simm.s32 $0x4D80;
	s1 =	sand.u32 $0x1, s1  }
0x7: {  	[smem:$0x7FF] =	sst s3;
	s4 =	sshll.u32 s14, $0x1;
	s13 =	smul.u32 $0xFA00, s14  }
0x8: {  	s5 =	sadd.s32 $0x29800, s0;
	s8 =	smul.u32 $0x27100, s14;
	p0 =	sgt.u32 s14, $0x9  }
0x9: {  	s6 =	smul.u32 $0x9C400, s1;
	_ =	strace $0x8000004A;
	s7 =	sor.u32 s1, s4  }
0xa: {  	s4 =	sadd.s32 $0x15E00, s0;
	s1 =	ssub.s32 $0x2, s1;
	s7 =	smul.u32 $0x4E2, s7  }
0xb: {  	s9 =	sshrl.u32 s1, $0x1;
	s23 =	sshrl.u32 s8, $0x2;
	s26 =	sadd.s32 s13, s2  }
0xc: {  	s6 =	sadd.s32 s13, s6;
	s1 =	ssub.s32 s1, s9;
	s8 =	sadd.s32 s23, s2  }
0xd: {  	[dreg:$0x6] =	wrdreg s26;
	s23 =	simm.s32 $0x1;
	s26 =	simm.s32 $0x2  }
0xe: {  	s7 =	sadd.s32 s7, s0;
	s6 =	sshrl.u32 s6, $0x3;
	s9 =	sadd.s32 $0x1F40, s8  }
0xf: {  	s10 =	sadd.s32 $0x3E80, s8;
	s11 =	sadd.s32 $0x5DC0, s8;
	s24 =	sadd.s32 $0x2200, s7  }
0x10: {  	s12 =	sadd.s32 $0x7D00, s8;
	s7 =	sadd.s32 $0xC000, s7;
	[dreg:$0x3] =	wrdreg s24  }
0x11: {  	s16 =	smax.u32 s1, $0x1;
	s0 =	sadd.s32 s6, s0;
	[dreg:$0x4] =	wrdreg s7  }
0x12: {  	s25 =	sadd.s32 $0x64400, s0;
	s15 =	sadd.s32 $0x3D200, s0;
	s24 =	simm.s32 $0x6  }
0x13: {  	v0 =	vimm.f32 $0.0e+00;
	s0 =	simm.s32 $0x4DD0;
	[dreg:$0x5] =	wrdreg s25;
	s25 =	simm.s32 $0x7620  }
.LBB2_1:
0x14: {  	s6 =	simm.s32 $0x100;
	s1 =	simm.s32 $0x0  }
.LBB2_2:
0x15: {  	p1 =	sne.s32 s6, $0x7C00;
	[tilespmem:s1+$0x8A50] =	vst v0;
	s7 =	smov.u32 s6;
	s6 =	sadd.s32 $0x100, s6  }
.Ltmp0:
0x16: {  	[tilespmem:s1+$0x8A40] =	vst v0;
	(pc) =	sbr.rel @p1 .LBB2_2-.Ltmp0, $3  }
0x17: {  	[tilespmem:s1+$0x8A20] =	vst v0  }
0x18: {  	[tilespmem:s1+$0x8A30] =	vst v0;
	_ =	sdelay $0x1  }
0x19: {  	s1 =	sshra.s32 s7, $0x2  }
0x1a: {  	[tilespmem:s1+$0x8A50] =	vst v0  }
0x1b: {  	[tilespmem:s1+$0x8A40] =	vst v0  }
0x1c: {  	[tilespmem:s1+$0x8A20] =	vst v0  }
0x1d: {  	[tilespmem:s1+$0x8A30] =	vst v0;
	s7 =	simm.s32 $0x0;
	s6 =	rddreg [dreg:$0x3]  }
0x1e: {  	[tilespmem:s7], [sflag:$0x7] =	stream.linear.gather [hbm4b:s6+s7], $0x2710, $0x38;
	[tilespmem:$0x145A0] =	vst v63  }
0x1f: {  	_ =	swait.ge [sflag:s17], $0x2710  }
0x20: {  	[sflag:s17] =	ssyncset.done $0x0  }
0x21: {  	s13 =	rddreg [dreg:$0x4];
	[sflag:s17] =	ssyncadd.s32 $0xFFFFD8F0  }
0x22: {  	[tilespmem:s18], [sflag:$0x7] =	stream.linear.gather [hbm4b:s13+s7], $0x2710, $0x38;
	[tilespmem:$0x145A0] =	vst v63  }
0x23: {  	_ =	swait.ge [sflag:s17], $0x2710  }
0x24: {  	[sflag:s17] =	ssyncset.done $0x0  }
0x25: {  	[sflag:s17] =	ssyncadd.s32 $0xFFFFD8F0  }
0x26: {  	[spmem:s8] =	stream.linear.scatter [tilespmem:s19], [sflag:$0x7], $0x1F40, $0x38;
	[tilespmem:$0x145A0] =	vst v63  }
0x27: {  	_ =	swait.ge [sflag:s17], $0x1F40  }
0x28: {  	[sflag:s17] =	ssyncset.done $0x0  }
0x29: {  	[sflag:s17] =	ssyncadd.s32 $0xFFFFE0C0  }
0x2a: {  	[spmem:s9] =	stream.linear.scatter [tilespmem:s19], [sflag:$0x7], $0x1F40, $0x38;
	[tilespmem:$0x145A0] =	vst v63  }
0x2b: {  	_ =	swait.ge [sflag:s17], $0x1F40  }
0x2c: {  	[sflag:s17] =	ssyncset.done $0x0  }
0x2d: {  	[sflag:s17] =	ssyncadd.s32 $0xFFFFE0C0  }
0x2e: {  	[spmem:s10] =	stream.linear.scatter [tilespmem:s19], [sflag:$0x7], $0x1F40, $0x38;
	[tilespmem:$0x145A0] =	vst v63  }
0x2f: {  	_ =	swait.ge [sflag:s17], $0x1F40  }
0x30: {  	[sflag:s17] =	ssyncset.done $0x0  }
0x31: {  	[sflag:s17] =	ssyncadd.s32 $0xFFFFE0C0  }
0x32: {  	[spmem:s11] =	stream.linear.scatter [tilespmem:s19], [sflag:$0x7], $0x1F40, $0x38;
	[tilespmem:$0x145A0] =	vst v63  }
0x33: {  	_ =	swait.ge [sflag:s17], $0x1F40  }
0x34: {  	[sflag:s17] =	ssyncset.done $0x0  }
0x35: {  	[sflag:s17] =	ssyncadd.s32 $0xFFFFE0C0  }
0x36: {  	[spmem:s12] =	stream.linear.scatter [tilespmem:s19], [sflag:$0x7], $0x1F40, $0x38;
	[tilespmem:$0x145A0] =	vst v63  }
0x37: {  	_ =	swait.ge [sflag:s17], $0x1F40  }
0x38: {  	[sflag:s17] =	ssyncset.done $0x0  }
0x39: {  	[sflag:s17] =	ssyncadd.s32 $0xFFFFE0C0  }
0x3a: {  	[bflag:$0x0] =	sbarrier.arrive $0xFFFF  }
0x3b: {  	[tilespmem:s21], [sflag:$0x1] =	stream.indirect.gather [hbm4b:s4+s20], $0x40, s7, s20, $0xb8;
	[tilespmem:$0x145A0] =	vst v63  }
0x3c: {  	_ = 	snop  }
0x3d: {  	[tilespmem:s22], [sflag:$0x2] =	stream.indirect.gather [hbm4b:s4+s20], $0x40, s20, s20, $0xb8;
	[tilespmem:$0x145A0] =	vst v63  }
0x3e: {  	_ = 	snop  }
0x3f: {  	[spmem:s2] =	stream.indirect.scatter.add.f32 [tilespmem:s19], [sflag:$0x6], $0x40, s18, s20, $0xb8;
	[tilespmem:$0x145A0] =	vst v63  }
0x40: {  	_ =	swait.ge [sflag:s23], $0x1400  }
0x41: {  	[sflag:s23] =	ssyncset.done $0x0  }
0x42: {  	s14 =	simm.s32 $0x2710;
	[sflag:s23] =	ssyncadd.s32 $0xFFFFEC00  }
0x43: {  	[spmem:s2] =	stream.indirect.scatter.add.f32 [tilespmem:s21], [sflag:$0x4], $0x40, s14, s20, $0xb8;
	[tilespmem:$0x145A0] =	vst v63  }
0x44: {  	_ =	swait.ge [sflag:s24], $0x1400  }
0x45: {  	[sflag:s24] =	ssyncset.done $0x0  }
0x46: {  	s6 =	simm.s32 $0xA0;
	[sflag:s24] =	ssyncadd.s32 $0xFFFFEC00  }
0x47: {  	[tilespmem:s25], [sflag:$0x3] =	stream.indirect.gather [hbm4b:s4+s20], $0x40, s6, s20, $0xb8;
	[tilespmem:$0x145A0] =	vst v63  }
0x48: {  	_ =	swait.ge [sflag:s26], $0x1400  }
0x49: {  	[sflag:s26] =	ssyncset.done $0x0  }
0x4a: {  	s7 =	simm.s32 $0x2760;
	[sflag:s26] =	ssyncadd.s32 $0xFFFFEC00  }
0x4b: {  	[spmem:s2] =	stream.indirect.scatter.add.f32 [tilespmem:s22], [sflag:$0x5], $0x40, s7, s20, $0xb8;
	[tilespmem:$0x145A0] =	vst v63  }
0x4c: {  	_ =	swait.ge [sflag:s28], $0x1400  }
0x4d: {  	[sflag:s28] =	ssyncset.done $0x0  }
0x4e: {  	s13 =	simm.s32 $0xF0;
	[sflag:s28] =	ssyncadd.s32 $0xFFFFEC00  }
0x4f: {  	[tilespmem:s21], [sflag:$0x1] =	stream.indirect.gather [hbm4b:s4+s20], $0x40, s13, s20, $0xb8;
	[tilespmem:$0x145A0] =	vst v63  }
0x50: {  	_ =	swait.ge [sflag:s29], $0x1400  }
0x51: {  	[sflag:s29] =	ssyncset.done $0x0  }
0x52: {  	s14 =	simm.s32 $0x27B0;
	[sflag:s29] =	ssyncadd.s32 $0xFFFFEC00  }
0x53: {  	[spmem:s2] =	stream.indirect.scatter.add.f32 [tilespmem:s25], [sflag:$0x6], $0x40, s14, s20, $0xb8;
	[tilespmem:$0x145A0] =	vst v63  }
0x54: {  	_ =	swait.ge [sflag:s30], $0x1400  }
0x55: {  	[sflag:s30] =	ssyncset.done $0x0  }
0x56: {  	s1 =	simm.s32 $0x3C0;
	s6 =	simm.s32 $0x140;
	[sflag:s30] =	ssyncadd.s32 $0xFFFFEC00  }
.LBB2_4:
0x57: {  	[tilespmem:s22], [sflag:$0x2] =	stream.indirect.gather [hbm4b:s4+s20], $0x40, s6, s20, $0xb8;
	[tilespmem:$0x145A0] =	vst v63  }
0x58: {  	s6 =	smov.u32 s1  }
0x59: {  	p1 =	sne.s32 s1, $0x9600;
	s1 =	sadd.s32 $0x3C0, s1;
	_ =	swait.ge [sflag:s23], $0x1400  }
0x5a: {  	s6 =	sshra.s32 s6, $0x2;
	[sflag:s23] =	ssyncset.done $0x0  }
0x5b: {  	s7 =	sadd.s32 $0x2710, s6;
	[sflag:s23] =	ssyncadd.s32 $0xFFFFEC00  }
0x5c: {  	[spmem:s2] =	stream.indirect.scatter.add.f32 [tilespmem:s21], [sflag:$0x4], $0x40, s7, s20, $0xb8;
	[tilespmem:$0x145A0] =	vst v63  }
0x5d: {  	_ =	swait.ge [sflag:s24], $0x1400  }
0x5e: {  	[sflag:s24] =	ssyncset.done $0x0  }
0x5f: {  	s7 =	sadd.s32 $0xA0, s6;
	[sflag:s24] =	ssyncadd.s32 $0xFFFFEC00  }
0x60: {  	[tilespmem:s25], [sflag:$0x3] =	stream.indirect.gather [hbm4b:s4+s20], $0x40, s7, s20, $0xb8;
	[tilespmem:$0x145A0] =	vst v63  }
0x61: {  	_ =	swait.ge [sflag:s26], $0x1400  }
0x62: {  	[sflag:s26] =	ssyncset.done $0x0  }
0x63: {  	s7 =	sadd.s32 $0x2760, s6;
	[sflag:s26] =	ssyncadd.s32 $0xFFFFEC00  }
0x64: {  	[spmem:s2] =	stream.indirect.scatter.add.f32 [tilespmem:s22], [sflag:$0x5], $0x40, s7, s20, $0xb8;
	[tilespmem:$0x145A0] =	vst v63  }
0x65: {  	_ =	swait.ge [sflag:s28], $0x1400  }
0x66: {  	[sflag:s28] =	ssyncset.done $0x0  }
0x67: {  	s7 =	sadd.s32 $0xF0, s6;
	[sflag:s28] =	ssyncadd.s32 $0xFFFFEC00  }
0x68: {  	[tilespmem:s21], [sflag:$0x1] =	stream.indirect.gather [hbm4b:s4+s20], $0x40, s7, s20, $0xb8;
	[tilespmem:$0x145A0] =	vst v63  }
0x69: {  	_ =	swait.ge [sflag:s29], $0x1400  }
0x6a: {  	[sflag:s29] =	ssyncset.done $0x0  }
.Ltmp1:
0x6b: {  	s7 =	sadd.s32 $0x27B0, s6;
	[sflag:s29] =	ssyncadd.s32 $0xFFFFEC00;
	(pc) =	sbr.rel @p1 .LBB2_4-.Ltmp1, $4  }
0x6c: {  	[spmem:s2] =	stream.indirect.scatter.add.f32 [tilespmem:s25], [sflag:$0x6], $0x40, s7, s20, $0xb8;
	[tilespmem:$0x145A0] =	vst v63  }
0x6d: {  	_ =	swait.ge [sflag:s30], $0x1400  }
0x6e: {  	[sflag:s30] =	ssyncset.done $0x0  }
0x6f: {  	s6 =	sadd.s32 $0x140, s6;
	[sflag:s30] =	ssyncadd.s32 $0xFFFFEC00  }
0x70: {  	[tilespmem:s22], [sflag:$0x2] =	stream.indirect.gather [hbm4b:s4+s20], $0x40, s6, s20, $0xb8;
	[tilespmem:$0x145A0] =	vst v63  }
0x71: {  	_ =	swait.ge [sflag:s23], $0x1400  }
0x72: {  	[sflag:s23] =	ssyncset.done $0x0  }
0x73: {  	[sflag:s23] =	ssyncadd.s32 $0xFFFFEC00  }
0x74: {  	[spmem:s2] =	stream.indirect.scatter.add.f32 [tilespmem:s21], [sflag:$0x4], $0x40, s31, s20, $0xb8;
	[tilespmem:$0x145A0] =	vst v63  }
0x75: {  	_ =	swait.ge [sflag:s24], $0x1400  }
0x76: {  	[sflag:s24] =	ssyncset.done $0x0  }
0x77: {  	[sflag:s24] =	ssyncadd.s32 $0xFFFFEC00  }
0x78: {  	_ =	swait.ge [sflag:s26], $0x1400  }
0x79: {  	[sflag:s26] =	ssyncset.done $0x0  }
0x7a: {  	[sflag:s26] =	ssyncadd.s32 $0xFFFFEC00  }
0x7b: {  	[spmem:s2] =	stream.indirect.scatter.add.f32 [tilespmem:s22], [sflag:$0x5], $0x40, s0, s20, $0xb8;
	[tilespmem:$0x145A0] =	vst v63  }
0x7c: {  	_ =	swait.ge [sflag:s28], $0x1400  }
0x7d: {  	[sflag:s28] =	ssyncset.done $0x0  }
0x7e: {  	[sflag:s28] =	ssyncadd.s32 $0xFFFFEC00  }
0x7f: {  	_ =	swait.ge [sflag:s30], $0x1400  }
0x80: {  	[sflag:s30] =	ssyncset.done $0x0  }
0x81: {  	[sflag:s30] =	ssyncadd.s32 $0xFFFFEC00  }
0x82: {  	s1 =	stileid.u32;
	[bflag:$0x0] =	sbarrier.arrive $0xFFFF  }
0x83: {  	s1 =	sshll.u32 @!p0 s1, $0x6;
	s6 =	rddreg [dreg:$0x6]  }
0x84: {  	s1 =	sor.u32 @!p0 $0x1C07, s1;
	s7 =	rddreg [dreg:$0x5];
	s6 =	sshrl.u32 @!p0 s6, $0x3  }
0x85: {  	[hbm:s7], [sflag:s1] =	dma.local @!p0 [spmem:s6], $0x1F40  }
0x86: {  	s7 =	simm.s32 @!p0 $0x7  }
0x87: {  	_ =	swait.ge @!p0 [sflag:s7], $0x1F40  }
0x88: {  	[sflag:s7] =	ssyncset.done @!p0 $0x0  }
0x89: {  	[sflag:s7] =	ssyncadd.s32 @!p0 $0xFFFFE0C0  }
0x8a: {  	[bflag:$0x0] =	sbarrier.arrive $0xFFFF  }
0x8b: {  	[spmem:s8] =	stream.linear.scatter [tilespmem:s19], [sflag:$0x7], $0x1F40, $0x38;
	[tilespmem:$0x145A0] =	vst v63  }
0x8c: {  	_ =	swait.ge [sflag:s17], $0x1F40  }
0x8d: {  	[sflag:s17] =	ssyncset.done $0x0  }
0x8e: {  	[sflag:s17] =	ssyncadd.s32 $0xFFFFE0C0  }
0x8f: {  	[spmem:s9] =	stream.linear.scatter [tilespmem:s19], [sflag:$0x7], $0x1F40, $0x38;
	[tilespmem:$0x145A0] =	vst v63  }
0x90: {  	_ =	swait.ge [sflag:s17], $0x1F40  }
0x91: {  	[sflag:s17] =	ssyncset.done $0x0  }
0x92: {  	[sflag:s17] =	ssyncadd.s32 $0xFFFFE0C0  }
0x93: {  	[spmem:s10] =	stream.linear.scatter [tilespmem:s19], [sflag:$0x7], $0x1F40, $0x38;
	[tilespmem:$0x145A0] =	vst v63  }
0x94: {  	_ =	swait.ge [sflag:s17], $0x1F40  }
0x95: {  	[sflag:s17] =	ssyncset.done $0x0  }
0x96: {  	[sflag:s17] =	ssyncadd.s32 $0xFFFFE0C0  }
0x97: {  	[spmem:s11] =	stream.linear.scatter [tilespmem:s19], [sflag:$0x7], $0x1F40, $0x38;
	[tilespmem:$0x145A0] =	vst v63  }
0x98: {  	_ =	swait.ge [sflag:s17], $0x1F40  }
0x99: {  	[sflag:s17] =	ssyncset.done $0x0  }
0x9a: {  	[sflag:s17] =	ssyncadd.s32 $0xFFFFE0C0  }
0x9b: {  	[spmem:s12] =	stream.linear.scatter [tilespmem:s19], [sflag:$0x7], $0x1F40, $0x38;
	[tilespmem:$0x145A0] =	vst v63  }
0x9c: {  	_ =	swait.ge [sflag:s17], $0x1F40  }
0x9d: {  	[sflag:s17] =	ssyncset.done $0x0  }
0x9e: {  	[sflag:s17] =	ssyncadd.s32 $0xFFFFE0C0  }
0x9f: {  	s13 =	simm.s32 $0x0;
	[bflag:$0x0] =	sbarrier.arrive $0xFFFF  }
0xa0: {  	[tilespmem:s21], [sflag:$0x1] =	stream.indirect.gather [hbm4b:s5+s20], $0x40, s13, s20, $0xb8;
	[tilespmem:$0x145A0] =	vst v63  }
0xa1: {  	_ = 	snop  }
0xa2: {  	[tilespmem:s22], [sflag:$0x2] =	stream.indirect.gather [hbm4b:s5+s20], $0x40, s20, s20, $0xb8;
	[tilespmem:$0x145A0] =	vst v63  }
0xa3: {  	_ = 	snop  }
0xa4: {  	[spmem:s2] =	stream.indirect.scatter.add.f32 [tilespmem:s19], [sflag:$0x6], $0x40, s18, s20, $0xb8;
	[tilespmem:$0x145A0] =	vst v63  }
0xa5: {  	_ =	swait.ge [sflag:s23], $0x1400  }
0xa6: {  	[sflag:s23] =	ssyncset.done $0x0  }
0xa7: {  	s14 =	simm.s32 $0x2710;
	[sflag:s23] =	ssyncadd.s32 $0xFFFFEC00  }
0xa8: {  	[spmem:s2] =	stream.indirect.scatter.add.f32 [tilespmem:s21], [sflag:$0x4], $0x40, s14, s20, $0xb8;
	[tilespmem:$0x145A0] =	vst v63  }
0xa9: {  	_ =	swait.ge [sflag:s24], $0x1400  }
0xaa: {  	[sflag:s24] =	ssyncset.done $0x0  }
0xab: {  	s13 =	simm.s32 $0xA0;
	[sflag:s24] =	ssyncadd.s32 $0xFFFFEC00  }
0xac: {  	[tilespmem:s25], [sflag:$0x3] =	stream.indirect.gather [hbm4b:s5+s20], $0x40, s13, s20, $0xb8;
	[tilespmem:$0x145A0] =	vst v63  }
0xad: {  	_ =	swait.ge [sflag:s26], $0x1400  }
0xae: {  	[sflag:s26] =	ssyncset.done $0x0  }
0xaf: {  	s14 =	simm.s32 $0x2760;
	[sflag:s26] =	ssyncadd.s32 $0xFFFFEC00  }
0xb0: {  	[spmem:s2] =	stream.indirect.scatter.add.f32 [tilespmem:s22], [sflag:$0x5], $0x40, s14, s20, $0xb8;
	[tilespmem:$0x145A0] =	vst v63  }
0xb1: {  	_ =	swait.ge [sflag:s28], $0x1400  }
0xb2: {  	[sflag:s28] =	ssyncset.done $0x0  }
0xb3: {  	s13 =	simm.s32 $0xF0;
	[sflag:s28] =	ssyncadd.s32 $0xFFFFEC00  }
0xb4: {  	[tilespmem:s21], [sflag:$0x1] =	stream.indirect.gather [hbm4b:s5+s20], $0x40, s13, s20, $0xb8;
	[tilespmem:$0x145A0] =	vst v63  }
0xb5: {  	_ =	swait.ge [sflag:s29], $0x1400  }
0xb6: {  	[sflag:s29] =	ssyncset.done $0x0  }
0xb7: {  	s14 =	simm.s32 $0x27B0;
	[sflag:s29] =	ssyncadd.s32 $0xFFFFEC00  }
0xb8: {  	[spmem:s2] =	stream.indirect.scatter.add.f32 [tilespmem:s25], [sflag:$0x6], $0x40, s14, s20, $0xb8;
	[tilespmem:$0x145A0] =	vst v63  }
0xb9: {  	_ =	swait.ge [sflag:s30], $0x1400  }
0xba: {  	[sflag:s30] =	ssyncset.done $0x0  }
0xbb: {  	s7 =	simm.s32 $0x3C0;
	s13 =	simm.s32 $0x140;
	[sflag:s30] =	ssyncadd.s32 $0xFFFFEC00  }
.LBB2_6:
0xbc: {  	[tilespmem:s22], [sflag:$0x2] =	stream.indirect.gather [hbm4b:s5+s20], $0x40, s13, s20, $0xb8;
	[tilespmem:$0x145A0] =	vst v63  }
0xbd: {  	s13 =	smov.u32 s7  }
0xbe: {  	p1 =	sne.s32 s7, $0x9600;
	s7 =	sadd.s32 $0x3C0, s7;
	_ =	swait.ge [sflag:s23], $0x1400  }
0xbf: {  	s13 =	sshra.s32 s13, $0x2;
	[sflag:s23] =	ssyncset.done $0x0  }
0xc0: {  	s14 =	sadd.s32 $0x2710, s13;
	[sflag:s23] =	ssyncadd.s32 $0xFFFFEC00  }
0xc1: {  	[spmem:s2] =	stream.indirect.scatter.add.f32 [tilespmem:s21], [sflag:$0x4], $0x40, s14, s20, $0xb8;
	[tilespmem:$0x145A0] =	vst v63  }
0xc2: {  	_ =	swait.ge [sflag:s24], $0x1400  }
0xc3: {  	[sflag:s24] =	ssyncset.done $0x0  }
0xc4: {  	s14 =	sadd.s32 $0xA0, s13;
	[sflag:s24] =	ssyncadd.s32 $0xFFFFEC00  }
0xc5: {  	[tilespmem:s25], [sflag:$0x3] =	stream.indirect.gather [hbm4b:s5+s20], $0x40, s14, s20, $0xb8;
	[tilespmem:$0x145A0] =	vst v63  }
0xc6: {  	_ =	swait.ge [sflag:s26], $0x1400  }
0xc7: {  	[sflag:s26] =	ssyncset.done $0x0  }
0xc8: {  	s14 =	sadd.s32 $0x2760, s13;
	[sflag:s26] =	ssyncadd.s32 $0xFFFFEC00  }
0xc9: {  	[spmem:s2] =	stream.indirect.scatter.add.f32 [tilespmem:s22], [sflag:$0x5], $0x40, s14, s20, $0xb8;
	[tilespmem:$0x145A0] =	vst v63  }
0xca: {  	_ =	swait.ge [sflag:s28], $0x1400  }
0xcb: {  	[sflag:s28] =	ssyncset.done $0x0  }
0xcc: {  	s14 =	sadd.s32 $0xF0, s13;
	[sflag:s28] =	ssyncadd.s32 $0xFFFFEC00  }
0xcd: {  	[tilespmem:s21], [sflag:$0x1] =	stream.indirect.gather [hbm4b:s5+s20], $0x40, s14, s20, $0xb8;
	[tilespmem:$0x145A0] =	vst v63  }
0xce: {  	_ =	swait.ge [sflag:s29], $0x1400  }
0xcf: {  	[sflag:s29] =	ssyncset.done $0x0  }
.Ltmp2:
0xd0: {  	s14 =	sadd.s32 $0x27B0, s13;
	[sflag:s29] =	ssyncadd.s32 $0xFFFFEC00;
	(pc) =	sbr.rel @p1 .LBB2_6-.Ltmp2, $4  }
0xd1: {  	[spmem:s2] =	stream.indirect.scatter.add.f32 [tilespmem:s25], [sflag:$0x6], $0x40, s14, s20, $0xb8;
	[tilespmem:$0x145A0] =	vst v63  }
0xd2: {  	_ =	swait.ge [sflag:s30], $0x1400  }
0xd3: {  	[sflag:s30] =	ssyncset.done $0x0  }
0xd4: {  	s13 =	sadd.s32 $0x140, s13;
	[sflag:s30] =	ssyncadd.s32 $0xFFFFEC00  }
0xd5: {  	[tilespmem:s22], [sflag:$0x2] =	stream.indirect.gather [hbm4b:s5+s20], $0x40, s13, s20, $0xb8;
	[tilespmem:$0x145A0] =	vst v63  }
0xd6: {  	_ =	swait.ge [sflag:s23], $0x1400  }
0xd7: {  	[sflag:s23] =	ssyncset.done $0x0  }
0xd8: {  	[sflag:s23] =	ssyncadd.s32 $0xFFFFEC00  }
0xd9: {  	[spmem:s2] =	stream.indirect.scatter.add.f32 [tilespmem:s21], [sflag:$0x4], $0x40, s31, s20, $0xb8;
	[tilespmem:$0x145A0] =	vst v63  }
0xda: {  	_ =	swait.ge [sflag:s24], $0x1400  }
0xdb: {  	[sflag:s24] =	ssyncset.done $0x0  }
0xdc: {  	[sflag:s24] =	ssyncadd.s32 $0xFFFFEC00  }
0xdd: {  	_ =	swait.ge [sflag:s26], $0x1400  }
0xde: {  	[sflag:s26] =	ssyncset.done $0x0  }
0xdf: {  	[sflag:s26] =	ssyncadd.s32 $0xFFFFEC00  }
0xe0: {  	[spmem:s2] =	stream.indirect.scatter.add.f32 [tilespmem:s22], [sflag:$0x5], $0x40, s0, s20, $0xb8;
	[tilespmem:$0x145A0] =	vst v63  }
0xe1: {  	_ =	swait.ge [sflag:s28], $0x1400  }
0xe2: {  	[sflag:s28] =	ssyncset.done $0x0  }
0xe3: {  	[sflag:s28] =	ssyncadd.s32 $0xFFFFEC00  }
0xe4: {  	_ =	swait.ge [sflag:s30], $0x1400  }
0xe5: {  	[sflag:s30] =	ssyncset.done $0x0  }
0xe6: {  	[sflag:s30] =	ssyncadd.s32 $0xFFFFEC00  }
0xe7: {  	s3 =	sadd.s32 $0x1, s3;
	[bflag:$0x0] =	sbarrier.arrive $0xFFFF  }
0xe8: {  	[hbm:s15], [sflag:s1] =	dma.local @!p0 [spmem:s6], $0x1F40  }
0xe9: {  	p1 =	sne.s32 s3, s16;
	s1 =	simm.s32 @!p0 $0x7  }
.Ltmp3:
0xea: {  	_ =	swait.ge @!p0 [sflag:s1], $0x1F40;
	(pc) =	sbr.rel @p1 .LBB2_1-.Ltmp3, $3  }
0xeb: {  	[sflag:s1] =	ssyncset.done @!p0 $0x0  }
0xec: {  	[sflag:s1] =	ssyncadd.s32 @!p0 $0xFFFFE0C0  }
0xed: {  	[bflag:$0x0] =	sbarrier.arrive $0xFFFF;
	_ =	sdelay $0x1  }
0xee: {  	_ =	sfence.sel $0x180000  }
0xef: {  	[bflag:$0x0] =	sbarrier.arrive $0xFFFF  }
0xf0: {  	_ =	strace $0x9000004A  }
0xf1: {  	s0 =	stileid.u32;
	[bflag:$0x2] =	sbarrier.arrive $0xFFFF  }
0xf2: {  	p0 =	sne.s32 s0, $0x0;
	s0 =	rddreg [dreg:$0x2]  }
0xf3: {  	s0 =	sadd.s32 @!p0 $0x100000, s0  }
0xf4: {  	[sflag:s0] =	ssyncadd.tile.s32 @!p0 $0x1;
	_ =	shalt  }
.Lfunc_end2:
_tile_overlayer_lowered:
.L_overlay_start_2:
0xf5: {  	(tag) =	ssettag $0x2  }
0xf6: {  	s0 =	rddreg [dreg:$0x0];
	s2 =	stileid.u32  }
0xf7: {  	s1 =	rddreg [dreg:$0x1];
	p0 =	sne.s32 s2, $0x0  }
0xf8: {  	s3 =	rddreg [dreg:$0x2];
	[bflag:$0x3] =	sbarrier.arrive $0xFFFF;
	s2 =	simm.s32 @!p0 $0x1C07  }
0xf9: {  	[timem:s3], [sflag:s2] =	dma.local @!p0 [hbm:s0], s1  }
0xfa: {  	s0 =	simm.s32 @!p0 $0x7  }
0xfb: {  	_ =	swait.ge @!p0 [sflag:s0], s1  }
0xfc: {  	s1 =	ssub.s32 @!p0 $0x0, s1;
	[sflag:s0] =	ssyncset.done @!p0 $0x0  }
0xfd: {  	[sflag:s0] =	ssyncadd.s32 @!p0 s1  }
0xfe: {  	[bflag:$0x3] =	sbarrier.arrive $0xFFFF  }
0xff: {  	_ =	shalt  }

// kernel: kernel.14.cloned.1.call-start
scs
__scs_entry_jumppad:
0x0: {  	(pc) =	sbr.rel $0x88, $3  }
0x1: {  	(tag) =	ssettag $0x0;
	lr =	simm.s32 $0x1  }
0x2: {  	[smem:$0x3F99] =	sst lr;
	_ =	strace $0xD0000000  }
0x3: {  	_ = 	snop  }
0x4: {  	_ = 	snop  }
0x5: {  	_ = 	snop  }
0x6: {  	_ = 	snop  }
0x7: {  	_ = 	snop  }
__scs_overlays_trampoline_lowered:
0x8: {  	[smem:$0x3FA8] =	sst s0  }
0x9: {  	[smem:$0x3FA9] =	sst s1  }
0xa: {  	[smem:$0x3FAA] =	sst s2  }
0xb: {  	[smem:$0x3FAB] =	sst s3  }
0xc: {  	[smem:$0x3FAC] =	sst s4  }
0xd: {  	[smem:$0x3FAD] =	sst s5  }
0xe: {  	[smem:$0x3FAE] =	sst s6  }
0xf: {  	[smem:$0x3FAF] =	sst s7  }
0x10: {  	[smem:$0x3FB0] =	sst s8  }
0x11: {  	[smem:$0x3FB1] =	sst s9;
	s0 =	simm.s32 @!p0 $0x0  }
0x12: {  	s1 =	sld [smem:$0x3F97];
	s0 =	simm.s32 @p0 $0x1  }
0x13: {  	[smem:$0x3FB2] =	sst s0;
	s0 =	simm.s32 @!p1 $0x0  }
0x14: {  	s2 =	sld [smem:$0x3F96];
	s0 =	simm.s32 @p1 $0x1  }
0x15: {  	[smem:$0x3FB3] =	sst s0;
	s0 =	simm.s32 @!p2 $0x0  }
0x16: {  	s3 =	sld [smem:$0x3FDB];
	s0 =	simm.s32 @p2 $0x1  }
0x17: {  	s4 =	simm.s32 $0x1BF5;
	[smem:$0x3FB5] =	sst s0  }
0x18: {  	s0 =	sld [smem:$0x3F98];
	_ =	swait.ge [sflag:s4], $0x0  }
0x19: {  	s7 =	sld [smem:$0x3F99]  }
0x1a: {  	s8 =	sadd.s32 $0xFFFFE003, lr  }
0x1b: {  	s9 =	sadd.s32 $0xFFFFFEF7, lr;
	s5 =	simm.s32 $0xFFFFFFFF;
	p2 =	slt.u32 s8, $0xFFFFF086  }
0x1c: {  	p1 =	slt.u32 s9, $0xF7A;
	s5 =	simm.s32 @!p2 $0x0  }
0x1d: {  	s5 =	simm.s32 @p1 $0x1;
	p0 =	seq.s32 s7, s2  }
0x1e: {  	s7 =	smul.u32 @!p0 $0xF7A, s2;
	p2 =	seq.s32 @!p0 s5, $0x0  }
0x1f: {  	s9 =	smul.u32 $0xF7A, s1;
	s8 =	simm.s32 @!p0 $0x1BF5;
	p2 =	por !p2, p0  }
0x20: {  	[sflag:s8] =	ssyncset.s32 @!p0 $0xFFFFF086;
	s6 =	sadd.s32 @!p0 s3, s7;
	s7 =	simm.s32 @!p0 $0x108  }
0x21: {  	s3 =	sadd.s32 s3, s9;
	s6 =	sadd.s32 @!p0 $0x88, s6;
	s7 =	simm.s32 @p2 $0x1082  }
0x22: {  	[simem:s7], [sflag:s8] =	dma.local @!p0 [hbm:s6], $0xF7A  }
0x23: {  	s9 =	sor.u32 $0xD0000000, s2;
	s6 =	simm.s32 $0x108;
	_ =	swait.ge @!p0 [sflag:s8], $0x0  }
0x24: {  	s3 =	sadd.s32 $0x88, s3;
	s6 =	simm.s32 @!p1 $0x1082;
	[sflag:s4] =	ssyncset.s32 $0xFFFFF086  }
0x25: {  	[simem:s6], [sflag:s4] =	dma.local [hbm:s3], $0xF7A  }
0x26: {  	[smem:$0x3F99] =	sst s1;
	(tag) =	ssettag s2;
	_ =	strace s9  }
0x27: {  	s1 =	sld [smem:$0x3FA9]  }
0x28: {  	s2 =	sld [smem:$0x3FAA]  }
0x29: {  	s4 =	sld [smem:$0x3FAC]  }
0x2a: {  	p0 =	seq.s32 s5, $0x0;
	s5 =	sld [smem:$0x3FAD]  }
0x2b: {  	s6 =	sld [smem:$0x3FAE]  }
0x2c: {  	s7 =	sld [smem:$0x3FAF]  }
0x2d: {  	s3 =	simm.s32 $0x108;
	s8 =	sld [smem:$0x3FB0]  }
0x2e: {  	s3 =	simm.s32 @!p0 $0x1082;
	s9 =	sld [smem:$0x3FB1]  }
0x2f: {  	lr =	sadd.s32 s0, s3;
	s0 =	sld [smem:$0x3FA8]  }
0x30: {  	s3 =	sld [smem:$0x3FAB]  }
0x31: {  	[smem:$0x3FB4] =	sst s10  }
0x32: {  	s10 =	sld [smem:$0x3FB2];
	_ =	sdelay $0x3  }
0x33: {  	p0 =	seq.s32 s10, $0x1;
	s10 =	sld [smem:$0x3FB4];
	_ =	sdelay $0x3  }
0x34: {  	[smem:$0x3FB4] =	sst s10  }
0x35: {  	s10 =	sld [smem:$0x3FB3];
	_ =	sdelay $0x3  }
0x36: {  	p1 =	seq.s32 s10, $0x1;
	s10 =	sld [smem:$0x3FB4];
	_ =	sdelay $0x3  }
0x37: {  	[smem:$0x3FB4] =	sst s10  }
0x38: {  	s10 =	sld [smem:$0x3FB5]  }
0x39: {  	_ = 	snop;
	(pc) =	sbr.ind lr, $3  }
0x3a: {  	_ = 	snop  }
0x3b: {  	_ = 	snop  }
0x3c: {  	p2 =	seq.s32 s10, $0x1;
	s10 =	sld [smem:$0x3FB4]  }
0x3d: {  	_ =	shalt  }
0x3e: {  	_ =	shalt  }
0x3f: {  	_ =	shalt  }
0x40: {  	_ =	shalt  }
0x41: {  	_ =	shalt  }
0x42: {  	_ =	shalt  }
0x43: {  	_ =	shalt  }
0x44: {  	_ =	shalt  }
0x45: {  	_ =	shalt  }
0x46: {  	_ =	shalt  }
0x47: {  	_ =	shalt  }
0x48: {  	_ =	shalt  }
0x49: {  	_ =	shalt  }
0x4a: {  	_ =	shalt  }
0x4b: {  	_ =	shalt  }
0x4c: {  	_ =	shalt  }
0x4d: {  	_ =	shalt  }
0x4e: {  	_ =	shalt  }
0x4f: {  	_ =	shalt  }
0x50: {  	_ =	shalt  }
0x51: {  	_ =	shalt  }
0x52: {  	_ =	shalt  }
0x53: {  	_ =	shalt  }
0x54: {  	_ =	shalt  }
0x55: {  	_ =	shalt  }
0x56: {  	_ =	shalt  }
0x57: {  	_ =	shalt  }
0x58: {  	_ =	shalt  }
0x59: {  	_ =	shalt  }
0x5a: {  	_ =	shalt  }
0x5b: {  	_ =	shalt  }
0x5c: {  	_ =	shalt  }
0x5d: {  	_ =	shalt  }
0x5e: {  	_ =	shalt  }
0x5f: {  	_ =	shalt  }
0x60: {  	_ =	shalt  }
0x61: {  	_ =	shalt  }
0x62: {  	_ =	shalt  }
0x63: {  	_ =	shalt  }
0x64: {  	_ =	shalt  }
0x65: {  	_ =	shalt  }
0x66: {  	_ =	shalt  }
0x67: {  	_ =	shalt  }
0x68: {  	_ =	shalt  }
0x69: {  	_ =	shalt  }
0x6a: {  	_ =	shalt  }
0x6b: {  	_ =	shalt  }
0x6c: {  	_ =	shalt  }
0x6d: {  	_ =	shalt  }
0x6e: {  	_ =	shalt  }
0x6f: {  	_ =	shalt  }
0x70: {  	_ =	shalt  }
0x71: {  	_ =	shalt  }
0x72: {  	_ =	shalt  }
0x73: {  	_ =	shalt  }
0x74: {  	_ =	shalt  }
0x75: {  	_ =	shalt  }
0x76: {  	_ =	shalt  }
0x77: {  	_ =	shalt  }
0x78: {  	_ =	shalt  }
0x79: {  	_ =	shalt  }
0x7a: {  	_ =	shalt  }
0x7b: {  	_ =	shalt  }
0x7c: {  	_ =	shalt  }
0x7d: {  	_ =	shalt  }
0x7e: {  	_ =	shalt  }
0x7f: {  	_ =	shalt  }
0x80: {  	_ =	shalt  }
0x81: {  	_ =	shalt  }
0x82: {  	_ =	shalt  }
0x83: {  	_ =	shalt  }
0x84: {  	_ =	shalt  }
0x85: {  	_ =	shalt  }
0x86: {  	_ =	shalt  }
0x87: {  	_ =	shalt  }
.Lfunc_end0:
.L_simem_size_0:
called_computation.2_lowered:
.L_overlay_start_0:
0x88: {  	s2 =	sld [smem:$0x3FD9]  }
0x89: {  	s3 =	sld [smem:$0x3FFE];
	_ =	sdelay $0x1  }
0x8a: {  	s1 =	srdreg.scid  }
0x8b: {  	s0 =	sand.u32 $0x1, s1  }
0x8c: {  	s16 =	sshll.u32 s0, $0xA;
	s2 =	sadd.s32 s3, s2  }
0x8d: {  	s2 =	sadd.s32 s2, s16  }
0x8e: {  	[smem:$0x3FC0] =	sst s2  }
0x8f: {  	_ = 	snop  }
0x90: {  	(tm) =	ssettm $0x1  }
0x91: {  	s17 =	sld [smem:$0x3FFB];
	_ =	sdelay $0x3  }
0x92: {  	_ =	strace s17  }
0x93: {  	s2 =	sld [smem:$0x3FFC];
	_ =	sdelay $0x3  }
0x94: {  	_ =	strace s2  }
0x95: {  	s2 =	sld [smem:$0x3FFD];
	_ =	sdelay $0x3  }
0x96: {  	_ =	strace s2  }
0x97: {  	_ =	strace $0x8FFFFFFF  }
0x98: {  	s18 =	sld [smem:$0x3FDB];
	_ =	sdelay $0x1  }
0x99: {  	s19 =	simm.s32 $_scs_section_size  }
0x9a: {  	s4 =	simm.s32 $_size__tile_overlayer_lowered;
	s5 =	simm.s32 $_tile_overlayer_lowered  }
0x9b: {  	s22 =	simm.s32 $0x1BFF;
	s21 =	sshll.u32 s5, $0x1;
	s2 =	sadd.s32 s19, s18  }
0x9c: {  	s6 =	simm.s32 $0x0;
	s20 =	sshll.u32 s4, $0x1;
	s4 =	sadd.s32 s21, s2  }
0x9d: {  	[timem:s6], [sflag:s22] =	dma.local [hbm:s4], s20  }
0x9e: {  	_ =	swait.ge [sflag:s22], s20  }
0x9f: {  	s3 =	ssub.s32 $0x0, s20;
	[sflag:s22] =	ssyncset.done $0x0  }
0xa0: {  	[sflag:s22] =	ssyncadd.s32 s3;
	_ =	sdelay $0x1  }
0xa1: {  	s23 =	simm.s32 $0x1B8B  }
0xa2: {  	_ =	swait.ge [sflag:s23], $0x1  }
0xa3: {  	[sflag:s23] =	ssyncset.done $0x0  }
0xa4: {  	s25 =	simm.s32 $0x1B8E;
	s24 =	sld [smem:$0x3FFE];
	[sflag:s23] =	ssyncadd.s32 $0xFFFFFFFF  }
0xa5: {  	s26 =	simm.s32 $execute0_lowered;
	[smem:$0x3FD2] =	sst s25  }
0xa6: {  	s4 =	sshll.u32 s26, $0x1;
	_ =	strace $0x8000004C;
	[dreg:$0x1] =	wrdreg $0xFFFFFFFF  }
0xa7: {  	s28 =	simm.s32 $_size_execute0_lowered;
	s2 =	sadd.s32 s2, s4;
	[dreg:$0x0] =	wrdreg $0x0  }
0xa8: {  	s4 =	sshll.u32 s28, $0x1;
	[dreg:$0x2] =	wrdreg s2  }
0xa9: {  	[dreg:$0x3] =	wrdreg s4  }
0xaa: {  	[dreg:$0x4] =	wrdreg $0xC0  }
0xab: {  	_ =	task [dreg:s6], $0x5FFFF  }
0xac: {  	[dreg:$0x1] =	wrdreg $0xFFFFFFFF  }
0xad: {  	[dreg:$0x0] =	wrdreg $0x60  }
0xae: {  	[dreg:$0x2] =	wrdreg s24  }
0xaf: {  	[dreg:$0x3] =	wrdreg $0xA9600  }
0xb0: {  	[dreg:$0x4] =	wrdreg $0x9  }
0xb1: {  	_ =	task.clear_ibuf [dreg:s6], $0x5FFFF;
	_ =	strace $0x9000004C  }
0xb2: {  	s29 =	simm.s32 $0x9;
	_ =	strace $0x8000004E  }
0xb3: {  	_ =	swait.ge [sflag:s29], $0x1  }
0xb4: {  	[sflag:s29] =	ssyncadd.s32 $0xFFFFFFFF  }
0xb5: {  	_ =	strace $0x9000004E  }
0xb6: {  	_ =	sfence  }
0xb7: {  	s30 =	sld [smem:$0x0];
	_ =	sdelay $0x2  }
0xb8: {  	s31 =	sshll.u32 s1, $0xD;
	s1 =	sshrl.u32 s1, $0x2  }
0xb9: {  	s3 =	sand.u32 $0x4000, s31;
	s1 =	sadd.s32 s1, s30  }
0xba: {  	s0 =	sor.u32 s3, s0;
	s1 =	sshll.u32 s1, $0x11  }
0xbb: {  	s0 =	sor.u32 s1, s0  }
0xbc: {  	s0 =	sadd.s32 $0x8F2B, s0  }
0xbd: {  	[sflag:s0] =	ssyncadd.remote.s32 $0x1  }
0xbe: {  	_ =	sfence.sel $0xFFFF  }
0xbf: {  	[dreg:$0x0] =	wrdreg $0xFFFFFFFF;
	(pc) =	sbr.abs _section_cstart, $3  }
0xc0: {  	[dreg:$0x1] =	wrdreg $0xFFFFFFFF  }
0xc1: {  	_ =	task.clear_ibuf [dreg:s6], $0x2FFFF;
	_ =	strace $0x9FFFFFFF  }
0xc2: {  	(tm) =	ssettm $0x7FFFFFFF  }
0xc3: {  	_ =	shalt  }
tec
execute0_lowered:
.L_overlay_start_1:
0x0: {  	(tag) =	ssettag $0x1  }
0x1: {  	s0 =	rddreg [dreg:$0x0]  }
0x2: {  	s2 =	rddreg [dreg:$0x1]  }
0x3: {  	s3 =	srdreg.scid;
	s1 =	stileid.u32;
	s15 =	simm.s32 $0x2710  }
0x4: {  	s16 =	simm.s32 $0x8A20;
	s17 =	simm.s32 $0x50;
	s18 =	simm.s32 $0x4E20  }
0x5: {  	s19 =	simm.s32 $0x6220;
	s20 =	simm.s32 $0x1;
	s21 =	simm.s32 $0x6  }
0x6: {  	s22 =	simm.s32 $0x7620;
	s23 =	simm.s32 $0x2;
	s24 =	simm.s32 $0x4  }
0x7: {  	s26 =	simm.s32 $0x3;
	s28 =	simm.s32 $0x5;
	s29 =	simm.s32 $0x4D80  }
0x8: {  	s30 =	simm.s32 $0x4DD0;
	s5 =	sand.u32 $0x1, s3;
	s13 =	smul.u32 $0xFA00, s1  }
0x9: {  	s3 =	simm.s32 $0x0;
	s4 =	sshll.u32 s1, $0x1;
	s8 =	smul.u32 $0x27100, s1  }
0xa: {  	p0 =	sgt.u32 s1, $0x9;
	s6 =	smul.u32 $0x9C400, s5;
	[smem:$0x7FF] =	sst s3  }
0xb: {  	s7 =	sor.u32 s5, s4;
	s4 =	sadd.s32 $0x15E00, s0;
	s5 =	ssub.s32 $0x2, s5  }
0xc: {  	_ =	strace $0x8000004D;
	s7 =	smul.u32 $0x4E2, s7;
	s6 =	sadd.s32 s13, s6  }
0xd: {  	s9 =	sshrl.u32 s5, $0x1;
	s8 =	sshrl.u32 s8, $0x2;
	s6 =	sshrl.u32 s6, $0x3  }
0xe: {  	s14 =	ssub.s32 s5, s9;
	s7 =	sadd.s32 s7, s0;
	s0 =	sadd.s32 s6, s0  }
0xf: {  	s5 =	sadd.s32 $0x2200, s7;
	s6 =	sadd.s32 $0xC000, s7;
	s7 =	sadd.s32 s8, s2  }
0x10: {  	s8 =	sadd.s32 $0x1F40, s7;
	s9 =	sadd.s32 $0x3E80, s7;
	s10 =	sadd.s32 $0x5DC0, s7  }
0x11: {  	s11 =	sadd.s32 $0x7D00, s7;
	s12 =	sadd.s32 $0x29800, s0;
	s0 =	sadd.s32 s13, s2  }
0x12: {  	v0 =	vimm.f32 $0.0e+00;
	s13 =	smax.u32 s14, $0x1;
	s14 =	simm.s32 $0x7;
	s25 =	sshrl.u32 @!p0 s0, $0x3  }
.LBB2_1:
0x13: {  	s0 =	simm.s32 $0x100;
	s31 =	simm.s32 $0x0  }
.LBB2_2:
0x14: {  	p1 =	sne.s32 s0, $0x7C00;
	[tilespmem:s31+$0x8A50] =	vst v0;
	s1 =	smov.u32 s0;
	s0 =	sadd.s32 $0x100, s0  }
.Ltmp0:
0x15: {  	[tilespmem:s31+$0x8A40] =	vst v0;
	(pc) =	sbr.rel @p1 .LBB2_2-.Ltmp0, $3  }
0x16: {  	[tilespmem:s31+$0x8A20] =	vst v0  }
0x17: {  	[tilespmem:s31+$0x8A30] =	vst v0;
	_ =	sdelay $0x1  }
0x18: {  	s31 =	sshra.s32 s1, $0x2  }
0x19: {  	[tilespmem:s31+$0x8A50] =	vst v0  }
0x1a: {  	[tilespmem:s31+$0x8A40] =	vst v0  }
0x1b: {  	[tilespmem:s31+$0x8A20] =	vst v0  }
0x1c: {  	[tilespmem:s31+$0x8A30] =	vst v0;
	s0 =	simm.s32 $0x0  }
0x1d: {  	[tilespmem:s0], [sflag:$0x7] =	stream.linear.gather [hbm4b:s5+s0], $0x2710, $0x38;
	[tilespmem:$0x145A0] =	vst v63  }
0x1e: {  	_ =	swait.ge [sflag:s14], $0x2710  }
0x1f: {  	[sflag:s14] =	ssyncset.done $0x0  }
0x20: {  	[sflag:s14] =	ssyncadd.s32 $0xFFFFD8F0  }
0x21: {  	[tilespmem:s15], [sflag:$0x7] =	stream.linear.gather [hbm4b:s6+s0], $0x2710, $0x38;
	[tilespmem:$0x145A0] =	vst v63  }
0x22: {  	_ =	swait.ge [sflag:s14], $0x2710  }
0x23: {  	[sflag:s14] =	ssyncset.done $0x0  }
0x24: {  	[sflag:s14] =	ssyncadd.s32 $0xFFFFD8F0  }
0x25: {  	[spmem:s7] =	stream.linear.scatter [tilespmem:s16], [sflag:$0x7], $0x1F40, $0x38;
	[tilespmem:$0x145A0] =	vst v63  }
0x26: {  	_ =	swait.ge [sflag:s14], $0x1F40  }
0x27: {  	[sflag:s14] =	ssyncset.done $0x0  }
0x28: {  	[sflag:s14] =	ssyncadd.s32 $0xFFFFE0C0  }
0x29: {  	[spmem:s8] =	stream.linear.scatter [tilespmem:s16], [sflag:$0x7], $0x1F40, $0x38;
	[tilespmem:$0x145A0] =	vst v63  }
0x2a: {  	_ =	swait.ge [sflag:s14], $0x1F40  }
0x2b: {  	[sflag:s14] =	ssyncset.done $0x0  }
0x2c: {  	[sflag:s14] =	ssyncadd.s32 $0xFFFFE0C0  }
0x2d: {  	[spmem:s9] =	stream.linear.scatter [tilespmem:s16], [sflag:$0x7], $0x1F40, $0x38;
	[tilespmem:$0x145A0] =	vst v63  }
0x2e: {  	_ =	swait.ge [sflag:s14], $0x1F40  }
0x2f: {  	[sflag:s14] =	ssyncset.done $0x0  }
0x30: {  	[sflag:s14] =	ssyncadd.s32 $0xFFFFE0C0  }
0x31: {  	[spmem:s10] =	stream.linear.scatter [tilespmem:s16], [sflag:$0x7], $0x1F40, $0x38;
	[tilespmem:$0x145A0] =	vst v63  }
0x32: {  	_ =	swait.ge [sflag:s14], $0x1F40  }
0x33: {  	[sflag:s14] =	ssyncset.done $0x0  }
0x34: {  	[sflag:s14] =	ssyncadd.s32 $0xFFFFE0C0  }
0x35: {  	[spmem:s11] =	stream.linear.scatter [tilespmem:s16], [sflag:$0x7], $0x1F40, $0x38;
	[tilespmem:$0x145A0] =	vst v63  }
0x36: {  	_ =	swait.ge [sflag:s14], $0x1F40  }
0x37: {  	[sflag:s14] =	ssyncset.done $0x0  }
0x38: {  	[sflag:s14] =	ssyncadd.s32 $0xFFFFE0C0  }
0x39: {  	[bflag:$0x0] =	sbarrier.arrive $0xFFFF  }
0x3a: {  	[tilespmem:s18], [sflag:$0x1] =	stream.indirect.gather [hbm4b:s4+s17], $0x40, s0, s17, $0xb8;
	[tilespmem:$0x145A0] =	vst v63  }
0x3b: {  	_ = 	snop  }
0x3c: {  	[tilespmem:s19], [sflag:$0x2] =	stream.indirect.gather [hbm4b:s4+s17], $0x40, s17, s17, $0xb8;
	[tilespmem:$0x145A0] =	vst v63  }
0x3d: {  	_ = 	snop  }
0x3e: {  	[spmem:s2] =	stream.indirect.scatter.add.f32 [tilespmem:s16], [sflag:$0x6], $0x40, s15, s17, $0xb8;
	[tilespmem:$0x145A0] =	vst v63  }
0x3f: {  	_ =	swait.ge [sflag:s20], $0x1400  }
0x40: {  	[sflag:s20] =	ssyncset.done $0x0  }
0x41: {  	s1 =	simm.s32 $0x2710;
	[sflag:s20] =	ssyncadd.s32 $0xFFFFEC00  }
0x42: {  	[spmem:s2] =	stream.indirect.scatter.add.f32 [tilespmem:s18], [sflag:$0x4], $0x40, s1, s17, $0xb8;
	[tilespmem:$0x145A0] =	vst v63  }
0x43: {  	_ =	swait.ge [sflag:s21], $0x1400  }
0x44: {  	[sflag:s21] =	ssyncset.done $0x0  }
0x45: {  	s1 =	simm.s32 $0xA0;
	[sflag:s21] =	ssyncadd.s32 $0xFFFFEC00  }
0x46: {  	[tilespmem:s22], [sflag:$0x3] =	stream.indirect.gather [hbm4b:s4+s17], $0x40, s1, s17, $0xb8;
	[tilespmem:$0x145A0] =	vst v63  }
0x47: {  	_ =	swait.ge [sflag:s23], $0x1400  }
0x48: {  	[sflag:s23] =	ssyncset.done $0x0  }
0x49: {  	s1 =	simm.s32 $0x2760;
	[sflag:s23] =	ssyncadd.s32 $0xFFFFEC00  }
0x4a: {  	[spmem:s2] =	stream.indirect.scatter.add.f32 [tilespmem:s19], [sflag:$0x5], $0x40, s1, s17, $0xb8;
	[tilespmem:$0x145A0] =	vst v63  }
0x4b: {  	_ =	swait.ge [sflag:s24], $0x1400  }
0x4c: {  	[sflag:s24] =	ssyncset.done $0x0  }
0x4d: {  	s1 =	simm.s32 $0xF0;
	[sflag:s24] =	ssyncadd.s32 $0xFFFFEC00  }
0x4e: {  	[tilespmem:s18], [sflag:$0x1] =	stream.indirect.gather [hbm4b:s4+s17], $0x40, s1, s17, $0xb8;
	[tilespmem:$0x145A0] =	vst v63  }
0x4f: {  	_ =	swait.ge [sflag:s26], $0x1400  }
0x50: {  	[sflag:s26] =	ssyncset.done $0x0  }
0x51: {  	s1 =	simm.s32 $0x27B0;
	[sflag:s26] =	ssyncadd.s32 $0xFFFFEC00  }
0x52: {  	[spmem:s2] =	stream.indirect.scatter.add.f32 [tilespmem:s22], [sflag:$0x6], $0x40, s1, s17, $0xb8;
	[tilespmem:$0x145A0] =	vst v63  }
0x53: {  	_ =	swait.ge [sflag:s28], $0x1400  }
0x54: {  	[sflag:s28] =	ssyncset.done $0x0  }
0x55: {  	s31 =	simm.s32 $0x3C0;
	s0 =	simm.s32 $0x140;
	[sflag:s28] =	ssyncadd.s32 $0xFFFFEC00  }
.LBB2_4:
0x56: {  	[tilespmem:s19], [sflag:$0x2] =	stream.indirect.gather [hbm4b:s4+s17], $0x40, s0, s17, $0xb8;
	[tilespmem:$0x145A0] =	vst v63  }
0x57: {  	s0 =	smov.u32 s31  }
0x58: {  	p1 =	sne.s32 s31, $0x9600;
	s31 =	sadd.s32 $0x3C0, s31;
	_ =	swait.ge [sflag:s20], $0x1400  }
0x59: {  	s0 =	sshra.s32 s0, $0x2;
	[sflag:s20] =	ssyncset.done $0x0  }
0x5a: {  	s1 =	sadd.s32 $0x2710, s0;
	[sflag:s20] =	ssyncadd.s32 $0xFFFFEC00  }
0x5b: {  	[spmem:s2] =	stream.indirect.scatter.add.f32 [tilespmem:s18], [sflag:$0x4], $0x40, s1, s17, $0xb8;
	[tilespmem:$0x145A0] =	vst v63  }
0x5c: {  	_ =	swait.ge [sflag:s21], $0x1400  }
0x5d: {  	[sflag:s21] =	ssyncset.done $0x0  }
0x5e: {  	s1 =	sadd.s32 $0xA0, s0;
	[sflag:s21] =	ssyncadd.s32 $0xFFFFEC00  }
0x5f: {  	[tilespmem:s22], [sflag:$0x3] =	stream.indirect.gather [hbm4b:s4+s17], $0x40, s1, s17, $0xb8;
	[tilespmem:$0x145A0] =	vst v63  }
0x60: {  	_ =	swait.ge [sflag:s23], $0x1400  }
0x61: {  	[sflag:s23] =	ssyncset.done $0x0  }
0x62: {  	s1 =	sadd.s32 $0x2760, s0;
	[sflag:s23] =	ssyncadd.s32 $0xFFFFEC00  }
0x63: {  	[spmem:s2] =	stream.indirect.scatter.add.f32 [tilespmem:s19], [sflag:$0x5], $0x40, s1, s17, $0xb8;
	[tilespmem:$0x145A0] =	vst v63  }
0x64: {  	_ =	swait.ge [sflag:s24], $0x1400  }
0x65: {  	[sflag:s24] =	ssyncset.done $0x0  }
0x66: {  	s1 =	sadd.s32 $0xF0, s0;
	[sflag:s24] =	ssyncadd.s32 $0xFFFFEC00  }
0x67: {  	[tilespmem:s18], [sflag:$0x1] =	stream.indirect.gather [hbm4b:s4+s17], $0x40, s1, s17, $0xb8;
	[tilespmem:$0x145A0] =	vst v63  }
0x68: {  	_ =	swait.ge [sflag:s26], $0x1400  }
0x69: {  	[sflag:s26] =	ssyncset.done $0x0  }
.Ltmp1:
0x6a: {  	s1 =	sadd.s32 $0x27B0, s0;
	[sflag:s26] =	ssyncadd.s32 $0xFFFFEC00;
	(pc) =	sbr.rel @p1 .LBB2_4-.Ltmp1, $4  }
0x6b: {  	[spmem:s2] =	stream.indirect.scatter.add.f32 [tilespmem:s22], [sflag:$0x6], $0x40, s1, s17, $0xb8;
	[tilespmem:$0x145A0] =	vst v63  }
0x6c: {  	_ =	swait.ge [sflag:s28], $0x1400  }
0x6d: {  	[sflag:s28] =	ssyncset.done $0x0  }
0x6e: {  	s0 =	sadd.s32 $0x140, s0;
	[sflag:s28] =	ssyncadd.s32 $0xFFFFEC00  }
0x6f: {  	[tilespmem:s19], [sflag:$0x2] =	stream.indirect.gather [hbm4b:s4+s17], $0x40, s0, s17, $0xb8;
	[tilespmem:$0x145A0] =	vst v63  }
0x70: {  	_ =	swait.ge [sflag:s20], $0x1400  }
0x71: {  	[sflag:s20] =	ssyncset.done $0x0  }
0x72: {  	[sflag:s20] =	ssyncadd.s32 $0xFFFFEC00  }
0x73: {  	[spmem:s2] =	stream.indirect.scatter.add.f32 [tilespmem:s18], [sflag:$0x4], $0x40, s29, s17, $0xb8;
	[tilespmem:$0x145A0] =	vst v63  }
0x74: {  	_ =	swait.ge [sflag:s21], $0x1400  }
0x75: {  	[sflag:s21] =	ssyncset.done $0x0  }
0x76: {  	[sflag:s21] =	ssyncadd.s32 $0xFFFFEC00  }
0x77: {  	_ =	swait.ge [sflag:s23], $0x1400  }
0x78: {  	[sflag:s23] =	ssyncset.done $0x0  }
0x79: {  	[sflag:s23] =	ssyncadd.s32 $0xFFFFEC00  }
0x7a: {  	[spmem:s2] =	stream.indirect.scatter.add.f32 [tilespmem:s19], [sflag:$0x5], $0x40, s30, s17, $0xb8;
	[tilespmem:$0x145A0] =	vst v63  }
0x7b: {  	_ =	swait.ge [sflag:s24], $0x1400  }
0x7c: {  	[sflag:s24] =	ssyncset.done $0x0  }
0x7d: {  	[sflag:s24] =	ssyncadd.s32 $0xFFFFEC00  }
0x7e: {  	_ =	swait.ge [sflag:s28], $0x1400  }
0x7f: {  	s0 =	stileid.u32;
	[sflag:s28] =	ssyncset.done $0x0  }
0x80: {  	s0 =	sshll.u32 @!p0 s0, $0x6;
	[sflag:s28] =	ssyncadd.s32 $0xFFFFEC00  }
0x81: {  	s3 =	sadd.s32 $0x1, s3;
	s0 =	sor.u32 @!p0 $0x1C07, s0;
	[bflag:$0x0] =	sbarrier.arrive $0xFFFF  }
0x82: {  	[hbm:s12], [sflag:s0] =	dma.local @!p0 [spmem:s25], $0x1F40  }
0x83: {  	p1 =	sne.s32 s3, s13;
	s0 =	simm.s32 @!p0 $0x7  }
.Ltmp2:
0x84: {  	_ =	swait.ge @!p0 [sflag:s0], $0x1F40;
	(pc) =	sbr.rel @p1 .LBB2_1-.Ltmp2, $3  }
0x85: {  	[sflag:s0] =	ssyncset.done @!p0 $0x0  }
0x86: {  	[sflag:s0] =	ssyncadd.s32 @!p0 $0xFFFFE0C0  }
0x87: {  	[bflag:$0x0] =	sbarrier.arrive $0xFFFF;
	_ =	sdelay $0x1  }
0x88: {  	_ =	sfence.sel $0x180000  }
0x89: {  	[bflag:$0x0] =	sbarrier.arrive $0xFFFF  }
0x8a: {  	_ =	strace $0x9000004D  }
0x8b: {  	s0 =	stileid.u32;
	[bflag:$0x2] =	sbarrier.arrive $0xFFFF  }
0x8c: {  	p0 =	sne.s32 s0, $0x0;
	s0 =	rddreg [dreg:$0x2]  }
0x8d: {  	s0 =	sadd.s32 @!p0 $0x100000, s0  }
0x8e: {  	[sflag:s0] =	ssyncadd.tile.s32 @!p0 $0x1;
	_ =	shalt  }
.Lfunc_end2:
_tile_overlayer_lowered:
.L_overlay_start_2:
0x8f: {  	(tag) =	ssettag $0x2  }
0x90: {  	s0 =	rddreg [dreg:$0x0];
	s2 =	stileid.u32  }
0x91: {  	s1 =	rddreg [dreg:$0x1];
	p0 =	sne.s32 s2, $0x0  }
0x92: {  	s3 =	rddreg [dreg:$0x2];
	[bflag:$0x3] =	sbarrier.arrive $0xFFFF;
	s2 =	simm.s32 @!p0 $0x1C07  }
0x93: {  	[timem:s3], [sflag:s2] =	dma.local @!p0 [hbm:s0], s1  }
0x94: {  	s0 =	simm.s32 @!p0 $0x7  }
0x95: {  	_ =	swait.ge @!p0 [sflag:s0], s1  }
0x96: {  	s1 =	ssub.s32 @!p0 $0x0, s1;
	[sflag:s0] =	ssyncset.done @!p0 $0x0  }
0x97: {  	[sflag:s0] =	ssyncadd.s32 @!p0 s1  }
0x98: {  	[bflag:$0x3] =	sbarrier.arrive $0xFFFF  }
0x99: {  	_ =	shalt  }

// kernel: kernel.8.cloned.1.call-start
scs
__scs_entry_jumppad:
0x0: {  	(pc) =	sbr.rel $0x88, $3  }
0x1: {  	(tag) =	ssettag $0x0;
	lr =	simm.s32 $0x1  }
0x2: {  	[smem:$0x3F99] =	sst lr;
	_ =	strace $0xD0000000  }
0x3: {  	_ = 	snop  }
0x4: {  	_ = 	snop  }
0x5: {  	_ = 	snop  }
0x6: {  	_ = 	snop  }
0x7: {  	_ = 	snop  }
__scs_overlays_trampoline_lowered:
0x8: {  	[smem:$0x3FA8] =	sst s0  }
0x9: {  	[smem:$0x3FA9] =	sst s1  }
0xa: {  	[smem:$0x3FAA] =	sst s2  }
0xb: {  	[smem:$0x3FAB] =	sst s3  }
0xc: {  	[smem:$0x3FAC] =	sst s4  }
0xd: {  	[smem:$0x3FAD] =	sst s5  }
0xe: {  	[smem:$0x3FAE] =	sst s6  }
0xf: {  	[smem:$0x3FAF] =	sst s7  }
0x10: {  	[smem:$0x3FB0] =	sst s8  }
0x11: {  	[smem:$0x3FB1] =	sst s9;
	s0 =	simm.s32 @!p0 $0x0  }
0x12: {  	s1 =	sld [smem:$0x3F97];
	s0 =	simm.s32 @p0 $0x1  }
0x13: {  	[smem:$0x3FB2] =	sst s0;
	s0 =	simm.s32 @!p1 $0x0  }
0x14: {  	s2 =	sld [smem:$0x3F96];
	s0 =	simm.s32 @p1 $0x1  }
0x15: {  	[smem:$0x3FB3] =	sst s0;
	s0 =	simm.s32 @!p2 $0x0  }
0x16: {  	s3 =	sld [smem:$0x3FDB];
	s0 =	simm.s32 @p2 $0x1  }
0x17: {  	s4 =	simm.s32 $0x1BF5;
	[smem:$0x3FB5] =	sst s0  }
0x18: {  	s0 =	sld [smem:$0x3F98];
	_ =	swait.ge [sflag:s4], $0x0  }
0x19: {  	s7 =	sld [smem:$0x3F99]  }
0x1a: {  	s8 =	sadd.s32 $0xFFFFE003, lr  }
0x1b: {  	s9 =	sadd.s32 $0xFFFFFEF7, lr;
	s5 =	simm.s32 $0xFFFFFFFF;
	p2 =	slt.u32 s8, $0xFFFFF086  }
0x1c: {  	p1 =	slt.u32 s9, $0xF7A;
	s5 =	simm.s32 @!p2 $0x0  }
0x1d: {  	s5 =	simm.s32 @p1 $0x1;
	p0 =	seq.s32 s7, s2  }
0x1e: {  	s7 =	smul.u32 @!p0 $0xF7A, s2;
	p2 =	seq.s32 @!p0 s5, $0x0  }
0x1f: {  	s9 =	smul.u32 $0xF7A, s1;
	s8 =	simm.s32 @!p0 $0x1BF5;
	p2 =	por !p2, p0  }
0x20: {  	[sflag:s8] =	ssyncset.s32 @!p0 $0xFFFFF086;
	s6 =	sadd.s32 @!p0 s3, s7;
	s7 =	simm.s32 @!p0 $0x108  }
0x21: {  	s3 =	sadd.s32 s3, s9;
	s6 =	sadd.s32 @!p0 $0x88, s6;
	s7 =	simm.s32 @p2 $0x1082  }
0x22: {  	[simem:s7], [sflag:s8] =	dma.local @!p0 [hbm:s6], $0xF7A  }
0x23: {  	s9 =	sor.u32 $0xD0000000, s2;
	s6 =	simm.s32 $0x108;
	_ =	swait.ge @!p0 [sflag:s8], $0x0  }
0x24: {  	s3 =	sadd.s32 $0x88, s3;
	s6 =	simm.s32 @!p1 $0x1082;
	[sflag:s4] =	ssyncset.s32 $0xFFFFF086  }
0x25: {  	[simem:s6], [sflag:s4] =	dma.local [hbm:s3], $0xF7A  }
0x26: {  	[smem:$0x3F99] =	sst s1;
	(tag) =	ssettag s2;
	_ =	strace s9  }
0x27: {  	s1 =	sld [smem:$0x3FA9]  }
0x28: {  	s2 =	sld [smem:$0x3FAA]  }
0x29: {  	s4 =	sld [smem:$0x3FAC]  }
0x2a: {  	p0 =	seq.s32 s5, $0x0;
	s5 =	sld [smem:$0x3FAD]  }
0x2b: {  	s6 =	sld [smem:$0x3FAE]  }
0x2c: {  	s7 =	sld [smem:$0x3FAF]  }
0x2d: {  	s3 =	simm.s32 $0x108;
	s8 =	sld [smem:$0x3FB0]  }
0x2e: {  	s3 =	simm.s32 @!p0 $0x1082;
	s9 =	sld [smem:$0x3FB1]  }
0x2f: {  	lr =	sadd.s32 s0, s3;
	s0 =	sld [smem:$0x3FA8]  }
0x30: {  	s3 =	sld [smem:$0x3FAB]  }
0x31: {  	[smem:$0x3FB4] =	sst s10  }
0x32: {  	s10 =	sld [smem:$0x3FB2];
	_ =	sdelay $0x3  }
0x33: {  	p0 =	seq.s32 s10, $0x1;
	s10 =	sld [smem:$0x3FB4];
	_ =	sdelay $0x3  }
0x34: {  	[smem:$0x3FB4] =	sst s10  }
0x35: {  	s10 =	sld [smem:$0x3FB3];
	_ =	sdelay $0x3  }
0x36: {  	p1 =	seq.s32 s10, $0x1;
	s10 =	sld [smem:$0x3FB4];
	_ =	sdelay $0x3  }
0x37: {  	[smem:$0x3FB4] =	sst s10  }
0x38: {  	s10 =	sld [smem:$0x3FB5]  }
0x39: {  	_ = 	snop;
	(pc) =	sbr.ind lr, $3  }
0x3a: {  	_ = 	snop  }
0x3b: {  	_ = 	snop  }
0x3c: {  	p2 =	seq.s32 s10, $0x1;
	s10 =	sld [smem:$0x3FB4]  }
0x3d: {  	_ =	shalt  }
0x3e: {  	_ =	shalt  }
0x3f: {  	_ =	shalt  }
0x40: {  	_ =	shalt  }
0x41: {  	_ =	shalt  }
0x42: {  	_ =	shalt  }
0x43: {  	_ =	shalt  }
0x44: {  	_ =	shalt  }
0x45: {  	_ =	shalt  }
0x46: {  	_ =	shalt  }
0x47: {  	_ =	shalt  }
0x48: {  	_ =	shalt  }
0x49: {  	_ =	shalt  }
0x4a: {  	_ =	shalt  }
0x4b: {  	_ =	shalt  }
0x4c: {  	_ =	shalt  }
0x4d: {  	_ =	shalt  }
0x4e: {  	_ =	shalt  }
0x4f: {  	_ =	shalt  }
0x50: {  	_ =	shalt  }
0x51: {  	_ =	shalt  }
0x52: {  	_ =	shalt  }
0x53: {  	_ =	shalt  }
0x54: {  	_ =	shalt  }
0x55: {  	_ =	shalt  }
0x56: {  	_ =	shalt  }
0x57: {  	_ =	shalt  }
0x58: {  	_ =	shalt  }
0x59: {  	_ =	shalt  }
0x5a: {  	_ =	shalt  }
0x5b: {  	_ =	shalt  }
0x5c: {  	_ =	shalt  }
0x5d: {  	_ =	shalt  }
0x5e: {  	_ =	shalt  }
0x5f: {  	_ =	shalt  }
0x60: {  	_ =	shalt  }
0x61: {  	_ =	shalt  }
0x62: {  	_ =	shalt  }
0x63: {  	_ =	shalt  }
0x64: {  	_ =	shalt  }
0x65: {  	_ =	shalt  }
0x66: {  	_ =	shalt  }
0x67: {  	_ =	shalt  }
0x68: {  	_ =	shalt  }
0x69: {  	_ =	shalt  }
0x6a: {  	_ =	shalt  }
0x6b: {  	_ =	shalt  }
0x6c: {  	_ =	shalt  }
0x6d: {  	_ =	shalt  }
0x6e: {  	_ =	shalt  }
0x6f: {  	_ =	shalt  }
0x70: {  	_ =	shalt  }
0x71: {  	_ =	shalt  }
0x72: {  	_ =	shalt  }
0x73: {  	_ =	shalt  }
0x74: {  	_ =	shalt  }
0x75: {  	_ =	shalt  }
0x76: {  	_ =	shalt  }
0x77: {  	_ =	shalt  }
0x78: {  	_ =	shalt  }
0x79: {  	_ =	shalt  }
0x7a: {  	_ =	shalt  }
0x7b: {  	_ =	shalt  }
0x7c: {  	_ =	shalt  }
0x7d: {  	_ =	shalt  }
0x7e: {  	_ =	shalt  }
0x7f: {  	_ =	shalt  }
0x80: {  	_ =	shalt  }
0x81: {  	_ =	shalt  }
0x82: {  	_ =	shalt  }
0x83: {  	_ =	shalt  }
0x84: {  	_ =	shalt  }
0x85: {  	_ =	shalt  }
0x86: {  	_ =	shalt  }
0x87: {  	_ =	shalt  }
.Lfunc_end0:
.L_simem_size_0:
called_computation_lowered:
.L_overlay_start_0:
0x88: {  	s2 =	sld [smem:$0x3FD9]  }
0x89: {  	s3 =	sld [smem:$0x3FFE];
	_ =	sdelay $0x1  }
0x8a: {  	s1 =	srdreg.scid  }
0x8b: {  	s0 =	sand.u32 $0x1, s1  }
0x8c: {  	s17 =	sshll.u32 s0, $0xA;
	s2 =	sadd.s32 s3, s2  }
0x8d: {  	s2 =	sadd.s32 s2, s17  }
0x8e: {  	[smem:$0x3FC0] =	sst s2  }
0x8f: {  	_ = 	snop  }
0x90: {  	s2 =	sld [smem:$0x3FD0];
	(tm) =	ssettm $0x1  }
0x91: {  	s18 =	sld [smem:$0x3FFB];
	_ =	sdelay $0x3  }
0x92: {  	_ =	strace s18  }
0x93: {  	s3 =	sld [smem:$0x3FFC];
	_ =	sdelay $0x3  }
0x94: {  	_ =	strace s3  }
0x95: {  	s3 =	sld [smem:$0x3FFD];
	_ =	sdelay $0x3  }
0x96: {  	_ =	strace s3  }
0x97: {  	_ =	strace $0x8FFFFFFF  }
0x98: {  	s19 =	sld [smem:$0x3FDB];
	_ =	sdelay $0x1  }
0x99: {  	s4 =	simm.s32 $_scs_section_size  }
0x9a: {  	s5 =	simm.s32 $_size__tile_overlayer_lowered;
	s6 =	simm.s32 $_tile_overlayer_lowered  }
0x9b: {  	s22 =	simm.s32 $0x1BFF;
	s21 =	sshll.u32 s6, $0x1;
	s3 =	sadd.s32 s4, s19  }
0x9c: {  	s7 =	simm.s32 $0x0;
	s20 =	sshll.u32 s5, $0x1;
	s5 =	sadd.s32 s21, s3  }
0x9d: {  	[timem:s7], [sflag:s22] =	dma.local [hbm:s5], s20  }
0x9e: {  	_ =	swait.ge [sflag:s22], s20  }
0x9f: {  	s4 =	ssub.s32 $0x0, s20;
	[sflag:s22] =	ssyncset.done $0x0  }
0xa0: {  	[sflag:s22] =	ssyncadd.s32 s4;
	_ =	sdelay $0x1  }
0xa1: {  	s23 =	simm.s32 $0x1B8B  }
0xa2: {  	_ =	swait.ge [sflag:s23], $0x1  }
0xa3: {  	[sflag:s23] =	ssyncset.done $0x0  }
0xa4: {  	s25 =	simm.s32 $0x1B8E;
	s24 =	sld [smem:$0x3FFE];
	[sflag:s23] =	ssyncadd.s32 $0xFFFFFFFF  }
0xa5: {  	s26 =	simm.s32 $execute0_lowered;
	[smem:$0x3FD2] =	sst s25  }
0xa6: {  	s5 =	sshll.u32 s26, $0x1;
	_ =	strace $0x80000046;
	[dreg:$0x1] =	wrdreg $0xFFFFFFFF  }
0xa7: {  	s28 =	simm.s32 $_size_execute0_lowered;
	s3 =	sadd.s32 s3, s5;
	[dreg:$0x0] =	wrdreg $0x0  }
0xa8: {  	s5 =	sshll.u32 s28, $0x1;
	[dreg:$0x2] =	wrdreg s3  }
0xa9: {  	[dreg:$0x3] =	wrdreg s5  }
0xaa: {  	[dreg:$0x4] =	wrdreg $0xC0  }
0xab: {  	_ =	task [dreg:s7], $0x5FFFF  }
0xac: {  	[dreg:$0x1] =	wrdreg $0xFFFFFFFF  }
0xad: {  	[dreg:$0x0] =	wrdreg $0x60  }
0xae: {  	[dreg:$0x2] =	wrdreg s24  }
0xaf: {  	[dreg:$0x3] =	wrdreg s2  }
0xb0: {  	[dreg:$0x4] =	wrdreg $0x29900  }
0xb1: {  	[dreg:$0x5] =	wrdreg $0x9  }
0xb2: {  	_ =	task.clear_ibuf [dreg:s7], $0x6FFFF;
	_ =	strace $0x90000046  }
0xb3: {  	s29 =	simm.s32 $0x9;
	_ =	strace $0x80000048  }
0xb4: {  	_ =	swait.ge [sflag:s29], $0x1  }
0xb5: {  	[sflag:s29] =	ssyncadd.s32 $0xFFFFFFFF  }
0xb6: {  	_ =	strace $0x90000048  }
0xb7: {  	_ =	sfence  }
0xb8: {  	s30 =	sld [smem:$0x0];
	_ =	sdelay $0x2  }
0xb9: {  	s31 =	sshll.u32 s1, $0xD;
	s1 =	sshrl.u32 s1, $0x2  }
0xba: {  	s3 =	sand.u32 $0x4000, s31;
	s1 =	sadd.s32 s1, s30  }
0xbb: {  	s0 =	sor.u32 s3, s0;
	s1 =	sshll.u32 s1, $0x11  }
0xbc: {  	s0 =	sor.u32 s1, s0  }
0xbd: {  	s0 =	sadd.s32 $0x8F2B, s0  }
0xbe: {  	[sflag:s0] =	ssyncadd.remote.s32 $0x1  }
0xbf: {  	_ =	sfence.sel $0xFFFF  }
0xc0: {  	[dreg:$0x0] =	wrdreg $0xFFFFFFFF;
	(pc) =	sbr.abs _section_cstart, $3  }
0xc1: {  	[dreg:$0x1] =	wrdreg $0xFFFFFFFF  }
0xc2: {  	_ =	task.clear_ibuf [dreg:s7], $0x2FFFF;
	_ =	strace $0x9FFFFFFF  }
0xc3: {  	(tm) =	ssettm $0x7FFFFFFF  }
tec
execute0_lowered:
.L_overlay_start_1:
0x0: {  	(tag) =	ssettag $0x1  }
0x1: {  	s1 =	srdreg.scid;
	s5 =	rddreg [dreg:$0x0]  }
0x2: {  	s0 =	stileid.u32;
	s2 =	rddreg [dreg:$0x1]  }
0x3: {  	s3 =	rddreg [dreg:$0x2];
	s4 =	simm.s32 $0x0;
	s13 =	simm.s32 $0x50  }
0x4: {  	s14 =	simm.s32 $0x0;
	s6 =	sand.u32 $0x1, s1;
	s31 =	sshll.u32 s0, $0x1  }
0x5: {  	s8 =	smul.u32 $0x1F40, s0;
	[smem:$0x7FF] =	sst s4;
	p0 =	sgt.u32 s0, $0x9  }
0x6: {  	s1 =	sor.u32 s6, s31;
	s9 =	smul.u32 $0x13880, s6;
	s6 =	ssub.s32 $0x2, s6  }
0x7: {  	s7 =	smul.u32 $0x4E2, s1;
	s1 =	rddreg [dreg:$0x3];
	_ =	strace $0x80000047  }
0x8: {  	s10 =	sshrl.u32 s8, $0x3;
	s11 =	sshrl.u32 s6, $0x1;
	s12 =	sadd.s32 s8, s3  }
0x9: {  	s9 =	sadd.s32 s8, s9;
	s10 =	sadd.s32 s10, s5;
	s11 =	ssub.s32 s6, s11  }
0xa: {  	s12 =	sshrl.u32 @!p0 s12, $0x3;
	s7 =	sadd.s32 s7, s5;
	s9 =	sshrl.u32 s9, $0x3  }
0xb: {  	s8 =	smax.u32 s11, $0x1;
	s11 =	sshll.u32 @!p0 s0, $0x6;
	s9 =	sadd.s32 s9, s5  }
0xc: {  	s5 =	sadd.s32 $0x15E00, s10;
	s6 =	sadd.s32 $0xC000, s7;
	s10 =	simm.s32 $0x1  }
0xd: {  	s11 =	sor.u32 @!p0 $0x1C01, s11;
	s7 =	sadd.s32 $0x18600, s9;
	s9 =	simm.s32 $0x2710  }
.LBB2_1:
0xe: {  	[tilespmem:s9], [sflag:$0x1] =	stream.linear.gather [hbm4b:s2+s4], $0x280, $0x38;
	[tilespmem:$0x2C08] =	vst v63  }
0xf: {  	_ =	swait.ge [sflag:s10], $0x280  }
0x10: {  	[sflag:s10] =	ssyncset.done $0x0  }
0x11: {  	s15 =	simm.s32 @!p0 $0x1;
	[sflag:s10] =	ssyncadd.s32 $0xFFFFFD80  }
0x12: {  	[spmem:s12], [sflag:s11] =	dma.local @!p0 [hbm:s5], $0x3E8  }
0x13: {  	_ =	swait.ge @!p0 [sflag:s15], $0x3E8  }
0x14: {  	[sflag:s15] =	ssyncset.done @!p0 $0x0  }
0x15: {  	[sflag:s15] =	ssyncadd.s32 @!p0 $0xFFFFFC18  }
0x16: {  	[bflag:$0x0] =	sbarrier.arrive $0xFFFF  }
0x17: {  	[tilespmem:s4], [sflag:$0x1] =	stream.linear.gather [hbm4b:s6+s4], $0x2710, $0x38;
	[tilespmem:$0x2C08] =	vst v63  }
0x18: {  	_ =	swait.ge [sflag:s10], $0x2710  }
0x19: {  	[sflag:s10] =	ssyncset.done $0x0  }
0x1a: {  	s31 =	simm.s32 $0x0;
	[sflag:s10] =	ssyncadd.s32 $0xFFFFD8F0  }
0x1b: {  	[spmem:s3] =	stream.indirect.scatter.add.f32 [tilespmem:s9], [sflag:$0x1], $0x1, s31, s13, $0xb8;
	[tilespmem:$0x2C08] =	vst v63  }
0x1c: {  	_ =	swait.ge [sflag:s10], $0x50  }
0x1d: {  	s15 =	simm.s32 $0x140;
	[sflag:s10] =	ssyncset.done $0x0  }
.LBB2_2:
0x1e: {  	s16 =	sshra.s32 s15, $0x2;
	[sflag:s10] =	ssyncadd.s32 $0xFFFFFFB0;
	p1 =	sne.s32 s15, $0x9B00  }
0x1f: {  	[spmem:s3] =	stream.indirect.scatter.add.f32 [tilespmem:s9], [sflag:$0x1], $0x1, s16, s13, $0xb8;
	[tilespmem:$0x2C08] =	vst v63  }
.Ltmp0:
0x20: {  	_ = 	snop;
	(pc) =	sbr.rel @p1 .LBB2_2-.Ltmp0, $4  }
0x21: {  	_ = 	snop  }
0x22: {  	s15 =	sadd.s32 $0x140, s15  }
0x23: {  	_ =	swait.ge [sflag:s10], $0x50  }
0x24: {  	[sflag:s10] =	ssyncset.done $0x0  }
0x25: {  	s14 =	sadd.s32 $0x1, s14  }
0x26: {  	[sflag:s10] =	ssyncadd.s32 $0xFFFFFFB0;
	p1 =	sne.s32 s14, s8  }
.Ltmp1:
0x27: {  	s15 =	simm.s32 @!p0 $0x1;
	[bflag:$0x0] =	sbarrier.arrive $0xFFFF;
	(pc) =	sbr.rel @p1 .LBB2_1-.Ltmp1, $4  }
0x28: {  	[hbm:s7], [sflag:s11] =	dma.local @!p0 [spmem:s12], $0x3E8  }
0x29: {  	_ =	swait.ge @!p0 [sflag:s15], $0x3E8  }
0x2a: {  	[sflag:s15] =	ssyncset.done @!p0 $0x0  }
0x2b: {  	[sflag:s15] =	ssyncadd.s32 @!p0 $0xFFFFFC18  }
0x2c: {  	_ =	sfence.sel $0x180000  }
0x2d: {  	[bflag:$0x0] =	sbarrier.arrive $0xFFFF  }
0x2e: {  	p0 =	sne.s32 s0, $0x0;
	_ =	strace $0x90000047  }
0x2f: {  	s0 =	sadd.s32 @!p0 $0x100000, s1;
	[bflag:$0x2] =	sbarrier.arrive $0xFFFF  }
0x30: {  	[sflag:s0] =	ssyncadd.tile.s32 @!p0 $0x1;
	_ =	shalt  }
.Lfunc_end2:
_tile_overlayer_lowered:
.L_overlay_start_2:
0x31: {  	(tag) =	ssettag $0x2  }
0x32: {  	s0 =	rddreg [dreg:$0x0];
	s2 =	stileid.u32  }
0x33: {  	s1 =	rddreg [dreg:$0x1];
	p0 =	sne.s32 s2, $0x0  }
0x34: {  	s3 =	rddreg [dreg:$0x2];
	[bflag:$0x3] =	sbarrier.arrive $0xFFFF;
	s2 =	simm.s32 @!p0 $0x1C01  }
0x35: {  	[timem:s3], [sflag:s2] =	dma.local @!p0 [hbm:s0], s1  }
0x36: {  	s0 =	simm.s32 @!p0 $0x1  }
0x37: {  	_ =	swait.ge @!p0 [sflag:s0], s1  }
0x38: {  	s1 =	ssub.s32 @!p0 $0x0, s1;
	[sflag:s0] =	ssyncset.done @!p0 $0x0  }
0x39: {  	[sflag:s0] =	ssyncadd.s32 @!p0 s1  }
0x3a: {  	[bflag:$0x3] =	sbarrier.arrive $0xFFFF  }
0x3b: {  	_ =	shalt  }

</sc_bundles>
